<compile_context>
chip_gen: v7x
topology: tpu7x:2x2x1
jax: 0.10.2.dev20260603
libtpu: 0.0.44.dev20260713+nightly
codegen_flags: <defaults>
</compile_context>

<pallas_src>
import jax
import jax.numpy as jnp
from jax import lax
from jax.experimental import pallas as pl
from jax.experimental.pallas import tpu as pltpu
from jax.experimental.pallas import tpu_sc as plsc

B = 32
NPTS = 1024
N = B * NPTS
K = 20
EMB = 1024
OUT = 7
EPS = 1e-5
LANES = 128
BIG_F = 1e9

def _topk_kernel(pos_ref, post_ref, wa_ref, ba_ref, wc_ref, out_idx_ref,
                 a_ref, c_ref, dist_ref):
    b = pl.program_id(0)
    p = pos_ref[0]
    pt = post_ref[0]

    sq_r = jnp.sum(p * p, axis=1, keepdims=True)
    sq_c = jnp.sum(pt * pt, axis=0, keepdims=True)
    pp = jax.lax.dot(p, pt)
    dist_ref[...] = sq_r + sq_c - 2.0 * pp

    a_ref[0] = jax.lax.dot(p, wa_ref[...],
                           precision=jax.lax.Precision.HIGHEST) + ba_ref[...]
    c_ref[0] = jax.lax.dot(p, wc_ref[...],
                           precision=jax.lax.Precision.HIGHEST)

    iota = lax.broadcasted_iota(jnp.int32, (NPTS, NPTS), 1).astype(jnp.float32)
    lane = lax.broadcasted_iota(jnp.int32, (NPTS, LANES), 1)

    def body(k, acc):
        d = dist_ref[...]
        m = jnp.min(d, axis=1, keepdims=True)
        loc = jnp.where(d == m, iota, jnp.float32(BIG_F))
        idx = jnp.min(loc, axis=1, keepdims=True)
        oh = iota == idx
        dist_ref[...] = jnp.where(oh, jnp.inf, d)
        return jnp.where(lane == k, idx, acc)

    acc0 = jnp.zeros((NPTS, LANES), jnp.float32)
    acc = lax.fori_loop(0, K, body, acc0)
    out_idx_ref[0] = acc.astype(jnp.int32) + b * NPTS


_CHUNK = 128
_SUPER = 256
_NC = 2
_NS = 16
_NW = _NC * _NS


def _make_sc_gather(bpw):
    nsup = bpw // _SUPER
    assert nsup % 2 == 0

    def _sc_gather(table_hbm, idx_hbm, out_hbm, idx_v, st0, st1,
                   gsem, osem0, osem1):
        wid = lax.axis_index("s") * _NC + lax.axis_index("c")
        base = wid * bpw
        pltpu.sync_copy(idx_hbm.at[pl.ds(base, bpw)], idx_v)

        def fill(st, sup):
            for c in range(_SUPER // _CHUNK):
                off = sup * _SUPER + c * _CHUNK
                pltpu.async_copy(
                    table_hbm.at[idx_v.at[pl.ds(off, _CHUNK)]],
                    st.at[pl.ds(c * _CHUNK, _CHUNK)], gsem)
            for c in range(_SUPER // _CHUNK):
                pltpu.make_async_copy(
                    table_hbm.at[
                        idx_v.at[pl.ds(sup * _SUPER + c * _CHUNK, _CHUNK)]],
                    st.at[pl.ds(c * _CHUNK, _CHUNK)], gsem).wait()

        def drain(st, sup, osem):
            pltpu.make_async_copy(
                st, out_hbm.at[pl.ds(base + sup * _SUPER, _SUPER)],
                osem).wait()

        def body(g, carry):
            for t, st, osem in ((0, st0, osem0), (1, st1, osem1)):
                sup = 2 * g + t

                @pl.when(g > 0)
                def _():
                    drain(st, sup - 2, osem)

                fill(st, sup)
                pltpu.async_copy(
                    st, out_hbm.at[pl.ds(base + sup * _SUPER, _SUPER)], osem)
            return carry

        lax.fori_loop(0, nsup // 2, body, 0)
        drain(st0, nsup - 2, osem0)
        drain(st1, nsup - 1, osem1)

    return _sc_gather


def _edge_kernel(neigh_ref, a_ref, w2_ref, b2_ref, w3_ref, b3_ref,
                 w4a_ref, w4b_ref, b4_ref, out_ref):
    a = a_ref[0]
    x1 = jnp.zeros((NPTS, 128), jnp.float32)
    for k in range(K):
        h1 = jnp.maximum(a + neigh_ref[k, 0, :, :64], 0.0)
        h2 = jnp.maximum(jax.lax.dot(h1, w2_ref[...]) + b2_ref[...], 0.0)
        x1 = jnp.maximum(x1, h2)
    x = jnp.maximum(jax.lax.dot(x1, w3_ref[...]) + b3_ref[...], 0.0)
    gmax = jnp.max(x, axis=0, keepdims=True)
    gmean = jnp.sum(x, axis=0, keepdims=True) * (1.0 / NPTS)
    o = (jax.lax.dot(gmax, w4a_ref[...]) + jax.lax.dot(gmean, w4b_ref[...])
         + b4_ref[...])
    out_ref[0] = o


def kernel(pos, batch, W1, b1, g1, be1, W2, b2, g2, be2, W3, b3, g3, be3,
           W4, b4):
    del batch
    f32 = jnp.float32
    s1 = g1 / jnp.sqrt(1.0 + EPS)
    s2 = g2 / jnp.sqrt(1.0 + EPS)
    s3 = g3 / jnp.sqrt(1.0 + EPS)

    wa = (W1[:3] - W1[3:]) * s1[None, :]
    ba = (b1 * s1 + be1).reshape(1, 64)
    wc = jnp.zeros((3, LANES), f32).at[:, :64].set(W1[3:] * s1[None, :])
    w2 = W2 * s2[None, :]
    b2e = (b2 * s2 + be2).reshape(1, 128)
    w3 = W3 * s3[None, :]
    b3e = (b3 * s3 + be3).reshape(1, EMB)
    w4a = jnp.zeros((EMB, LANES), f32).at[:, :OUT].set(W4[:EMB])
    w4b = jnp.zeros((EMB, LANES), f32).at[:, :OUT].set(W4[EMB:])
    b4p = jnp.zeros((1, LANES), f32).at[0, :OUT].set(b4)

    pos3 = pos.reshape(B, NPTS, 3)
    post = jnp.swapaxes(pos3, 1, 2)

    rep = lambda shape: pl.BlockSpec(shape, lambda b: (0,) * len(shape))

    nsplit = 4
    bh = B // nsplit
    nh = bh * NPTS
    mesh = plsc.VectorSubcoreMesh(core_axis_name="c", subcore_axis_name="s")
    outs = []
    for h in range(nsplit):
        p3 = lax.slice_in_dim(pos3, h * bh, (h + 1) * bh, axis=0)
        pt3 = lax.slice_in_dim(post, h * bh, (h + 1) * bh, axis=0)

        idx_pad, a_tab, c_tab = pl.pallas_call(
            _topk_kernel,
            grid=(bh,),
            in_specs=[
                pl.BlockSpec((1, NPTS, 3), lambda b: (b, 0, 0)),
                pl.BlockSpec((1, 3, NPTS), lambda b: (b, 0, 0)),
                rep((3, 64)), rep((1, 64)), rep((3, LANES)),
            ],
            out_specs=[
                pl.BlockSpec((1, NPTS, LANES), lambda b: (b, 0, 0)),
                pl.BlockSpec((1, NPTS, 64), lambda b: (b, 0, 0)),
                pl.BlockSpec((1, NPTS, LANES), lambda b: (b, 0, 0)),
            ],
            out_shape=[
                jax.ShapeDtypeStruct((bh, NPTS, LANES), jnp.int32),
                jax.ShapeDtypeStruct((bh, NPTS, 64), f32),
                jax.ShapeDtypeStruct((bh, NPTS, LANES), f32),
            ],
            scratch_shapes=[pltpu.VMEM((NPTS, NPTS), f32)],
        )(p3, pt3, wa, ba, wc)

        idx_flat = jnp.transpose(idx_pad[:, :, :K], (2, 0, 1)).reshape(K * nh)

        gathered = pl.kernel(
            _make_sc_gather((K * nh) // _NW),
            mesh=mesh,
            out_type=jax.ShapeDtypeStruct((K * nh, LANES), f32),
            scratch_types=[
                pltpu.VMEM(((K * nh) // _NW,), jnp.int32),
                pltpu.VMEM((_SUPER, LANES), f32),
                pltpu.VMEM((_SUPER, LANES), f32),
                pltpu.SemaphoreType.DMA,
                pltpu.SemaphoreType.DMA,
                pltpu.SemaphoreType.DMA,
            ],
        )(c_tab.reshape(nh, LANES), idx_flat)
        neigh = gathered.reshape(K, bh, NPTS, LANES)

        out = pl.pallas_call(
            _edge_kernel,
            grid=(bh,),
            in_specs=[
                pl.BlockSpec((K, 1, NPTS, LANES), lambda b: (0, b, 0, 0)),
                pl.BlockSpec((1, NPTS, 64), lambda b: (b, 0, 0)),
                rep((64, 128)), rep((1, 128)),
                rep((128, EMB)), rep((1, EMB)),
                rep((EMB, LANES)), rep((EMB, LANES)), rep((1, LANES)),
            ],
            out_specs=pl.BlockSpec((1, 1, LANES), lambda b: (b, 0, 0)),
            out_shape=jax.ShapeDtypeStruct((bh, 1, LANES), f32),
        )(neigh, a_tab, w2, b2e, w3, b3e, w4a, w4b, b4p)
        outs.append(out.reshape(bh, LANES)[:, :OUT])
    return jnp.concatenate(outs, axis=0)

# --- scband reference (transcript-rebuilt; emitter-appended) ---
"""Pipeline reference for scband-lite-dgcnn-42709154791522 (READ-ONLY COPY).

The authoritative reference and input builder live on the scoring server;
editing this copy changes nothing except your own understanding.
"""

import jax, jax.numpy as jnp
import numpy as np

B = 32
NPTS = 1024
N = B * NPTS
K = 20
EMB = 1024
OUT = 7
EPS = 1e-5


def _bn_eval(x, g, b):
    # BatchNorm in eval mode with fresh running stats (mean=0, var=1)
    return x * (g / jnp.sqrt(1.0 + EPS)) + b


def setup_inputs(seed: int = 0) -> dict:
    key = jax.random.key(seed)
    ks = jax.random.split(key, 16)
    pos = jax.random.normal(ks[0], (N, 3), dtype=jnp.float32)
    batch = jnp.repeat(jnp.arange(B, dtype=jnp.int32), NPTS)
    def lin(k, fan_in, fan_out):
        bound = 1.0 / np.sqrt(fan_in)
        kw, kb = jax.random.split(k)
        W = jax.random.uniform(kw, (fan_in, fan_out), jnp.float32, -bound, bound)
        b = jax.random.uniform(kb, (fan_out,), jnp.float32, -bound, bound)
        return W, b
    W1, b1 = lin(ks[1], 6, 64)
    W2, b2 = lin(ks[2], 64, 128)
    W3, b3 = lin(ks[3], 128, EMB)
    W4, b4 = lin(ks[4], 2 * EMB, OUT)
    return {
        "pos": pos, "batch": batch,
        "W1": W1, "b1": b1, "g1": jnp.ones((64,), jnp.float32), "be1": jnp.zeros((64,), jnp.float32),
        "W2": W2, "b2": b2, "g2": jnp.ones((128,), jnp.float32), "be2": jnp.zeros((128,), jnp.float32),
        "W3": W3, "b3": b3, "g3": jnp.ones((EMB,), jnp.float32), "be3": jnp.zeros((EMB,), jnp.float32),
        "W4": W4, "b4": b4,
    }


def reference(pos, batch, W1, b1, g1, be1, W2, b2, g2, be2, W3, b3, g3, be3, W4, b4):
    p = pos.reshape(B, NPTS, 3)
    # dynamic kNN graph in coordinate space (squared euclidean), self-loop included
    sq = jnp.sum(p * p, axis=-1)
    d = sq[:, :, None] + sq[:, None, :] - 2.0 * jnp.einsum("bnd,bmd->bnm", p, p)
    _, idx = jax.lax.top_k(-d, K)  # [B, NPTS, K] neighbor indices within cloud
    offs = (jnp.arange(B, dtype=idx.dtype) * NPTS)[:, None, None]
    gidx = (idx + offs).reshape(-1)
    neigh = jnp.take(pos, gidx, axis=0).reshape(B, NPTS, K, 3)
    xi = jnp.broadcast_to(p[:, :, None, :], (B, NPTS, K, 3))
    e = jnp.concatenate([xi, neigh - xi], axis=-1)  # EdgeConv message input [.,.,.,6]
    h = jax.nn.relu(_bn_eval(e @ W1 + b1, g1, be1))
    h = jax.nn.relu(_bn_eval(h @ W2 + b2, g2, be2))
    x1 = jnp.max(h, axis=2).reshape(N, 128)  # max aggregation over k neighbors
    x = jax.nn.relu(_bn_eval(x1 @ W3 + b3, g3, be3))  # linear1 MLP [128 -> emb]
    gmax = jax.ops.segment_max(x, batch, num_segments=B)
    gsum = jax.ops.segment_sum(x, batch, num_segments=B)
    cnt = jax.ops.segment_sum(jnp.ones((N, 1), jnp.float32), batch, num_segments=B)
    gmean = gsum / jnp.maximum(cnt, 1.0)
    feat = jnp.concatenate([gmax, gmean], axis=1)  # [B, 2*emb]
    out = feat @ W4 + b4  # linear2 plain last layer -> [B, 7]
    return out

if __name__ == "__main__":
    import jax
    _d = setup_inputs()
    print(jax.jit(kernel)(*tuple(_d.values())))

</pallas_src>

<mosaic_0001>
#map = affine_map<(d0, d1) -> (0, 0)>
#map1 = affine_map<(d0, d1) -> (0)>
module attributes {stable_mosaic.version = 14 : i64} {
  func.func @_sc_gather(%arg0: i32, %arg1: i32, %arg2: memref<8192x128xf32, #tpu.memory_space<hbm>>, %arg3: memref<163840xi32, #tpu.memory_space<hbm>>, %arg4: memref<163840x128xf32, #tpu.memory_space<hbm>>, %arg5: memref<5120xi32, #tpu.memory_space<vmem>>, %arg6: memref<256x128xf32, #tpu.memory_space<vmem>>, %arg7: memref<256x128xf32, #tpu.memory_space<vmem>>, %arg8: memref<!tpu.dma_semaphore, #tpu.memory_space<semaphore_mem>>, %arg9: memref<!tpu.dma_semaphore, #tpu.memory_space<semaphore_mem>>, %arg10: memref<!tpu.dma_semaphore, #tpu.memory_space<semaphore_mem>>) attributes {dimension_semantics = [#tpu.dimension_semantics<core_parallel>, #tpu.dimension_semantics<subcore_parallel>], iteration_bounds = array<i64: 2, 16>, scalar_prefetch = 0 : i64, scratch_operands = 6 : i64, tpu.core_type = #tpu.core_type<sc_vector_subcore>, window_params = [{transform_indices = #map}, {transform_indices = #map1}, {transform_indices = #map}]} {
    %mul3A = arith.constant 2 : i32
    %mul3A_0 = arith.muli %arg1, %mul3A : i32
    %add3A = arith.addi %mul3A_0, %arg0 : i32
    %mul3A_1 = arith.constant 5120 : i32
    %mul3A_2 = arith.muli %add3A, %mul3A_1 : i32
    "tpu.region"() ({
      %run_scoped3A = tpu.sem_alloc : memref<!tpu.dma_semaphore, #tpu.memory_space<semaphore_mem>>
      %dma_start3A = tpu.memref_slice %arg3[%mul3A_2] : memref<163840xi32, #tpu.memory_space<hbm>> -> memref<5120xi32, #tpu.memory_space<hbm>>
      %dma_start3A_19 = tpu.memref_slice %arg3[%mul3A_2] : memref<163840xi32, #tpu.memory_space<hbm>> -> memref<5120xi32, #tpu.memory_space<hbm>>
      tpu.enqueue_dma source(%dma_start3A_19 : memref<5120xi32, #tpu.memory_space<hbm>>) target(%arg5 : memref<5120xi32, #tpu.memory_space<vmem>>) target_semaphore(%run_scoped3A : memref<!tpu.dma_semaphore, #tpu.memory_space<semaphore_mem>>)
      %dma_wait3A_20 = tpu.memref_slice %arg3[%mul3A_2] : memref<163840xi32, #tpu.memory_space<hbm>> -> memref<5120xi32, #tpu.memory_space<hbm>>
      %dma_wait3A_21 = tpu.memref_slice %arg3[%mul3A_2] : memref<163840xi32, #tpu.memory_space<hbm>> -> memref<5120xi32, #tpu.memory_space<hbm>>
      tpu.wait_dma2 semaphore(%run_scoped3A : memref<!tpu.dma_semaphore, #tpu.memory_space<semaphore_mem>>) src(%dma_wait3A_21 : memref<5120xi32, #tpu.memory_space<hbm>>) dst(%arg5 : memref<5120xi32, #tpu.memory_space<vmem>>)
      tpu.yield
    }) : () -> ()
    %scan3A = arith.constant 0 : i32
    %scan3A_3 = arith.constant 0 : i32
    %scan3A_4 = arith.constant 10 : i32
    %scan3A_5 = arith.addi %scan3A_3, %scan3A_4 : i32
    %scan3A_6 = arith.constant 1 : i32
    scf.for %scan3A_19 = %scan3A_3 to %scan3A_5 step %scan3A_6  : i32 {
      %mul3A_20 = arith.constant 2 : i32
      %mul3A_21 = arith.muli %mul3A_20, %scan3A_19 : i32
      %add3A_22 = arith.constant 0 : i32
      %add3A_23 = arith.addi %mul3A_21, %add3A_22 : i32
      %gt3A = arith.constant 0 : i32
      %gt3A_24 = arith.cmpi sgt, %scan3A_19, %gt3A : i32
      %convert_element_type3A = arith.extui %gt3A_24 : i1 to i32
      %cond3A = arith.constant 0 : i32
      %cond3A_25 = arith.cmpi ne, %convert_element_type3A, %cond3A : i32
      scf.if %cond3A_25 {
        %sub3A = arith.constant 2 : i32
        %sub3A_136 = arith.subi %add3A_23, %sub3A : i32
        %mul3A_137 = arith.constant 256 : i32
        %mul3A_138 = arith.muli %sub3A_136, %mul3A_137 : i32
        %add3A_139 = arith.addi %mul3A_2, %mul3A_138 : i32
        %dma_wait3A_140 = arith.constant 0 : i32
        %dma_wait3A_141 = tpu.memref_slice %arg4[%add3A_139, %dma_wait3A_140] : memref<163840x128xf32, #tpu.memory_space<hbm>> -> memref<256x128xf32, #tpu.memory_space<hbm>>
        %dma_wait3A_142 = arith.constant 0 : i32
        %dma_wait3A_143 = tpu.memref_slice %arg4[%add3A_139, %dma_wait3A_142] : memref<163840x128xf32, #tpu.memory_space<hbm>> -> memref<256x128xf32, #tpu.memory_space<hbm>>
        tpu.wait_dma2 semaphore(%arg9 : memref<!tpu.dma_semaphore, #tpu.memory_space<semaphore_mem>>) src(%arg6 : memref<256x128xf32, #tpu.memory_space<vmem>>) dst(%dma_wait3A_143 : memref<256x128xf32, #tpu.memory_space<hbm>>)
      } else {
      }
      %mul3A_26 = arith.constant 256 : i32
      %mul3A_27 = arith.muli %add3A_23, %mul3A_26 : i32
      %add3A_28 = arith.constant 0 : i32
      %add3A_29 = arith.addi %mul3A_27, %add3A_28 : i32
      %dma_start3A = arith.constant 0 : i32
      %dma_start3A_30 = arith.constant 0 : i32
      %dma_start3A_31 = tpu.memref_slice %arg6[%dma_start3A, %dma_start3A_30] : memref<256x128xf32, #tpu.memory_space<vmem>> -> memref<128x128xf32, #tpu.memory_space<vmem>>
      %dma_start3A_32 = tpu.memref_slice %arg5[%add3A_29] : memref<5120xi32, #tpu.memory_space<vmem>> -> memref<128xi32, #tpu.memory_space<vmem>>
      %dma_start3A_33 = arith.constant 0 : i32
      %dma_start3A_34 = arith.constant 0 : i32
      %dma_start3A_35 = tpu.memref_slice %arg2[%dma_start3A_33, %dma_start3A_34] : memref<8192x128xf32, #tpu.memory_space<hbm>> -> memref<8192x128xf32, #tpu.memory_space<hbm>>
      tpu.enqueue_indirect_dma source(%dma_start3A_35 : memref<8192x128xf32, #tpu.memory_space<hbm>>) target(%dma_start3A_31 : memref<128x128xf32, #tpu.memory_space<vmem>>) offsets(%dma_start3A_32 : memref<128xi32, #tpu.memory_space<vmem>>) semaphore(%arg8 : memref<!tpu.dma_semaphore, #tpu.memory_space<semaphore_mem>>)
      %mul3A_36 = arith.constant 256 : i32
      %mul3A_37 = arith.muli %add3A_23, %mul3A_36 : i32
      %add3A_38 = arith.constant 128 : i32
      %add3A_39 = arith.addi %mul3A_37, %add3A_38 : i32
      %dma_start3A_40 = arith.constant 128 : i32
      %dma_start3A_41 = arith.constant 0 : i32
      %dma_start3A_42 = tpu.memref_slice %arg6[%dma_start3A_40, %dma_start3A_41] : memref<256x128xf32, #tpu.memory_space<vmem>> -> memref<128x128xf32, #tpu.memory_space<vmem>>
      %dma_start3A_43 = tpu.memref_slice %arg5[%add3A_39] : memref<5120xi32, #tpu.memory_space<vmem>> -> memref<128xi32, #tpu.memory_space<vmem>>
      %dma_start3A_44 = arith.constant 0 : i32
      %dma_start3A_45 = arith.constant 0 : i32
      %dma_start3A_46 = tpu.memref_slice %arg2[%dma_start3A_44, %dma_start3A_45] : memref<8192x128xf32, #tpu.memory_space<hbm>> -> memref<8192x128xf32, #tpu.memory_space<hbm>>
      tpu.enqueue_indirect_dma source(%dma_start3A_46 : memref<8192x128xf32, #tpu.memory_space<hbm>>) target(%dma_start3A_42 : memref<128x128xf32, #tpu.memory_space<vmem>>) offsets(%dma_start3A_43 : memref<128xi32, #tpu.memory_space<vmem>>) semaphore(%arg8 : memref<!tpu.dma_semaphore, #tpu.memory_space<semaphore_mem>>)
      %mul3A_47 = arith.constant 256 : i32
      %mul3A_48 = arith.muli %add3A_23, %mul3A_47 : i32
      %add3A_49 = arith.constant 0 : i32
      %add3A_50 = arith.addi %mul3A_48, %add3A_49 : i32
      %dma_wait3A_51 = arith.constant 0 : i32
      %dma_wait3A_52 = arith.constant 0 : i32
      %dma_wait3A_53 = tpu.memref_slice %arg6[%dma_wait3A_51, %dma_wait3A_52] : memref<256x128xf32, #tpu.memory_space<vmem>> -> memref<128x128xf32, #tpu.memory_space<vmem>>
      %dma_wait3A_54 = tpu.memref_slice %arg5[%add3A_50] : memref<5120xi32, #tpu.memory_space<vmem>> -> memref<128xi32, #tpu.memory_space<vmem>>
      %dma_wait3A_55 = arith.constant 0 : i32
      %dma_wait3A_56 = arith.constant 0 : i32
      %dma_wait3A_57 = tpu.memref_slice %arg2[%dma_wait3A_55, %dma_wait3A_56] : memref<8192x128xf32, #tpu.memory_space<hbm>> -> memref<8192x128xf32, #tpu.memory_space<hbm>>
      tpu.wait_indirect_dma semaphore(%arg8 : memref<!tpu.dma_semaphore, #tpu.memory_space<semaphore_mem>>) src(%dma_wait3A_57 : memref<8192x128xf32, #tpu.memory_space<hbm>>) dst(%dma_wait3A_53 : memref<128x128xf32, #tpu.memory_space<vmem>>)
      %mul3A_58 = arith.constant 256 : i32
      %mul3A_59 = arith.muli %add3A_23, %mul3A_58 : i32
      %add3A_60 = arith.constant 128 : i32
      %add3A_61 = arith.addi %mul3A_59, %add3A_60 : i32
      %dma_wait3A_62 = arith.constant 128 : i32
      %dma_wait3A_63 = arith.constant 0 : i32
      %dma_wait3A_64 = tpu.memref_slice %arg6[%dma_wait3A_62, %dma_wait3A_63] : memref<256x128xf32, #tpu.memory_space<vmem>> -> memref<128x128xf32, #tpu.memory_space<vmem>>
      %dma_wait3A_65 = tpu.memref_slice %arg5[%add3A_61] : memref<5120xi32, #tpu.memory_space<vmem>> -> memref<128xi32, #tpu.memory_space<vmem>>
      %dma_wait3A_66 = arith.constant 0 : i32
      %dma_wait3A_67 = arith.constant 0 : i32
      %dma_wait3A_68 = tpu.memref_slice %arg2[%dma_wait3A_66, %dma_wait3A_67] : memref<8192x128xf32, #tpu.memory_space<hbm>> -> memref<8192x128xf32, #tpu.memory_space<hbm>>
      tpu.wait_indirect_dma semaphore(%arg8 : memref<!tpu.dma_semaphore, #tpu.memory_space<semaphore_mem>>) src(%dma_wait3A_68 : memref<8192x128xf32, #tpu.memory_space<hbm>>) dst(%dma_wait3A_64 : memref<128x128xf32, #tpu.memory_space<vmem>>)
      %mul3A_69 = arith.constant 256 : i32
      %mul3A_70 = arith.muli %add3A_23, %mul3A_69 : i32
      %add3A_71 = arith.addi %mul3A_2, %mul3A_70 : i32
      %dma_start3A_72 = arith.constant 0 : i32
      %dma_start3A_73 = tpu.memref_slice %arg4[%add3A_71, %dma_start3A_72] : memref<163840x128xf32, #tpu.memory_space<hbm>> -> memref<256x128xf32, #tpu.memory_space<hbm>>
      %dma_start3A_74 = arith.constant 0 : i32
      %dma_start3A_75 = tpu.memref_slice %arg4[%add3A_71, %dma_start3A_74] : memref<163840x128xf32, #tpu.memory_space<hbm>> -> memref<256x128xf32, #tpu.memory_space<hbm>>
      tpu.enqueue_dma source(%arg6 : memref<256x128xf32, #tpu.memory_space<vmem>>) target(%dma_start3A_75 : memref<256x128xf32, #tpu.memory_space<hbm>>) target_semaphore(%arg9 : memref<!tpu.dma_semaphore, #tpu.memory_space<semaphore_mem>>)
      %mul3A_76 = arith.constant 2 : i32
      %mul3A_77 = arith.muli %mul3A_76, %scan3A_19 : i32
      %add3A_78 = arith.constant 1 : i32
      %add3A_79 = arith.addi %mul3A_77, %add3A_78 : i32
      %gt3A_80 = arith.constant 0 : i32
      %gt3A_81 = arith.cmpi sgt, %scan3A_19, %gt3A_80 : i32
      %convert_element_type3A_82 = arith.extui %gt3A_81 : i1 to i32
      %cond3A_83 = arith.constant 0 : i32
      %cond3A_84 = arith.cmpi ne, %convert_element_type3A_82, %cond3A_83 : i32
      scf.if %cond3A_84 {
        %sub3A = arith.constant 2 : i32
        %sub3A_136 = arith.subi %add3A_79, %sub3A : i32
        %mul3A_137 = arith.constant 256 : i32
        %mul3A_138 = arith.muli %sub3A_136, %mul3A_137 : i32
        %add3A_139 = arith.addi %mul3A_2, %mul3A_138 : i32
        %dma_wait3A_140 = arith.constant 0 : i32
        %dma_wait3A_141 = tpu.memref_slice %arg4[%add3A_139, %dma_wait3A_140] : memref<163840x128xf32, #tpu.memory_space<hbm>> -> memref<256x128xf32, #tpu.memory_space<hbm>>
        %dma_wait3A_142 = arith.constant 0 : i32
        %dma_wait3A_143 = tpu.memref_slice %arg4[%add3A_139, %dma_wait3A_142] : memref<163840x128xf32, #tpu.memory_space<hbm>> -> memref<256x128xf32, #tpu.memory_space<hbm>>
        tpu.wait_dma2 semaphore(%arg10 : memref<!tpu.dma_semaphore, #tpu.memory_space<semaphore_mem>>) src(%arg7 : memref<256x128xf32, #tpu.memory_space<vmem>>) dst(%dma_wait3A_143 : memref<256x128xf32, #tpu.memory_space<hbm>>)
      } else {
      }
      %mul3A_85 = arith.constant 256 : i32
      %mul3A_86 = arith.muli %add3A_79, %mul3A_85 : i32
      %add3A_87 = arith.constant 0 : i32
      %add3A_88 = arith.addi %mul3A_86, %add3A_87 : i32
      %dma_start3A_89 = arith.constant 0 : i32
      %dma_start3A_90 = arith.constant 0 : i32
      %dma_start3A_91 = tpu.memref_slice %arg7[%dma_start3A_89, %dma_start3A_90] : memref<256x128xf32, #tpu.memory_space<vmem>> -> memref<128x128xf32, #tpu.memory_space<vmem>>
      %dma_start3A_92 = tpu.memref_slice %arg5[%add3A_88] : memref<5120xi32, #tpu.memory_space<vmem>> -> memref<128xi32, #tpu.memory_space<vmem>>
      %dma_start3A_93 = arith.constant 0 : i32
      %dma_start3A_94 = arith.constant 0 : i32
      %dma_start3A_95 = tpu.memref_slice %arg2[%dma_start3A_93, %dma_start3A_94] : memref<8192x128xf32, #tpu.memory_space<hbm>> -> memref<8192x128xf32, #tpu.memory_space<hbm>>
      tpu.enqueue_indirect_dma source(%dma_start3A_95 : memref<8192x128xf32, #tpu.memory_space<hbm>>) target(%dma_start3A_91 : memref<128x128xf32, #tpu.memory_space<vmem>>) offsets(%dma_start3A_92 : memref<128xi32, #tpu.memory_space<vmem>>) semaphore(%arg8 : memref<!tpu.dma_semaphore, #tpu.memory_space<semaphore_mem>>)
      %mul3A_96 = arith.constant 256 : i32
      %mul3A_97 = arith.muli %add3A_79, %mul3A_96 : i32
      %add3A_98 = arith.constant 128 : i32
      %add3A_99 = arith.addi %mul3A_97, %add3A_98 : i32
      %dma_start3A_100 = arith.constant 128 : i32
      %dma_start3A_101 = arith.constant 0 : i32
      %dma_start3A_102 = tpu.memref_slice %arg7[%dma_start3A_100, %dma_start3A_101] : memref<256x128xf32, #tpu.memory_space<vmem>> -> memref<128x128xf32, #tpu.memory_space<vmem>>
      %dma_start3A_103 = tpu.memref_slice %arg5[%add3A_99] : memref<5120xi32, #tpu.memory_space<vmem>> -> memref<128xi32, #tpu.memory_space<vmem>>
      %dma_start3A_104 = arith.constant 0 : i32
      %dma_start3A_105 = arith.constant 0 : i32
      %dma_start3A_106 = tpu.memref_slice %arg2[%dma_start3A_104, %dma_start3A_105] : memref<8192x128xf32, #tpu.memory_space<hbm>> -> memref<8192x128xf32, #tpu.memory_space<hbm>>
      tpu.enqueue_indirect_dma source(%dma_start3A_106 : memref<8192x128xf32, #tpu.memory_space<hbm>>) target(%dma_start3A_102 : memref<128x128xf32, #tpu.memory_space<vmem>>) offsets(%dma_start3A_103 : memref<128xi32, #tpu.memory_space<vmem>>) semaphore(%arg8 : memref<!tpu.dma_semaphore, #tpu.memory_space<semaphore_mem>>)
      %mul3A_107 = arith.constant 256 : i32
      %mul3A_108 = arith.muli %add3A_79, %mul3A_107 : i32
      %add3A_109 = arith.constant 0 : i32
      %add3A_110 = arith.addi %mul3A_108, %add3A_109 : i32
      %dma_wait3A_111 = arith.constant 0 : i32
      %dma_wait3A_112 = arith.constant 0 : i32
      %dma_wait3A_113 = tpu.memref_slice %arg7[%dma_wait3A_111, %dma_wait3A_112] : memref<256x128xf32, #tpu.memory_space<vmem>> -> memref<128x128xf32, #tpu.memory_space<vmem>>
      %dma_wait3A_114 = tpu.memref_slice %arg5[%add3A_110] : memref<5120xi32, #tpu.memory_space<vmem>> -> memref<128xi32, #tpu.memory_space<vmem>>
      %dma_wait3A_115 = arith.constant 0 : i32
      %dma_wait3A_116 = arith.constant 0 : i32
      %dma_wait3A_117 = tpu.memref_slice %arg2[%dma_wait3A_115, %dma_wait3A_116] : memref<8192x128xf32, #tpu.memory_space<hbm>> -> memref<8192x128xf32, #tpu.memory_space<hbm>>
      tpu.wait_indirect_dma semaphore(%arg8 : memref<!tpu.dma_semaphore, #tpu.memory_space<semaphore_mem>>) src(%dma_wait3A_117 : memref<8192x128xf32, #tpu.memory_space<hbm>>) dst(%dma_wait3A_113 : memref<128x128xf32, #tpu.memory_space<vmem>>)
      %mul3A_118 = arith.constant 256 : i32
      %mul3A_119 = arith.muli %add3A_79, %mul3A_118 : i32
      %add3A_120 = arith.constant 128 : i32
      %add3A_121 = arith.addi %mul3A_119, %add3A_120 : i32
      %dma_wait3A_122 = arith.constant 128 : i32
      %dma_wait3A_123 = arith.constant 0 : i32
      %dma_wait3A_124 = tpu.memref_slice %arg7[%dma_wait3A_122, %dma_wait3A_123] : memref<256x128xf32, #tpu.memory_space<vmem>> -> memref<128x128xf32, #tpu.memory_space<vmem>>
      %dma_wait3A_125 = tpu.memref_slice %arg5[%add3A_121] : memref<5120xi32, #tpu.memory_space<vmem>> -> memref<128xi32, #tpu.memory_space<vmem>>
      %dma_wait3A_126 = arith.constant 0 : i32
      %dma_wait3A_127 = arith.constant 0 : i32
      %dma_wait3A_128 = tpu.memref_slice %arg2[%dma_wait3A_126, %dma_wait3A_127] : memref<8192x128xf32, #tpu.memory_space<hbm>> -> memref<8192x128xf32, #tpu.memory_space<hbm>>
      tpu.wait_indirect_dma semaphore(%arg8 : memref<!tpu.dma_semaphore, #tpu.memory_space<semaphore_mem>>) src(%dma_wait3A_128 : memref<8192x128xf32, #tpu.memory_space<hbm>>) dst(%dma_wait3A_124 : memref<128x128xf32, #tpu.memory_space<vmem>>)
      %mul3A_129 = arith.constant 256 : i32
      %mul3A_130 = arith.muli %add3A_79, %mul3A_129 : i32
      %add3A_131 = arith.addi %mul3A_2, %mul3A_130 : i32
      %dma_start3A_132 = arith.constant 0 : i32
      %dma_start3A_133 = tpu.memref_slice %arg4[%add3A_131, %dma_start3A_132] : memref<163840x128xf32, #tpu.memory_space<hbm>> -> memref<256x128xf32, #tpu.memory_space<hbm>>
      %dma_start3A_134 = arith.constant 0 : i32
      %dma_start3A_135 = tpu.memref_slice %arg4[%add3A_131, %dma_start3A_134] : memref<163840x128xf32, #tpu.memory_space<hbm>> -> memref<256x128xf32, #tpu.memory_space<hbm>>
      tpu.enqueue_dma source(%arg7 : memref<256x128xf32, #tpu.memory_space<vmem>>) target(%dma_start3A_135 : memref<256x128xf32, #tpu.memory_space<hbm>>) target_semaphore(%arg10 : memref<!tpu.dma_semaphore, #tpu.memory_space<semaphore_mem>>)
    }
    %scan3A_7 = arith.constant 10 : i32
    %add3A_8 = arith.constant 4608 : i32
    %add3A_9 = arith.addi %mul3A_2, %add3A_8 : i32
    %dma_wait3A = arith.constant 0 : i32
    %dma_wait3A_10 = tpu.memref_slice %arg4[%add3A_9, %dma_wait3A] : memref<163840x128xf32, #tpu.memory_space<hbm>> -> memref<256x128xf32, #tpu.memory_space<hbm>>
    %dma_wait3A_11 = arith.constant 0 : i32
    %dma_wait3A_12 = tpu.memref_slice %arg4[%add3A_9, %dma_wait3A_11] : memref<163840x128xf32, #tpu.memory_space<hbm>> -> memref<256x128xf32, #tpu.memory_space<hbm>>
    tpu.wait_dma2 semaphore(%arg9 : memref<!tpu.dma_semaphore, #tpu.memory_space<semaphore_mem>>) src(%arg6 : memref<256x128xf32, #tpu.memory_space<vmem>>) dst(%dma_wait3A_12 : memref<256x128xf32, #tpu.memory_space<hbm>>)
    %add3A_13 = arith.constant 4864 : i32
    %add3A_14 = arith.addi %mul3A_2, %add3A_13 : i32
    %dma_wait3A_15 = arith.constant 0 : i32
    %dma_wait3A_16 = tpu.memref_slice %arg4[%add3A_14, %dma_wait3A_15] : memref<163840x128xf32, #tpu.memory_space<hbm>> -> memref<256x128xf32, #tpu.memory_space<hbm>>
    %dma_wait3A_17 = arith.constant 0 : i32
    %dma_wait3A_18 = tpu.memref_slice %arg4[%add3A_14, %dma_wait3A_17] : memref<163840x128xf32, #tpu.memory_space<hbm>> -> memref<256x128xf32, #tpu.memory_space<hbm>>
    tpu.wait_dma2 semaphore(%arg10 : memref<!tpu.dma_semaphore, #tpu.memory_space<semaphore_mem>>) src(%arg7 : memref<256x128xf32, #tpu.memory_space<vmem>>) dst(%dma_wait3A_18 : memref<256x128xf32, #tpu.memory_space<hbm>>)
    return
  }
}

#map = affine_map<(d0, d1) -> (0, 0)>
#map1 = affine_map<(d0, d1) -> (0)>
module attributes {stable_mosaic.version = 14 : i64} {
  func.func @_sc_gather(%arg0: i32, %arg1: i32, %arg2: memref<8192x128xf32, #tpu.memory_space<hbm>>, %arg3: memref<163840xi32, #tpu.memory_space<hbm>>, %arg4: memref<163840x128xf32, #tpu.memory_space<hbm>>, %arg5: memref<5120xi32, #tpu.memory_space<vmem>>, %arg6: memref<256x128xf32, #tpu.memory_space<vmem>>, %arg7: memref<256x128xf32, #tpu.memory_space<vmem>>, %arg8: memref<!tpu.dma_semaphore, #tpu.memory_space<semaphore_mem>>, %arg9: memref<!tpu.dma_semaphore, #tpu.memory_space<semaphore_mem>>, %arg10: memref<!tpu.dma_semaphore, #tpu.memory_space<semaphore_mem>>) attributes {dimension_semantics = [#tpu.dimension_semantics<core_parallel>, #tpu.dimension_semantics<subcore_parallel>], iteration_bounds = array<i64: 2, 16>, scalar_prefetch = 0 : i64, scratch_operands = 6 : i64, tpu.core_type = #tpu.core_type<sc_vector_subcore>, window_params = [{transform_indices = #map}, {transform_indices = #map1}, {transform_indices = #map}]} {
    %mul3A = arith.constant 2 : i32
    %mul3A_0 = arith.muli %arg1, %mul3A : i32
    %add3A = arith.addi %mul3A_0, %arg0 : i32
    %mul3A_1 = arith.constant 5120 : i32
    %mul3A_2 = arith.muli %add3A, %mul3A_1 : i32
    "tpu.region"() ({
      %run_scoped3A = tpu.sem_alloc : memref<!tpu.dma_semaphore, #tpu.memory_space<semaphore_mem>>
      %dma_start3A = tpu.memref_slice %arg3[%mul3A_2] : memref<163840xi32, #tpu.memory_space<hbm>> -> memref<5120xi32, #tpu.memory_space<hbm>>
      %dma_start3A_19 = tpu.memref_slice %arg3[%mul3A_2] : memref<163840xi32, #tpu.memory_space<hbm>> -> memref<5120xi32, #tpu.memory_space<hbm>>
      tpu.enqueue_dma source(%dma_start3A_19 : memref<5120xi32, #tpu.memory_space<hbm>>) target(%arg5 : memref<5120xi32, #tpu.memory_space<vmem>>) target_semaphore(%run_scoped3A : memref<!tpu.dma_semaphore, #tpu.memory_space<semaphore_mem>>)
      %dma_wait3A_20 = tpu.memref_slice %arg3[%mul3A_2] : memref<163840xi32, #tpu.memory_space<hbm>> -> memref<5120xi32, #tpu.memory_space<hbm>>
      %dma_wait3A_21 = tpu.memref_slice %arg3[%mul3A_2] : memref<163840xi32, #tpu.memory_space<hbm>> -> memref<5120xi32, #tpu.memory_space<hbm>>
      tpu.wait_dma2 semaphore(%run_scoped3A : memref<!tpu.dma_semaphore, #tpu.memory_space<semaphore_mem>>) src(%dma_wait3A_21 : memref<5120xi32, #tpu.memory_space<hbm>>) dst(%arg5 : memref<5120xi32, #tpu.memory_space<vmem>>)
      tpu.yield
    }) : () -> ()
    %scan3A = arith.constant 0 : i32
    %scan3A_3 = arith.constant 0 : i32
    %scan3A_4 = arith.constant 10 : i32
    %scan3A_5 = arith.addi %scan3A_3, %scan3A_4 : i32
    %scan3A_6 = arith.constant 1 : i32
    scf.for %scan3A_19 = %scan3A_3 to %scan3A_5 step %scan3A_6  : i32 {
      %mul3A_20 = arith.constant 2 : i32
      %mul3A_21 = arith.muli %mul3A_20, %scan3A_19 : i32
      %add3A_22 = arith.constant 0 : i32
      %add3A_23 = arith.addi %mul3A_21, %add3A_22 : i32
      %gt3A = arith.constant 0 : i32
      %gt3A_24 = arith.cmpi sgt, %scan3A_19, %gt3A : i32
      %convert_element_type3A = arith.extui %gt3A_24 : i1 to i32
      %cond3A = arith.constant 0 : i32
      %cond3A_25 = arith.cmpi ne, %convert_element_type3A, %cond3A : i32
      scf.if %cond3A_25 {
        %sub3A = arith.constant 2 : i32
        %sub3A_136 = arith.subi %add3A_23, %sub3A : i32
        %mul3A_137 = arith.constant 256 : i32
        %mul3A_138 = arith.muli %sub3A_136, %mul3A_137 : i32
        %add3A_139 = arith.addi %mul3A_2, %mul3A_138 : i32
        %dma_wait3A_140 = arith.constant 0 : i32
        %dma_wait3A_141 = tpu.memref_slice %arg4[%add3A_139, %dma_wait3A_140] : memref<163840x128xf32, #tpu.memory_space<hbm>> -> memref<256x128xf32, #tpu.memory_space<hbm>>
        %dma_wait3A_142 = arith.constant 0 : i32
        %dma_wait3A_143 = tpu.memref_slice %arg4[%add3A_139, %dma_wait3A_142] : memref<163840x128xf32, #tpu.memory_space<hbm>> -> memref<256x128xf32, #tpu.memory_space<hbm>>
        tpu.wait_dma2 semaphore(%arg9 : memref<!tpu.dma_semaphore, #tpu.memory_space<semaphore_mem>>) src(%arg6 : memref<256x128xf32, #tpu.memory_space<vmem>>) dst(%dma_wait3A_143 : memref<256x128xf32, #tpu.memory_space<hbm>>)
      } else {
      }
      %mul3A_26 = arith.constant 256 : i32
      %mul3A_27 = arith.muli %add3A_23, %mul3A_26 : i32
      %add3A_28 = arith.constant 0 : i32
      %add3A_29 = arith.addi %mul3A_27, %add3A_28 : i32
      %dma_start3A = arith.constant 0 : i32
      %dma_start3A_30 = arith.constant 0 : i32
      %dma_start3A_31 = tpu.memref_slice %arg6[%dma_start3A, %dma_start3A_30] : memref<256x128xf32, #tpu.memory_space<vmem>> -> memref<128x128xf32, #tpu.memory_space<vmem>>
      %dma_start3A_32 = tpu.memref_slice %arg5[%add3A_29] : memref<5120xi32, #tpu.memory_space<vmem>> -> memref<128xi32, #tpu.memory_space<vmem>>
      %dma_start3A_33 = arith.constant 0 : i32
      %dma_start3A_34 = arith.constant 0 : i32
      %dma_start3A_35 = tpu.memref_slice %arg2[%dma_start3A_33, %dma_start3A_34] : memref<8192x128xf32, #tpu.memory_space<hbm>> -> memref<8192x128xf32, #tpu.memory_space<hbm>>
      tpu.enqueue_indirect_dma source(%dma_start3A_35 : memref<8192x128xf32, #tpu.memory_space<hbm>>) target(%dma_start3A_31 : memref<128x128xf32, #tpu.memory_space<vmem>>) offsets(%dma_start3A_32 : memref<128xi32, #tpu.memory_space<vmem>>) semaphore(%arg8 : memref<!tpu.dma_semaphore, #tpu.memory_space<semaphore_mem>>)
      %mul3A_36 = arith.constant 256 : i32
      %mul3A_37 = arith.muli %add3A_23, %mul3A_36 : i32
      %add3A_38 = arith.constant 128 : i32
      %add3A_39 = arith.addi %mul3A_37, %add3A_38 : i32
      %dma_start3A_40 = arith.constant 128 : i32
      %dma_start3A_41 = arith.constant 0 : i32
      %dma_start3A_42 = tpu.memref_slice %arg6[%dma_start3A_40, %dma_start3A_41] : memref<256x128xf32, #tpu.memory_space<vmem>> -> memref<128x128xf32, #tpu.memory_space<vmem>>
      %dma_start3A_43 = tpu.memref_slice %arg5[%add3A_39] : memref<5120xi32, #tpu.memory_space<vmem>> -> memref<128xi32, #tpu.memory_space<vmem>>
      %dma_start3A_44 = arith.constant 0 : i32
      %dma_start3A_45 = arith.constant 0 : i32
      %dma_start3A_46 = tpu.memref_slice %arg2[%dma_start3A_44, %dma_start3A_45] : memref<8192x128xf32, #tpu.memory_space<hbm>> -> memref<8192x128xf32, #tpu.memory_space<hbm>>
      tpu.enqueue_indirect_dma source(%dma_start3A_46 : memref<8192x128xf32, #tpu.memory_space<hbm>>) target(%dma_start3A_42 : memref<128x128xf32, #tpu.memory_space<vmem>>) offsets(%dma_start3A_43 : memref<128xi32, #tpu.memory_space<vmem>>) semaphore(%arg8 : memref<!tpu.dma_semaphore, #tpu.memory_space<semaphore_mem>>)
      %mul3A_47 = arith.constant 256 : i32
      %mul3A_48 = arith.muli %add3A_23, %mul3A_47 : i32
      %add3A_49 = arith.constant 0 : i32
      %add3A_50 = arith.addi %mul3A_48, %add3A_49 : i32
      %dma_wait3A_51 = arith.constant 0 : i32
      %dma_wait3A_52 = arith.constant 0 : i32
      %dma_wait3A_53 = tpu.memref_slice %arg6[%dma_wait3A_51, %dma_wait3A_52] : memref<256x128xf32, #tpu.memory_space<vmem>> -> memref<128x128xf32, #tpu.memory_space<vmem>>
      %dma_wait3A_54 = tpu.memref_slice %arg5[%add3A_50] : memref<5120xi32, #tpu.memory_space<vmem>> -> memref<128xi32, #tpu.memory_space<vmem>>
      %dma_wait3A_55 = arith.constant 0 : i32
      %dma_wait3A_56 = arith.constant 0 : i32
      %dma_wait3A_57 = tpu.memref_slice %arg2[%dma_wait3A_55, %dma_wait3A_56] : memref<8192x128xf32, #tpu.memory_space<hbm>> -> memref<8192x128xf32, #tpu.memory_space<hbm>>
      tpu.wait_indirect_dma semaphore(%arg8 : memref<!tpu.dma_semaphore, #tpu.memory_space<semaphore_mem>>) src(%dma_wait3A_57 : memref<8192x128xf32, #tpu.memory_space<hbm>>) dst(%dma_wait3A_53 : memref<128x128xf32, #tpu.memory_space<vmem>>)
      %mul3A_58 = arith.constant 256 : i32
      %mul3A_59 = arith.muli %add3A_23, %mul3A_58 : i32
      %add3A_60 = arith.constant 128 : i32
      %add3A_61 = arith.addi %mul3A_59, %add3A_60 : i32
      %dma_wait3A_62 = arith.constant 128 : i32
      %dma_wait3A_63 = arith.constant 0 : i32
      %dma_wait3A_64 = tpu.memref_slice %arg6[%dma_wait3A_62, %dma_wait3A_63] : memref<256x128xf32, #tpu.memory_space<vmem>> -> memref<128x128xf32, #tpu.memory_space<vmem>>
      %dma_wait3A_65 = tpu.memref_slice %arg5[%add3A_61] : memref<5120xi32, #tpu.memory_space<vmem>> -> memref<128xi32, #tpu.memory_space<vmem>>
      %dma_wait3A_66 = arith.constant 0 : i32
      %dma_wait3A_67 = arith.constant 0 : i32
      %dma_wait3A_68 = tpu.memref_slice %arg2[%dma_wait3A_66, %dma_wait3A_67] : memref<8192x128xf32, #tpu.memory_space<hbm>> -> memref<8192x128xf32, #tpu.memory_space<hbm>>
      tpu.wait_indirect_dma semaphore(%arg8 : memref<!tpu.dma_semaphore, #tpu.memory_space<semaphore_mem>>) src(%dma_wait3A_68 : memref<8192x128xf32, #tpu.memory_space<hbm>>) dst(%dma_wait3A_64 : memref<128x128xf32, #tpu.memory_space<vmem>>)
      %mul3A_69 = arith.constant 256 : i32
      %mul3A_70 = arith.muli %add3A_23, %mul3A_69 : i32
      %add3A_71 = arith.addi %mul3A_2, %mul3A_70 : i32
      %dma_start3A_72 = arith.constant 0 : i32
      %dma_start3A_73 = tpu.memref_slice %arg4[%add3A_71, %dma_start3A_72] : memref<163840x128xf32, #tpu.memory_space<hbm>> -> memref<256x128xf32, #tpu.memory_space<hbm>>
      %dma_start3A_74 = arith.constant 0 : i32
      %dma_start3A_75 = tpu.memref_slice %arg4[%add3A_71, %dma_start3A_74] : memref<163840x128xf32, #tpu.memory_space<hbm>> -> memref<256x128xf32, #tpu.memory_space<hbm>>
      tpu.enqueue_dma source(%arg6 : memref<256x128xf32, #tpu.memory_space<vmem>>) target(%dma_start3A_75 : memref<256x128xf32, #tpu.memory_space<hbm>>) target_semaphore(%arg9 : memref<!tpu.dma_semaphore, #tpu.memory_space<semaphore_mem>>)
      %mul3A_76 = arith.constant 2 : i32
      %mul3A_77 = arith.muli %mul3A_76, %scan3A_19 : i32
      %add3A_78 = arith.constant 1 : i32
      %add3A_79 = arith.addi %mul3A_77, %add3A_78 : i32
      %gt3A_80 = arith.constant 0 : i32
      %gt3A_81 = arith.cmpi sgt, %scan3A_19, %gt3A_80 : i32
      %convert_element_type3A_82 = arith.extui %gt3A_81 : i1 to i32
      %cond3A_83 = arith.constant 0 : i32
      %cond3A_84 = arith.cmpi ne, %convert_element_type3A_82, %cond3A_83 : i32
      scf.if %cond3A_84 {
        %sub3A = arith.constant 2 : i32
        %sub3A_136 = arith.subi %add3A_79, %sub3A : i32
        %mul3A_137 = arith.constant 256 : i32
        %mul3A_138 = arith.muli %sub3A_136, %mul3A_137 : i32
        %add3A_139 = arith.addi %mul3A_2, %mul3A_138 : i32
        %dma_wait3A_140 = arith.constant 0 : i32
        %dma_wait3A_141 = tpu.memref_slice %arg4[%add3A_139, %dma_wait3A_140] : memref<163840x128xf32, #tpu.memory_space<hbm>> -> memref<256x128xf32, #tpu.memory_space<hbm>>
        %dma_wait3A_142 = arith.constant 0 : i32
        %dma_wait3A_143 = tpu.memref_slice %arg4[%add3A_139, %dma_wait3A_142] : memref<163840x128xf32, #tpu.memory_space<hbm>> -> memref<256x128xf32, #tpu.memory_space<hbm>>
        tpu.wait_dma2 semaphore(%arg10 : memref<!tpu.dma_semaphore, #tpu.memory_space<semaphore_mem>>) src(%arg7 : memref<256x128xf32, #tpu.memory_space<vmem>>) dst(%dma_wait3A_143 : memref<256x128xf32, #tpu.memory_space<hbm>>)
      } else {
      }
      %mul3A_85 = arith.constant 256 : i32
      %mul3A_86 = arith.muli %add3A_79, %mul3A_85 : i32
      %add3A_87 = arith.constant 0 : i32
      %add3A_88 = arith.addi %mul3A_86, %add3A_87 : i32
      %dma_start3A_89 = arith.constant 0 : i32
      %dma_start3A_90 = arith.constant 0 : i32
      %dma_start3A_91 = tpu.memref_slice %arg7[%dma_start3A_89, %dma_start3A_90] : memref<256x128xf32, #tpu.memory_space<vmem>> -> memref<128x128xf32, #tpu.memory_space<vmem>>
      %dma_start3A_92 = tpu.memref_slice %arg5[%add3A_88] : memref<5120xi32, #tpu.memory_space<vmem>> -> memref<128xi32, #tpu.memory_space<vmem>>
      %dma_start3A_93 = arith.constant 0 : i32
      %dma_start3A_94 = arith.constant 0 : i32
      %dma_start3A_95 = tpu.memref_slice %arg2[%dma_start3A_93, %dma_start3A_94] : memref<8192x128xf32, #tpu.memory_space<hbm>> -> memref<8192x128xf32, #tpu.memory_space<hbm>>
      tpu.enqueue_indirect_dma source(%dma_start3A_95 : memref<8192x128xf32, #tpu.memory_space<hbm>>) target(%dma_start3A_91 : memref<128x128xf32, #tpu.memory_space<vmem>>) offsets(%dma_start3A_92 : memref<128xi32, #tpu.memory_space<vmem>>) semaphore(%arg8 : memref<!tpu.dma_semaphore, #tpu.memory_space<semaphore_mem>>)
      %mul3A_96 = arith.constant 256 : i32
      %mul3A_97 = arith.muli %add3A_79, %mul3A_96 : i32
      %add3A_98 = arith.constant 128 : i32
      %add3A_99 = arith.addi %mul3A_97, %add3A_98 : i32
      %dma_start3A_100 = arith.constant 128 : i32
      %dma_start3A_101 = arith.constant 0 : i32
      %dma_start3A_102 = tpu.memref_slice %arg7[%dma_start3A_100, %dma_start3A_101] : memref<256x128xf32, #tpu.memory_space<vmem>> -> memref<128x128xf32, #tpu.memory_space<vmem>>
      %dma_start3A_103 = tpu.memref_slice %arg5[%add3A_99] : memref<5120xi32, #tpu.memory_space<vmem>> -> memref<128xi32, #tpu.memory_space<vmem>>
      %dma_start3A_104 = arith.constant 0 : i32
      %dma_start3A_105 = arith.constant 0 : i32
      %dma_start3A_106 = tpu.memref_slice %arg2[%dma_start3A_104, %dma_start3A_105] : memref<8192x128xf32, #tpu.memory_space<hbm>> -> memref<8192x128xf32, #tpu.memory_space<hbm>>
      tpu.enqueue_indirect_dma source(%dma_start3A_106 : memref<8192x128xf32, #tpu.memory_space<hbm>>) target(%dma_start3A_102 : memref<128x128xf32, #tpu.memory_space<vmem>>) offsets(%dma_start3A_103 : memref<128xi32, #tpu.memory_space<vmem>>) semaphore(%arg8 : memref<!tpu.dma_semaphore, #tpu.memory_space<semaphore_mem>>)
      %mul3A_107 = arith.constant 256 : i32
      %mul3A_108 = arith.muli %add3A_79, %mul3A_107 : i32
      %add3A_109 = arith.constant 0 : i32
      %add3A_110 = arith.addi %mul3A_108, %add3A_109 : i32
      %dma_wait3A_111 = arith.constant 0 : i32
      %dma_wait3A_112 = arith.constant 0 : i32
      %dma_wait3A_113 = tpu.memref_slice %arg7[%dma_wait3A_111, %dma_wait3A_112] : memref<256x128xf32, #tpu.memory_space<vmem>> -> memref<128x128xf32, #tpu.memory_space<vmem>>
      %dma_wait3A_114 = tpu.memref_slice %arg5[%add3A_110] : memref<5120xi32, #tpu.memory_space<vmem>> -> memref<128xi32, #tpu.memory_space<vmem>>
      %dma_wait3A_115 = arith.constant 0 : i32
      %dma_wait3A_116 = arith.constant 0 : i32
      %dma_wait3A_117 = tpu.memref_slice %arg2[%dma_wait3A_115, %dma_wait3A_116] : memref<8192x128xf32, #tpu.memory_space<hbm>> -> memref<8192x128xf32, #tpu.memory_space<hbm>>
      tpu.wait_indirect_dma semaphore(%arg8 : memref<!tpu.dma_semaphore, #tpu.memory_space<semaphore_mem>>) src(%dma_wait3A_117 : memref<8192x128xf32, #tpu.memory_space<hbm>>) dst(%dma_wait3A_113 : memref<128x128xf32, #tpu.memory_space<vmem>>)
      %mul3A_118 = arith.constant 256 : i32
      %mul3A_119 = arith.muli %add3A_79, %mul3A_118 : i32
      %add3A_120 = arith.constant 128 : i32
      %add3A_121 = arith.addi %mul3A_119, %add3A_120 : i32
      %dma_wait3A_122 = arith.constant 128 : i32
      %dma_wait3A_123 = arith.constant 0 : i32
      %dma_wait3A_124 = tpu.memref_slice %arg7[%dma_wait3A_122, %dma_wait3A_123] : memref<256x128xf32, #tpu.memory_space<vmem>> -> memref<128x128xf32, #tpu.memory_space<vmem>>
      %dma_wait3A_125 = tpu.memref_slice %arg5[%add3A_121] : memref<5120xi32, #tpu.memory_space<vmem>> -> memref<128xi32, #tpu.memory_space<vmem>>
      %dma_wait3A_126 = arith.constant 0 : i32
      %dma_wait3A_127 = arith.constant 0 : i32
      %dma_wait3A_128 = tpu.memref_slice %arg2[%dma_wait3A_126, %dma_wait3A_127] : memref<8192x128xf32, #tpu.memory_space<hbm>> -> memref<8192x128xf32, #tpu.memory_space<hbm>>
      tpu.wait_indirect_dma semaphore(%arg8 : memref<!tpu.dma_semaphore, #tpu.memory_space<semaphore_mem>>) src(%dma_wait3A_128 : memref<8192x128xf32, #tpu.memory_space<hbm>>) dst(%dma_wait3A_124 : memref<128x128xf32, #tpu.memory_space<vmem>>)
      %mul3A_129 = arith.constant 256 : i32
      %mul3A_130 = arith.muli %add3A_79, %mul3A_129 : i32
      %add3A_131 = arith.addi %mul3A_2, %mul3A_130 : i32
      %dma_start3A_132 = arith.constant 0 : i32
      %dma_start3A_133 = tpu.memref_slice %arg4[%add3A_131, %dma_start3A_132] : memref<163840x128xf32, #tpu.memory_space<hbm>> -> memref<256x128xf32, #tpu.memory_space<hbm>>
      %dma_start3A_134 = arith.constant 0 : i32
      %dma_start3A_135 = tpu.memref_slice %arg4[%add3A_131, %dma_start3A_134] : memref<163840x128xf32, #tpu.memory_space<hbm>> -> memref<256x128xf32, #tpu.memory_space<hbm>>
      tpu.enqueue_dma source(%arg7 : memref<256x128xf32, #tpu.memory_space<vmem>>) target(%dma_start3A_135 : memref<256x128xf32, #tpu.memory_space<hbm>>) target_semaphore(%arg10 : memref<!tpu.dma_semaphore, #tpu.memory_space<semaphore_mem>>)
    }
    %scan3A_7 = arith.constant 10 : i32
    %add3A_8 = arith.constant 4608 : i32
    %add3A_9 = arith.addi %mul3A_2, %add3A_8 : i32
    %dma_wait3A = arith.constant 0 : i32
    %dma_wait3A_10 = tpu.memref_slice %arg4[%add3A_9, %dma_wait3A] : memref<163840x128xf32, #tpu.memory_space<hbm>> -> memref<256x128xf32, #tpu.memory_space<hbm>>
    %dma_wait3A_11 = arith.constant 0 : i32
    %dma_wait3A_12 = tpu.memref_slice %arg4[%add3A_9, %dma_wait3A_11] : memref<163840x128xf32, #tpu.memory_space<hbm>> -> memref<256x128xf32, #tpu.memory_space<hbm>>
    tpu.wait_dma2 semaphore(%arg9 : memref<!tpu.dma_semaphore, #tpu.memory_space<semaphore_mem>>) src(%arg6 : memref<256x128xf32, #tpu.memory_space<vmem>>) dst(%dma_wait3A_12 : memref<256x128xf32, #tpu.memory_space<hbm>>)
    %add3A_13 = arith.constant 4864 : i32
    %add3A_14 = arith.addi %mul3A_2, %add3A_13 : i32
    %dma_wait3A_15 = arith.constant 0 : i32
    %dma_wait3A_16 = tpu.memref_slice %arg4[%add3A_14, %dma_wait3A_15] : memref<163840x128xf32, #tpu.memory_space<hbm>> -> memref<256x128xf32, #tpu.memory_space<hbm>>
    %dma_wait3A_17 = arith.constant 0 : i32
    %dma_wait3A_18 = tpu.memref_slice %arg4[%add3A_14, %dma_wait3A_17] : memref<163840x128xf32, #tpu.memory_space<hbm>> -> memref<256x128xf32, #tpu.memory_space<hbm>>
    tpu.wait_dma2 semaphore(%arg10 : memref<!tpu.dma_semaphore, #tpu.memory_space<semaphore_mem>>) src(%arg7 : memref<256x128xf32, #tpu.memory_space<vmem>>) dst(%dma_wait3A_18 : memref<256x128xf32, #tpu.memory_space<hbm>>)
    return
  }
}

#map = affine_map<(d0, d1) -> (0, 0)>
#map1 = affine_map<(d0, d1) -> (0)>
module attributes {stable_mosaic.version = 14 : i64} {
  func.func @_sc_gather(%arg0: i32, %arg1: i32, %arg2: memref<8192x128xf32, #tpu.memory_space<hbm>>, %arg3: memref<163840xi32, #tpu.memory_space<hbm>>, %arg4: memref<163840x128xf32, #tpu.memory_space<hbm>>, %arg5: memref<5120xi32, #tpu.memory_space<vmem>>, %arg6: memref<256x128xf32, #tpu.memory_space<vmem>>, %arg7: memref<256x128xf32, #tpu.memory_space<vmem>>, %arg8: memref<!tpu.dma_semaphore, #tpu.memory_space<semaphore_mem>>, %arg9: memref<!tpu.dma_semaphore, #tpu.memory_space<semaphore_mem>>, %arg10: memref<!tpu.dma_semaphore, #tpu.memory_space<semaphore_mem>>) attributes {dimension_semantics = [#tpu.dimension_semantics<core_parallel>, #tpu.dimension_semantics<subcore_parallel>], iteration_bounds = array<i64: 2, 16>, scalar_prefetch = 0 : i64, scratch_operands = 6 : i64, tpu.core_type = #tpu.core_type<sc_vector_subcore>, window_params = [{transform_indices = #map}, {transform_indices = #map1}, {transform_indices = #map}]} {
    %mul3A = arith.constant 2 : i32
    %mul3A_0 = arith.muli %arg1, %mul3A : i32
    %add3A = arith.addi %mul3A_0, %arg0 : i32
    %mul3A_1 = arith.constant 5120 : i32
    %mul3A_2 = arith.muli %add3A, %mul3A_1 : i32
    "tpu.region"() ({
      %run_scoped3A = tpu.sem_alloc : memref<!tpu.dma_semaphore, #tpu.memory_space<semaphore_mem>>
      %dma_start3A = tpu.memref_slice %arg3[%mul3A_2] : memref<163840xi32, #tpu.memory_space<hbm>> -> memref<5120xi32, #tpu.memory_space<hbm>>
      %dma_start3A_19 = tpu.memref_slice %arg3[%mul3A_2] : memref<163840xi32, #tpu.memory_space<hbm>> -> memref<5120xi32, #tpu.memory_space<hbm>>
      tpu.enqueue_dma source(%dma_start3A_19 : memref<5120xi32, #tpu.memory_space<hbm>>) target(%arg5 : memref<5120xi32, #tpu.memory_space<vmem>>) target_semaphore(%run_scoped3A : memref<!tpu.dma_semaphore, #tpu.memory_space<semaphore_mem>>)
      %dma_wait3A_20 = tpu.memref_slice %arg3[%mul3A_2] : memref<163840xi32, #tpu.memory_space<hbm>> -> memref<5120xi32, #tpu.memory_space<hbm>>
      %dma_wait3A_21 = tpu.memref_slice %arg3[%mul3A_2] : memref<163840xi32, #tpu.memory_space<hbm>> -> memref<5120xi32, #tpu.memory_space<hbm>>
      tpu.wait_dma2 semaphore(%run_scoped3A : memref<!tpu.dma_semaphore, #tpu.memory_space<semaphore_mem>>) src(%dma_wait3A_21 : memref<5120xi32, #tpu.memory_space<hbm>>) dst(%arg5 : memref<5120xi32, #tpu.memory_space<vmem>>)
      tpu.yield
    }) : () -> ()
    %scan3A = arith.constant 0 : i32
    %scan3A_3 = arith.constant 0 : i32
    %scan3A_4 = arith.constant 10 : i32
    %scan3A_5 = arith.addi %scan3A_3, %scan3A_4 : i32
    %scan3A_6 = arith.constant 1 : i32
    scf.for %scan3A_19 = %scan3A_3 to %scan3A_5 step %scan3A_6  : i32 {
      %mul3A_20 = arith.constant 2 : i32
      %mul3A_21 = arith.muli %mul3A_20, %scan3A_19 : i32
      %add3A_22 = arith.constant 0 : i32
      %add3A_23 = arith.addi %mul3A_21, %add3A_22 : i32
      %gt3A = arith.constant 0 : i32
      %gt3A_24 = arith.cmpi sgt, %scan3A_19, %gt3A : i32
      %convert_element_type3A = arith.extui %gt3A_24 : i1 to i32
      %cond3A = arith.constant 0 : i32
      %cond3A_25 = arith.cmpi ne, %convert_element_type3A, %cond3A : i32
      scf.if %cond3A_25 {
        %sub3A = arith.constant 2 : i32
        %sub3A_136 = arith.subi %add3A_23, %sub3A : i32
        %mul3A_137 = arith.constant 256 : i32
        %mul3A_138 = arith.muli %sub3A_136, %mul3A_137 : i32
        %add3A_139 = arith.addi %mul3A_2, %mul3A_138 : i32
        %dma_wait3A_140 = arith.constant 0 : i32
        %dma_wait3A_141 = tpu.memref_slice %arg4[%add3A_139, %dma_wait3A_140] : memref<163840x128xf32, #tpu.memory_space<hbm>> -> memref<256x128xf32, #tpu.memory_space<hbm>>
        %dma_wait3A_142 = arith.constant 0 : i32
        %dma_wait3A_143 = tpu.memref_slice %arg4[%add3A_139, %dma_wait3A_142] : memref<163840x128xf32, #tpu.memory_space<hbm>> -> memref<256x128xf32, #tpu.memory_space<hbm>>
        tpu.wait_dma2 semaphore(%arg9 : memref<!tpu.dma_semaphore, #tpu.memory_space<semaphore_mem>>) src(%arg6 : memref<256x128xf32, #tpu.memory_space<vmem>>) dst(%dma_wait3A_143 : memref<256x128xf32, #tpu.memory_space<hbm>>)
      } else {
      }
      %mul3A_26 = arith.constant 256 : i32
      %mul3A_27 = arith.muli %add3A_23, %mul3A_26 : i32
      %add3A_28 = arith.constant 0 : i32
      %add3A_29 = arith.addi %mul3A_27, %add3A_28 : i32
      %dma_start3A = arith.constant 0 : i32
      %dma_start3A_30 = arith.constant 0 : i32
      %dma_start3A_31 = tpu.memref_slice %arg6[%dma_start3A, %dma_start3A_30] : memref<256x128xf32, #tpu.memory_space<vmem>> -> memref<128x128xf32, #tpu.memory_space<vmem>>
      %dma_start3A_32 = tpu.memref_slice %arg5[%add3A_29] : memref<5120xi32, #tpu.memory_space<vmem>> -> memref<128xi32, #tpu.memory_space<vmem>>
      %dma_start3A_33 = arith.constant 0 : i32
      %dma_start3A_34 = arith.constant 0 : i32
      %dma_start3A_35 = tpu.memref_slice %arg2[%dma_start3A_33, %dma_start3A_34] : memref<8192x128xf32, #tpu.memory_space<hbm>> -> memref<8192x128xf32, #tpu.memory_space<hbm>>
      tpu.enqueue_indirect_dma source(%dma_start3A_35 : memref<8192x128xf32, #tpu.memory_space<hbm>>) target(%dma_start3A_31 : memref<128x128xf32, #tpu.memory_space<vmem>>) offsets(%dma_start3A_32 : memref<128xi32, #tpu.memory_space<vmem>>) semaphore(%arg8 : memref<!tpu.dma_semaphore, #tpu.memory_space<semaphore_mem>>)
      %mul3A_36 = arith.constant 256 : i32
      %mul3A_37 = arith.muli %add3A_23, %mul3A_36 : i32
      %add3A_38 = arith.constant 128 : i32
      %add3A_39 = arith.addi %mul3A_37, %add3A_38 : i32
      %dma_start3A_40 = arith.constant 128 : i32
      %dma_start3A_41 = arith.constant 0 : i32
      %dma_start3A_42 = tpu.memref_slice %arg6[%dma_start3A_40, %dma_start3A_41] : memref<256x128xf32, #tpu.memory_space<vmem>> -> memref<128x128xf32, #tpu.memory_space<vmem>>
      %dma_start3A_43 = tpu.memref_slice %arg5[%add3A_39] : memref<5120xi32, #tpu.memory_space<vmem>> -> memref<128xi32, #tpu.memory_space<vmem>>
      %dma_start3A_44 = arith.constant 0 : i32
      %dma_start3A_45 = arith.constant 0 : i32
      %dma_start3A_46 = tpu.memref_slice %arg2[%dma_start3A_44, %dma_start3A_45] : memref<8192x128xf32, #tpu.memory_space<hbm>> -> memref<8192x128xf32, #tpu.memory_space<hbm>>
      tpu.enqueue_indirect_dma source(%dma_start3A_46 : memref<8192x128xf32, #tpu.memory_space<hbm>>) target(%dma_start3A_42 : memref<128x128xf32, #tpu.memory_space<vmem>>) offsets(%dma_start3A_43 : memref<128xi32, #tpu.memory_space<vmem>>) semaphore(%arg8 : memref<!tpu.dma_semaphore, #tpu.memory_space<semaphore_mem>>)
      %mul3A_47 = arith.constant 256 : i32
      %mul3A_48 = arith.muli %add3A_23, %mul3A_47 : i32
      %add3A_49 = arith.constant 0 : i32
      %add3A_50 = arith.addi %mul3A_48, %add3A_49 : i32
      %dma_wait3A_51 = arith.constant 0 : i32
      %dma_wait3A_52 = arith.constant 0 : i32
      %dma_wait3A_53 = tpu.memref_slice %arg6[%dma_wait3A_51, %dma_wait3A_52] : memref<256x128xf32, #tpu.memory_space<vmem>> -> memref<128x128xf32, #tpu.memory_space<vmem>>
      %dma_wait3A_54 = tpu.memref_slice %arg5[%add3A_50] : memref<5120xi32, #tpu.memory_space<vmem>> -> memref<128xi32, #tpu.memory_space<vmem>>
      %dma_wait3A_55 = arith.constant 0 : i32
      %dma_wait3A_56 = arith.constant 0 : i32
      %dma_wait3A_57 = tpu.memref_slice %arg2[%dma_wait3A_55, %dma_wait3A_56] : memref<8192x128xf32, #tpu.memory_space<hbm>> -> memref<8192x128xf32, #tpu.memory_space<hbm>>
      tpu.wait_indirect_dma semaphore(%arg8 : memref<!tpu.dma_semaphore, #tpu.memory_space<semaphore_mem>>) src(%dma_wait3A_57 : memref<8192x128xf32, #tpu.memory_space<hbm>>) dst(%dma_wait3A_53 : memref<128x128xf32, #tpu.memory_space<vmem>>)
      %mul3A_58 = arith.constant 256 : i32
      %mul3A_59 = arith.muli %add3A_23, %mul3A_58 : i32
      %add3A_60 = arith.constant 128 : i32
      %add3A_61 = arith.addi %mul3A_59, %add3A_60 : i32
      %dma_wait3A_62 = arith.constant 128 : i32
      %dma_wait3A_63 = arith.constant 0 : i32
      %dma_wait3A_64 = tpu.memref_slice %arg6[%dma_wait3A_62, %dma_wait3A_63] : memref<256x128xf32, #tpu.memory_space<vmem>> -> memref<128x128xf32, #tpu.memory_space<vmem>>
      %dma_wait3A_65 = tpu.memref_slice %arg5[%add3A_61] : memref<5120xi32, #tpu.memory_space<vmem>> -> memref<128xi32, #tpu.memory_space<vmem>>
      %dma_wait3A_66 = arith.constant 0 : i32
      %dma_wait3A_67 = arith.constant 0 : i32
      %dma_wait3A_68 = tpu.memref_slice %arg2[%dma_wait3A_66, %dma_wait3A_67] : memref<8192x128xf32, #tpu.memory_space<hbm>> -> memref<8192x128xf32, #tpu.memory_space<hbm>>
      tpu.wait_indirect_dma semaphore(%arg8 : memref<!tpu.dma_semaphore, #tpu.memory_space<semaphore_mem>>) src(%dma_wait3A_68 : memref<8192x128xf32, #tpu.memory_space<hbm>>) dst(%dma_wait3A_64 : memref<128x128xf32, #tpu.memory_space<vmem>>)
      %mul3A_69 = arith.constant 256 : i32
      %mul3A_70 = arith.muli %add3A_23, %mul3A_69 : i32
      %add3A_71 = arith.addi %mul3A_2, %mul3A_70 : i32
      %dma_start3A_72 = arith.constant 0 : i32
      %dma_start3A_73 = tpu.memref_slice %arg4[%add3A_71, %dma_start3A_72] : memref<163840x128xf32, #tpu.memory_space<hbm>> -> memref<256x128xf32, #tpu.memory_space<hbm>>
      %dma_start3A_74 = arith.constant 0 : i32
      %dma_start3A_75 = tpu.memref_slice %arg4[%add3A_71, %dma_start3A_74] : memref<163840x128xf32, #tpu.memory_space<hbm>> -> memref<256x128xf32, #tpu.memory_space<hbm>>
      tpu.enqueue_dma source(%arg6 : memref<256x128xf32, #tpu.memory_space<vmem>>) target(%dma_start3A_75 : memref<256x128xf32, #tpu.memory_space<hbm>>) target_semaphore(%arg9 : memref<!tpu.dma_semaphore, #tpu.memory_space<semaphore_mem>>)
      %mul3A_76 = arith.constant 2 : i32
      %mul3A_77 = arith.muli %mul3A_76, %scan3A_19 : i32
      %add3A_78 = arith.constant 1 : i32
      %add3A_79 = arith.addi %mul3A_77, %add3A_78 : i32
      %gt3A_80 = arith.constant 0 : i32
      %gt3A_81 = arith.cmpi sgt, %scan3A_19, %gt3A_80 : i32
      %convert_element_type3A_82 = arith.extui %gt3A_81 : i1 to i32
      %cond3A_83 = arith.constant 0 : i32
      %cond3A_84 = arith.cmpi ne, %convert_element_type3A_82, %cond3A_83 : i32
      scf.if %cond3A_84 {
        %sub3A = arith.constant 2 : i32
        %sub3A_136 = arith.subi %add3A_79, %sub3A : i32
        %mul3A_137 = arith.constant 256 : i32
        %mul3A_138 = arith.muli %sub3A_136, %mul3A_137 : i32
        %add3A_139 = arith.addi %mul3A_2, %mul3A_138 : i32
        %dma_wait3A_140 = arith.constant 0 : i32
        %dma_wait3A_141 = tpu.memref_slice %arg4[%add3A_139, %dma_wait3A_140] : memref<163840x128xf32, #tpu.memory_space<hbm>> -> memref<256x128xf32, #tpu.memory_space<hbm>>
        %dma_wait3A_142 = arith.constant 0 : i32
        %dma_wait3A_143 = tpu.memref_slice %arg4[%add3A_139, %dma_wait3A_142] : memref<163840x128xf32, #tpu.memory_space<hbm>> -> memref<256x128xf32, #tpu.memory_space<hbm>>
        tpu.wait_dma2 semaphore(%arg10 : memref<!tpu.dma_semaphore, #tpu.memory_space<semaphore_mem>>) src(%arg7 : memref<256x128xf32, #tpu.memory_space<vmem>>) dst(%dma_wait3A_143 : memref<256x128xf32, #tpu.memory_space<hbm>>)
      } else {
      }
      %mul3A_85 = arith.constant 256 : i32
      %mul3A_86 = arith.muli %add3A_79, %mul3A_85 : i32
      %add3A_87 = arith.constant 0 : i32
      %add3A_88 = arith.addi %mul3A_86, %add3A_87 : i32
      %dma_start3A_89 = arith.constant 0 : i32
      %dma_start3A_90 = arith.constant 0 : i32
      %dma_start3A_91 = tpu.memref_slice %arg7[%dma_start3A_89, %dma_start3A_90] : memref<256x128xf32, #tpu.memory_space<vmem>> -> memref<128x128xf32, #tpu.memory_space<vmem>>
      %dma_start3A_92 = tpu.memref_slice %arg5[%add3A_88] : memref<5120xi32, #tpu.memory_space<vmem>> -> memref<128xi32, #tpu.memory_space<vmem>>
      %dma_start3A_93 = arith.constant 0 : i32
      %dma_start3A_94 = arith.constant 0 : i32
      %dma_start3A_95 = tpu.memref_slice %arg2[%dma_start3A_93, %dma_start3A_94] : memref<8192x128xf32, #tpu.memory_space<hbm>> -> memref<8192x128xf32, #tpu.memory_space<hbm>>
      tpu.enqueue_indirect_dma source(%dma_start3A_95 : memref<8192x128xf32, #tpu.memory_space<hbm>>) target(%dma_start3A_91 : memref<128x128xf32, #tpu.memory_space<vmem>>) offsets(%dma_start3A_92 : memref<128xi32, #tpu.memory_space<vmem>>) semaphore(%arg8 : memref<!tpu.dma_semaphore, #tpu.memory_space<semaphore_mem>>)
      %mul3A_96 = arith.constant 256 : i32
      %mul3A_97 = arith.muli %add3A_79, %mul3A_96 : i32
      %add3A_98 = arith.constant 128 : i32
      %add3A_99 = arith.addi %mul3A_97, %add3A_98 : i32
      %dma_start3A_100 = arith.constant 128 : i32
      %dma_start3A_101 = arith.constant 0 : i32
      %dma_start3A_102 = tpu.memref_slice %arg7[%dma_start3A_100, %dma_start3A_101] : memref<256x128xf32, #tpu.memory_space<vmem>> -> memref<128x128xf32, #tpu.memory_space<vmem>>
      %dma_start3A_103 = tpu.memref_slice %arg5[%add3A_99] : memref<5120xi32, #tpu.memory_space<vmem>> -> memref<128xi32, #tpu.memory_space<vmem>>
      %dma_start3A_104 = arith.constant 0 : i32
      %dma_start3A_105 = arith.constant 0 : i32
      %dma_start3A_106 = tpu.memref_slice %arg2[%dma_start3A_104, %dma_start3A_105] : memref<8192x128xf32, #tpu.memory_space<hbm>> -> memref<8192x128xf32, #tpu.memory_space<hbm>>
      tpu.enqueue_indirect_dma source(%dma_start3A_106 : memref<8192x128xf32, #tpu.memory_space<hbm>>) target(%dma_start3A_102 : memref<128x128xf32, #tpu.memory_space<vmem>>) offsets(%dma_start3A_103 : memref<128xi32, #tpu.memory_space<vmem>>) semaphore(%arg8 : memref<!tpu.dma_semaphore, #tpu.memory_space<semaphore_mem>>)
      %mul3A_107 = arith.constant 256 : i32
      %mul3A_108 = arith.muli %add3A_79, %mul3A_107 : i32
      %add3A_109 = arith.constant 0 : i32
      %add3A_110 = arith.addi %mul3A_108, %add3A_109 : i32
      %dma_wait3A_111 = arith.constant 0 : i32
      %dma_wait3A_112 = arith.constant 0 : i32
      %dma_wait3A_113 = tpu.memref_slice %arg7[%dma_wait3A_111, %dma_wait3A_112] : memref<256x128xf32, #tpu.memory_space<vmem>> -> memref<128x128xf32, #tpu.memory_space<vmem>>
      %dma_wait3A_114 = tpu.memref_slice %arg5[%add3A_110] : memref<5120xi32, #tpu.memory_space<vmem>> -> memref<128xi32, #tpu.memory_space<vmem>>
      %dma_wait3A_115 = arith.constant 0 : i32
      %dma_wait3A_116 = arith.constant 0 : i32
      %dma_wait3A_117 = tpu.memref_slice %arg2[%dma_wait3A_115, %dma_wait3A_116] : memref<8192x128xf32, #tpu.memory_space<hbm>> -> memref<8192x128xf32, #tpu.memory_space<hbm>>
      tpu.wait_indirect_dma semaphore(%arg8 : memref<!tpu.dma_semaphore, #tpu.memory_space<semaphore_mem>>) src(%dma_wait3A_117 : memref<8192x128xf32, #tpu.memory_space<hbm>>) dst(%dma_wait3A_113 : memref<128x128xf32, #tpu.memory_space<vmem>>)
      %mul3A_118 = arith.constant 256 : i32
      %mul3A_119 = arith.muli %add3A_79, %mul3A_118 : i32
      %add3A_120 = arith.constant 128 : i32
      %add3A_121 = arith.addi %mul3A_119, %add3A_120 : i32
      %dma_wait3A_122 = arith.constant 128 : i32
      %dma_wait3A_123 = arith.constant 0 : i32
      %dma_wait3A_124 = tpu.memref_slice %arg7[%dma_wait3A_122, %dma_wait3A_123] : memref<256x128xf32, #tpu.memory_space<vmem>> -> memref<128x128xf32, #tpu.memory_space<vmem>>
      %dma_wait3A_125 = tpu.memref_slice %arg5[%add3A_121] : memref<5120xi32, #tpu.memory_space<vmem>> -> memref<128xi32, #tpu.memory_space<vmem>>
      %dma_wait3A_126 = arith.constant 0 : i32
      %dma_wait3A_127 = arith.constant 0 : i32
      %dma_wait3A_128 = tpu.memref_slice %arg2[%dma_wait3A_126, %dma_wait3A_127] : memref<8192x128xf32, #tpu.memory_space<hbm>> -> memref<8192x128xf32, #tpu.memory_space<hbm>>
      tpu.wait_indirect_dma semaphore(%arg8 : memref<!tpu.dma_semaphore, #tpu.memory_space<semaphore_mem>>) src(%dma_wait3A_128 : memref<8192x128xf32, #tpu.memory_space<hbm>>) dst(%dma_wait3A_124 : memref<128x128xf32, #tpu.memory_space<vmem>>)
      %mul3A_129 = arith.constant 256 : i32
      %mul3A_130 = arith.muli %add3A_79, %mul3A_129 : i32
      %add3A_131 = arith.addi %mul3A_2, %mul3A_130 : i32
      %dma_start3A_132 = arith.constant 0 : i32
      %dma_start3A_133 = tpu.memref_slice %arg4[%add3A_131, %dma_start3A_132] : memref<163840x128xf32, #tpu.memory_space<hbm>> -> memref<256x128xf32, #tpu.memory_space<hbm>>
      %dma_start3A_134 = arith.constant 0 : i32
      %dma_start3A_135 = tpu.memref_slice %arg4[%add3A_131, %dma_start3A_134] : memref<163840x128xf32, #tpu.memory_space<hbm>> -> memref<256x128xf32, #tpu.memory_space<hbm>>
      tpu.enqueue_dma source(%arg7 : memref<256x128xf32, #tpu.memory_space<vmem>>) target(%dma_start3A_135 : memref<256x128xf32, #tpu.memory_space<hbm>>) target_semaphore(%arg10 : memref<!tpu.dma_semaphore, #tpu.memory_space<semaphore_mem>>)
    }
    %scan3A_7 = arith.constant 10 : i32
    %add3A_8 = arith.constant 4608 : i32
    %add3A_9 = arith.addi %mul3A_2, %add3A_8 : i32
    %dma_wait3A = arith.constant 0 : i32
    %dma_wait3A_10 = tpu.memref_slice %arg4[%add3A_9, %dma_wait3A] : memref<163840x128xf32, #tpu.memory_space<hbm>> -> memref<256x128xf32, #tpu.memory_space<hbm>>
    %dma_wait3A_11 = arith.constant 0 : i32
    %dma_wait3A_12 = tpu.memref_slice %arg4[%add3A_9, %dma_wait3A_11] : memref<163840x128xf32, #tpu.memory_space<hbm>> -> memref<256x128xf32, #tpu.memory_space<hbm>>
    tpu.wait_dma2 semaphore(%arg9 : memref<!tpu.dma_semaphore, #tpu.memory_space<semaphore_mem>>) src(%arg6 : memref<256x128xf32, #tpu.memory_space<vmem>>) dst(%dma_wait3A_12 : memref<256x128xf32, #tpu.memory_space<hbm>>)
    %add3A_13 = arith.constant 4864 : i32
    %add3A_14 = arith.addi %mul3A_2, %add3A_13 : i32
    %dma_wait3A_15 = arith.constant 0 : i32
    %dma_wait3A_16 = tpu.memref_slice %arg4[%add3A_14, %dma_wait3A_15] : memref<163840x128xf32, #tpu.memory_space<hbm>> -> memref<256x128xf32, #tpu.memory_space<hbm>>
    %dma_wait3A_17 = arith.constant 0 : i32
    %dma_wait3A_18 = tpu.memref_slice %arg4[%add3A_14, %dma_wait3A_17] : memref<163840x128xf32, #tpu.memory_space<hbm>> -> memref<256x128xf32, #tpu.memory_space<hbm>>
    tpu.wait_dma2 semaphore(%arg10 : memref<!tpu.dma_semaphore, #tpu.memory_space<semaphore_mem>>) src(%arg7 : memref<256x128xf32, #tpu.memory_space<vmem>>) dst(%dma_wait3A_18 : memref<256x128xf32, #tpu.memory_space<hbm>>)
    return
  }
}

#map = affine_map<(d0, d1) -> (0, 0)>
#map1 = affine_map<(d0, d1) -> (0)>
module attributes {stable_mosaic.version = 14 : i64} {
  func.func @_sc_gather(%arg0: i32, %arg1: i32, %arg2: memref<8192x128xf32, #tpu.memory_space<hbm>>, %arg3: memref<163840xi32, #tpu.memory_space<hbm>>, %arg4: memref<163840x128xf32, #tpu.memory_space<hbm>>, %arg5: memref<5120xi32, #tpu.memory_space<vmem>>, %arg6: memref<256x128xf32, #tpu.memory_space<vmem>>, %arg7: memref<256x128xf32, #tpu.memory_space<vmem>>, %arg8: memref<!tpu.dma_semaphore, #tpu.memory_space<semaphore_mem>>, %arg9: memref<!tpu.dma_semaphore, #tpu.memory_space<semaphore_mem>>, %arg10: memref<!tpu.dma_semaphore, #tpu.memory_space<semaphore_mem>>) attributes {dimension_semantics = [#tpu.dimension_semantics<core_parallel>, #tpu.dimension_semantics<subcore_parallel>], iteration_bounds = array<i64: 2, 16>, scalar_prefetch = 0 : i64, scratch_operands = 6 : i64, tpu.core_type = #tpu.core_type<sc_vector_subcore>, window_params = [{transform_indices = #map}, {transform_indices = #map1}, {transform_indices = #map}]} {
    %mul3A = arith.constant 2 : i32
    %mul3A_0 = arith.muli %arg1, %mul3A : i32
    %add3A = arith.addi %mul3A_0, %arg0 : i32
    %mul3A_1 = arith.constant 5120 : i32
    %mul3A_2 = arith.muli %add3A, %mul3A_1 : i32
    "tpu.region"() ({
      %run_scoped3A = tpu.sem_alloc : memref<!tpu.dma_semaphore, #tpu.memory_space<semaphore_mem>>
      %dma_start3A = tpu.memref_slice %arg3[%mul3A_2] : memref<163840xi32, #tpu.memory_space<hbm>> -> memref<5120xi32, #tpu.memory_space<hbm>>
      %dma_start3A_19 = tpu.memref_slice %arg3[%mul3A_2] : memref<163840xi32, #tpu.memory_space<hbm>> -> memref<5120xi32, #tpu.memory_space<hbm>>
      tpu.enqueue_dma source(%dma_start3A_19 : memref<5120xi32, #tpu.memory_space<hbm>>) target(%arg5 : memref<5120xi32, #tpu.memory_space<vmem>>) target_semaphore(%run_scoped3A : memref<!tpu.dma_semaphore, #tpu.memory_space<semaphore_mem>>)
      %dma_wait3A_20 = tpu.memref_slice %arg3[%mul3A_2] : memref<163840xi32, #tpu.memory_space<hbm>> -> memref<5120xi32, #tpu.memory_space<hbm>>
      %dma_wait3A_21 = tpu.memref_slice %arg3[%mul3A_2] : memref<163840xi32, #tpu.memory_space<hbm>> -> memref<5120xi32, #tpu.memory_space<hbm>>
      tpu.wait_dma2 semaphore(%run_scoped3A : memref<!tpu.dma_semaphore, #tpu.memory_space<semaphore_mem>>) src(%dma_wait3A_21 : memref<5120xi32, #tpu.memory_space<hbm>>) dst(%arg5 : memref<5120xi32, #tpu.memory_space<vmem>>)
      tpu.yield
    }) : () -> ()
    %scan3A = arith.constant 0 : i32
    %scan3A_3 = arith.constant 0 : i32
    %scan3A_4 = arith.constant 10 : i32
    %scan3A_5 = arith.addi %scan3A_3, %scan3A_4 : i32
    %scan3A_6 = arith.constant 1 : i32
    scf.for %scan3A_19 = %scan3A_3 to %scan3A_5 step %scan3A_6  : i32 {
      %mul3A_20 = arith.constant 2 : i32
      %mul3A_21 = arith.muli %mul3A_20, %scan3A_19 : i32
      %add3A_22 = arith.constant 0 : i32
      %add3A_23 = arith.addi %mul3A_21, %add3A_22 : i32
      %gt3A = arith.constant 0 : i32
      %gt3A_24 = arith.cmpi sgt, %scan3A_19, %gt3A : i32
      %convert_element_type3A = arith.extui %gt3A_24 : i1 to i32
      %cond3A = arith.constant 0 : i32
      %cond3A_25 = arith.cmpi ne, %convert_element_type3A, %cond3A : i32
      scf.if %cond3A_25 {
        %sub3A = arith.constant 2 : i32
        %sub3A_136 = arith.subi %add3A_23, %sub3A : i32
        %mul3A_137 = arith.constant 256 : i32
        %mul3A_138 = arith.muli %sub3A_136, %mul3A_137 : i32
        %add3A_139 = arith.addi %mul3A_2, %mul3A_138 : i32
        %dma_wait3A_140 = arith.constant 0 : i32
        %dma_wait3A_141 = tpu.memref_slice %arg4[%add3A_139, %dma_wait3A_140] : memref<163840x128xf32, #tpu.memory_space<hbm>> -> memref<256x128xf32, #tpu.memory_space<hbm>>
        %dma_wait3A_142 = arith.constant 0 : i32
        %dma_wait3A_143 = tpu.memref_slice %arg4[%add3A_139, %dma_wait3A_142] : memref<163840x128xf32, #tpu.memory_space<hbm>> -> memref<256x128xf32, #tpu.memory_space<hbm>>
        tpu.wait_dma2 semaphore(%arg9 : memref<!tpu.dma_semaphore, #tpu.memory_space<semaphore_mem>>) src(%arg6 : memref<256x128xf32, #tpu.memory_space<vmem>>) dst(%dma_wait3A_143 : memref<256x128xf32, #tpu.memory_space<hbm>>)
      } else {
      }
      %mul3A_26 = arith.constant 256 : i32
      %mul3A_27 = arith.muli %add3A_23, %mul3A_26 : i32
      %add3A_28 = arith.constant 0 : i32
      %add3A_29 = arith.addi %mul3A_27, %add3A_28 : i32
      %dma_start3A = arith.constant 0 : i32
      %dma_start3A_30 = arith.constant 0 : i32
      %dma_start3A_31 = tpu.memref_slice %arg6[%dma_start3A, %dma_start3A_30] : memref<256x128xf32, #tpu.memory_space<vmem>> -> memref<128x128xf32, #tpu.memory_space<vmem>>
      %dma_start3A_32 = tpu.memref_slice %arg5[%add3A_29] : memref<5120xi32, #tpu.memory_space<vmem>> -> memref<128xi32, #tpu.memory_space<vmem>>
      %dma_start3A_33 = arith.constant 0 : i32
      %dma_start3A_34 = arith.constant 0 : i32
      %dma_start3A_35 = tpu.memref_slice %arg2[%dma_start3A_33, %dma_start3A_34] : memref<8192x128xf32, #tpu.memory_space<hbm>> -> memref<8192x128xf32, #tpu.memory_space<hbm>>
      tpu.enqueue_indirect_dma source(%dma_start3A_35 : memref<8192x128xf32, #tpu.memory_space<hbm>>) target(%dma_start3A_31 : memref<128x128xf32, #tpu.memory_space<vmem>>) offsets(%dma_start3A_32 : memref<128xi32, #tpu.memory_space<vmem>>) semaphore(%arg8 : memref<!tpu.dma_semaphore, #tpu.memory_space<semaphore_mem>>)
      %mul3A_36 = arith.constant 256 : i32
      %mul3A_37 = arith.muli %add3A_23, %mul3A_36 : i32
      %add3A_38 = arith.constant 128 : i32
      %add3A_39 = arith.addi %mul3A_37, %add3A_38 : i32
      %dma_start3A_40 = arith.constant 128 : i32
      %dma_start3A_41 = arith.constant 0 : i32
      %dma_start3A_42 = tpu.memref_slice %arg6[%dma_start3A_40, %dma_start3A_41] : memref<256x128xf32, #tpu.memory_space<vmem>> -> memref<128x128xf32, #tpu.memory_space<vmem>>
      %dma_start3A_43 = tpu.memref_slice %arg5[%add3A_39] : memref<5120xi32, #tpu.memory_space<vmem>> -> memref<128xi32, #tpu.memory_space<vmem>>
      %dma_start3A_44 = arith.constant 0 : i32
      %dma_start3A_45 = arith.constant 0 : i32
      %dma_start3A_46 = tpu.memref_slice %arg2[%dma_start3A_44, %dma_start3A_45] : memref<8192x128xf32, #tpu.memory_space<hbm>> -> memref<8192x128xf32, #tpu.memory_space<hbm>>
      tpu.enqueue_indirect_dma source(%dma_start3A_46 : memref<8192x128xf32, #tpu.memory_space<hbm>>) target(%dma_start3A_42 : memref<128x128xf32, #tpu.memory_space<vmem>>) offsets(%dma_start3A_43 : memref<128xi32, #tpu.memory_space<vmem>>) semaphore(%arg8 : memref<!tpu.dma_semaphore, #tpu.memory_space<semaphore_mem>>)
      %mul3A_47 = arith.constant 256 : i32
      %mul3A_48 = arith.muli %add3A_23, %mul3A_47 : i32
      %add3A_49 = arith.constant 0 : i32
      %add3A_50 = arith.addi %mul3A_48, %add3A_49 : i32
      %dma_wait3A_51 = arith.constant 0 : i32
      %dma_wait3A_52 = arith.constant 0 : i32
      %dma_wait3A_53 = tpu.memref_slice %arg6[%dma_wait3A_51, %dma_wait3A_52] : memref<256x128xf32, #tpu.memory_space<vmem>> -> memref<128x128xf32, #tpu.memory_space<vmem>>
      %dma_wait3A_54 = tpu.memref_slice %arg5[%add3A_50] : memref<5120xi32, #tpu.memory_space<vmem>> -> memref<128xi32, #tpu.memory_space<vmem>>
      %dma_wait3A_55 = arith.constant 0 : i32
      %dma_wait3A_56 = arith.constant 0 : i32
      %dma_wait3A_57 = tpu.memref_slice %arg2[%dma_wait3A_55, %dma_wait3A_56] : memref<8192x128xf32, #tpu.memory_space<hbm>> -> memref<8192x128xf32, #tpu.memory_space<hbm>>
      tpu.wait_indirect_dma semaphore(%arg8 : memref<!tpu.dma_semaphore, #tpu.memory_space<semaphore_mem>>) src(%dma_wait3A_57 : memref<8192x128xf32, #tpu.memory_space<hbm>>) dst(%dma_wait3A_53 : memref<128x128xf32, #tpu.memory_space<vmem>>)
      %mul3A_58 = arith.constant 256 : i32
      %mul3A_59 = arith.muli %add3A_23, %mul3A_58 : i32
      %add3A_60 = arith.constant 128 : i32
      %add3A_61 = arith.addi %mul3A_59, %add3A_60 : i32
      %dma_wait3A_62 = arith.constant 128 : i32
      %dma_wait3A_63 = arith.constant 0 : i32
      %dma_wait3A_64 = tpu.memref_slice %arg6[%dma_wait3A_62, %dma_wait3A_63] : memref<256x128xf32, #tpu.memory_space<vmem>> -> memref<128x128xf32, #tpu.memory_space<vmem>>
      %dma_wait3A_65 = tpu.memref_slice %arg5[%add3A_61] : memref<5120xi32, #tpu.memory_space<vmem>> -> memref<128xi32, #tpu.memory_space<vmem>>
      %dma_wait3A_66 = arith.constant 0 : i32
      %dma_wait3A_67 = arith.constant 0 : i32
      %dma_wait3A_68 = tpu.memref_slice %arg2[%dma_wait3A_66, %dma_wait3A_67] : memref<8192x128xf32, #tpu.memory_space<hbm>> -> memref<8192x128xf32, #tpu.memory_space<hbm>>
      tpu.wait_indirect_dma semaphore(%arg8 : memref<!tpu.dma_semaphore, #tpu.memory_space<semaphore_mem>>) src(%dma_wait3A_68 : memref<8192x128xf32, #tpu.memory_space<hbm>>) dst(%dma_wait3A_64 : memref<128x128xf32, #tpu.memory_space<vmem>>)
      %mul3A_69 = arith.constant 256 : i32
      %mul3A_70 = arith.muli %add3A_23, %mul3A_69 : i32
      %add3A_71 = arith.addi %mul3A_2, %mul3A_70 : i32
      %dma_start3A_72 = arith.constant 0 : i32
      %dma_start3A_73 = tpu.memref_slice %arg4[%add3A_71, %dma_start3A_72] : memref<163840x128xf32, #tpu.memory_space<hbm>> -> memref<256x128xf32, #tpu.memory_space<hbm>>
      %dma_start3A_74 = arith.constant 0 : i32
      %dma_start3A_75 = tpu.memref_slice %arg4[%add3A_71, %dma_start3A_74] : memref<163840x128xf32, #tpu.memory_space<hbm>> -> memref<256x128xf32, #tpu.memory_space<hbm>>
      tpu.enqueue_dma source(%arg6 : memref<256x128xf32, #tpu.memory_space<vmem>>) target(%dma_start3A_75 : memref<256x128xf32, #tpu.memory_space<hbm>>) target_semaphore(%arg9 : memref<!tpu.dma_semaphore, #tpu.memory_space<semaphore_mem>>)
      %mul3A_76 = arith.constant 2 : i32
      %mul3A_77 = arith.muli %mul3A_76, %scan3A_19 : i32
      %add3A_78 = arith.constant 1 : i32
      %add3A_79 = arith.addi %mul3A_77, %add3A_78 : i32
      %gt3A_80 = arith.constant 0 : i32
      %gt3A_81 = arith.cmpi sgt, %scan3A_19, %gt3A_80 : i32
      %convert_element_type3A_82 = arith.extui %gt3A_81 : i1 to i32
      %cond3A_83 = arith.constant 0 : i32
      %cond3A_84 = arith.cmpi ne, %convert_element_type3A_82, %cond3A_83 : i32
      scf.if %cond3A_84 {
        %sub3A = arith.constant 2 : i32
        %sub3A_136 = arith.subi %add3A_79, %sub3A : i32
        %mul3A_137 = arith.constant 256 : i32
        %mul3A_138 = arith.muli %sub3A_136, %mul3A_137 : i32
        %add3A_139 = arith.addi %mul3A_2, %mul3A_138 : i32
        %dma_wait3A_140 = arith.constant 0 : i32
        %dma_wait3A_141 = tpu.memref_slice %arg4[%add3A_139, %dma_wait3A_140] : memref<163840x128xf32, #tpu.memory_space<hbm>> -> memref<256x128xf32, #tpu.memory_space<hbm>>
        %dma_wait3A_142 = arith.constant 0 : i32
        %dma_wait3A_143 = tpu.memref_slice %arg4[%add3A_139, %dma_wait3A_142] : memref<163840x128xf32, #tpu.memory_space<hbm>> -> memref<256x128xf32, #tpu.memory_space<hbm>>
        tpu.wait_dma2 semaphore(%arg10 : memref<!tpu.dma_semaphore, #tpu.memory_space<semaphore_mem>>) src(%arg7 : memref<256x128xf32, #tpu.memory_space<vmem>>) dst(%dma_wait3A_143 : memref<256x128xf32, #tpu.memory_space<hbm>>)
      } else {
      }
      %mul3A_85 = arith.constant 256 : i32
      %mul3A_86 = arith.muli %add3A_79, %mul3A_85 : i32
      %add3A_87 = arith.constant 0 : i32
      %add3A_88 = arith.addi %mul3A_86, %add3A_87 : i32
      %dma_start3A_89 = arith.constant 0 : i32
      %dma_start3A_90 = arith.constant 0 : i32
      %dma_start3A_91 = tpu.memref_slice %arg7[%dma_start3A_89, %dma_start3A_90] : memref<256x128xf32, #tpu.memory_space<vmem>> -> memref<128x128xf32, #tpu.memory_space<vmem>>
      %dma_start3A_92 = tpu.memref_slice %arg5[%add3A_88] : memref<5120xi32, #tpu.memory_space<vmem>> -> memref<128xi32, #tpu.memory_space<vmem>>
      %dma_start3A_93 = arith.constant 0 : i32
      %dma_start3A_94 = arith.constant 0 : i32
      %dma_start3A_95 = tpu.memref_slice %arg2[%dma_start3A_93, %dma_start3A_94] : memref<8192x128xf32, #tpu.memory_space<hbm>> -> memref<8192x128xf32, #tpu.memory_space<hbm>>
      tpu.enqueue_indirect_dma source(%dma_start3A_95 : memref<8192x128xf32, #tpu.memory_space<hbm>>) target(%dma_start3A_91 : memref<128x128xf32, #tpu.memory_space<vmem>>) offsets(%dma_start3A_92 : memref<128xi32, #tpu.memory_space<vmem>>) semaphore(%arg8 : memref<!tpu.dma_semaphore, #tpu.memory_space<semaphore_mem>>)
      %mul3A_96 = arith.constant 256 : i32
      %mul3A_97 = arith.muli %add3A_79, %mul3A_96 : i32
      %add3A_98 = arith.constant 128 : i32
      %add3A_99 = arith.addi %mul3A_97, %add3A_98 : i32
      %dma_start3A_100 = arith.constant 128 : i32
      %dma_start3A_101 = arith.constant 0 : i32
      %dma_start3A_102 = tpu.memref_slice %arg7[%dma_start3A_100, %dma_start3A_101] : memref<256x128xf32, #tpu.memory_space<vmem>> -> memref<128x128xf32, #tpu.memory_space<vmem>>
      %dma_start3A_103 = tpu.memref_slice %arg5[%add3A_99] : memref<5120xi32, #tpu.memory_space<vmem>> -> memref<128xi32, #tpu.memory_space<vmem>>
      %dma_start3A_104 = arith.constant 0 : i32
      %dma_start3A_105 = arith.constant 0 : i32
      %dma_start3A_106 = tpu.memref_slice %arg2[%dma_start3A_104, %dma_start3A_105] : memref<8192x128xf32, #tpu.memory_space<hbm>> -> memref<8192x128xf32, #tpu.memory_space<hbm>>
      tpu.enqueue_indirect_dma source(%dma_start3A_106 : memref<8192x128xf32, #tpu.memory_space<hbm>>) target(%dma_start3A_102 : memref<128x128xf32, #tpu.memory_space<vmem>>) offsets(%dma_start3A_103 : memref<128xi32, #tpu.memory_space<vmem>>) semaphore(%arg8 : memref<!tpu.dma_semaphore, #tpu.memory_space<semaphore_mem>>)
      %mul3A_107 = arith.constant 256 : i32
      %mul3A_108 = arith.muli %add3A_79, %mul3A_107 : i32
      %add3A_109 = arith.constant 0 : i32
      %add3A_110 = arith.addi %mul3A_108, %add3A_109 : i32
      %dma_wait3A_111 = arith.constant 0 : i32
      %dma_wait3A_112 = arith.constant 0 : i32
      %dma_wait3A_113 = tpu.memref_slice %arg7[%dma_wait3A_111, %dma_wait3A_112] : memref<256x128xf32, #tpu.memory_space<vmem>> -> memref<128x128xf32, #tpu.memory_space<vmem>>
      %dma_wait3A_114 = tpu.memref_slice %arg5[%add3A_110] : memref<5120xi32, #tpu.memory_space<vmem>> -> memref<128xi32, #tpu.memory_space<vmem>>
      %dma_wait3A_115 = arith.constant 0 : i32
      %dma_wait3A_116 = arith.constant 0 : i32
      %dma_wait3A_117 = tpu.memref_slice %arg2[%dma_wait3A_115, %dma_wait3A_116] : memref<8192x128xf32, #tpu.memory_space<hbm>> -> memref<8192x128xf32, #tpu.memory_space<hbm>>
      tpu.wait_indirect_dma semaphore(%arg8 : memref<!tpu.dma_semaphore, #tpu.memory_space<semaphore_mem>>) src(%dma_wait3A_117 : memref<8192x128xf32, #tpu.memory_space<hbm>>) dst(%dma_wait3A_113 : memref<128x128xf32, #tpu.memory_space<vmem>>)
      %mul3A_118 = arith.constant 256 : i32
      %mul3A_119 = arith.muli %add3A_79, %mul3A_118 : i32
      %add3A_120 = arith.constant 128 : i32
      %add3A_121 = arith.addi %mul3A_119, %add3A_120 : i32
      %dma_wait3A_122 = arith.constant 128 : i32
      %dma_wait3A_123 = arith.constant 0 : i32
      %dma_wait3A_124 = tpu.memref_slice %arg7[%dma_wait3A_122, %dma_wait3A_123] : memref<256x128xf32, #tpu.memory_space<vmem>> -> memref<128x128xf32, #tpu.memory_space<vmem>>
      %dma_wait3A_125 = tpu.memref_slice %arg5[%add3A_121] : memref<5120xi32, #tpu.memory_space<vmem>> -> memref<128xi32, #tpu.memory_space<vmem>>
      %dma_wait3A_126 = arith.constant 0 : i32
      %dma_wait3A_127 = arith.constant 0 : i32
      %dma_wait3A_128 = tpu.memref_slice %arg2[%dma_wait3A_126, %dma_wait3A_127] : memref<8192x128xf32, #tpu.memory_space<hbm>> -> memref<8192x128xf32, #tpu.memory_space<hbm>>
      tpu.wait_indirect_dma semaphore(%arg8 : memref<!tpu.dma_semaphore, #tpu.memory_space<semaphore_mem>>) src(%dma_wait3A_128 : memref<8192x128xf32, #tpu.memory_space<hbm>>) dst(%dma_wait3A_124 : memref<128x128xf32, #tpu.memory_space<vmem>>)
      %mul3A_129 = arith.constant 256 : i32
      %mul3A_130 = arith.muli %add3A_79, %mul3A_129 : i32
      %add3A_131 = arith.addi %mul3A_2, %mul3A_130 : i32
      %dma_start3A_132 = arith.constant 0 : i32
      %dma_start3A_133 = tpu.memref_slice %arg4[%add3A_131, %dma_start3A_132] : memref<163840x128xf32, #tpu.memory_space<hbm>> -> memref<256x128xf32, #tpu.memory_space<hbm>>
      %dma_start3A_134 = arith.constant 0 : i32
      %dma_start3A_135 = tpu.memref_slice %arg4[%add3A_131, %dma_start3A_134] : memref<163840x128xf32, #tpu.memory_space<hbm>> -> memref<256x128xf32, #tpu.memory_space<hbm>>
      tpu.enqueue_dma source(%arg7 : memref<256x128xf32, #tpu.memory_space<vmem>>) target(%dma_start3A_135 : memref<256x128xf32, #tpu.memory_space<hbm>>) target_semaphore(%arg10 : memref<!tpu.dma_semaphore, #tpu.memory_space<semaphore_mem>>)
    }
    %scan3A_7 = arith.constant 10 : i32
    %add3A_8 = arith.constant 4608 : i32
    %add3A_9 = arith.addi %mul3A_2, %add3A_8 : i32
    %dma_wait3A = arith.constant 0 : i32
    %dma_wait3A_10 = tpu.memref_slice %arg4[%add3A_9, %dma_wait3A] : memref<163840x128xf32, #tpu.memory_space<hbm>> -> memref<256x128xf32, #tpu.memory_space<hbm>>
    %dma_wait3A_11 = arith.constant 0 : i32
    %dma_wait3A_12 = tpu.memref_slice %arg4[%add3A_9, %dma_wait3A_11] : memref<163840x128xf32, #tpu.memory_space<hbm>> -> memref<256x128xf32, #tpu.memory_space<hbm>>
    tpu.wait_dma2 semaphore(%arg9 : memref<!tpu.dma_semaphore, #tpu.memory_space<semaphore_mem>>) src(%arg6 : memref<256x128xf32, #tpu.memory_space<vmem>>) dst(%dma_wait3A_12 : memref<256x128xf32, #tpu.memory_space<hbm>>)
    %add3A_13 = arith.constant 4864 : i32
    %add3A_14 = arith.addi %mul3A_2, %add3A_13 : i32
    %dma_wait3A_15 = arith.constant 0 : i32
    %dma_wait3A_16 = tpu.memref_slice %arg4[%add3A_14, %dma_wait3A_15] : memref<163840x128xf32, #tpu.memory_space<hbm>> -> memref<256x128xf32, #tpu.memory_space<hbm>>
    %dma_wait3A_17 = arith.constant 0 : i32
    %dma_wait3A_18 = tpu.memref_slice %arg4[%add3A_14, %dma_wait3A_17] : memref<163840x128xf32, #tpu.memory_space<hbm>> -> memref<256x128xf32, #tpu.memory_space<hbm>>
    tpu.wait_dma2 semaphore(%arg10 : memref<!tpu.dma_semaphore, #tpu.memory_space<semaphore_mem>>) src(%arg7 : memref<256x128xf32, #tpu.memory_space<vmem>>) dst(%dma_wait3A_18 : memref<256x128xf32, #tpu.memory_space<hbm>>)
    return
  }
}

module attributes {stable_mosaic.version = 14 : i64} {
  func.func @_topk_kernel(%arg0: i32, %arg1: memref<1x1024x3xf32, #tpu.memory_space<vmem>>, %arg2: memref<1x3x1024xf32, #tpu.memory_space<vmem>>, %arg3: memref<3x64xf32, #tpu.memory_space<vmem>>, %arg4: memref<1x64xf32, #tpu.memory_space<vmem>>, %arg5: memref<3x128xf32, #tpu.memory_space<vmem>>, %arg6: memref<1x1024x128xi32, #tpu.memory_space<vmem>>, %arg7: memref<1x1024x64xf32, #tpu.memory_space<vmem>>, %arg8: memref<1x1024x128xf32, #tpu.memory_space<vmem>>, %arg9: memref<1024x1024xf32, #tpu.memory_space<vmem>>) attributes {dimension_semantics = [#tpu.dimension_semantics<arbitrary>], iteration_bounds = array<i64: 8>, scalar_prefetch = 0 : i64, scratch_operands = 1 : i64, tpu.core_type = #tpu.core_type<tc>, window_params = [{transform_indices = @transform_0, window_bounds = array<i64: 1, 1024, 3>}, {transform_indices = @transform_1, window_bounds = array<i64: 1, 3, 1024>}, {pipeline_mode = #tpu.pipeline_mode<synchronous>, transform_indices = @transform_2, window_bounds = array<i64: 3, 64>}, {pipeline_mode = #tpu.pipeline_mode<synchronous>, transform_indices = @transform_3, window_bounds = array<i64: 1, 64>}, {pipeline_mode = #tpu.pipeline_mode<synchronous>, transform_indices = @transform_4, window_bounds = array<i64: 3, 128>}, {transform_indices = @transform_5, window_bounds = array<i64: 1, 1024, 128>}, {transform_indices = @transform_6, window_bounds = array<i64: 1, 1024, 64>}, {transform_indices = @transform_7, window_bounds = array<i64: 1, 1024, 128>}]} {
    %get3A = arith.constant 0 : index
    %get3A_0 = arith.constant 0 : index
    %get3A_1 = arith.constant 0 : index
    %get3A_2 = vector.load %arg1[%get3A, %get3A_0, %get3A_1] : memref<1x1024x3xf32, #tpu.memory_space<vmem>>, vector<1x1024x3xf32>
    %get3A_3 = vector.shape_cast %get3A_2 : vector<1x1024x3xf32> to vector<1024x3xf32>
    %get3A_4 = arith.constant 0 : index
    %get3A_5 = arith.constant 0 : index
    %get3A_6 = arith.constant 0 : index
    %get3A_7 = vector.load %arg2[%get3A_4, %get3A_5, %get3A_6] : memref<1x3x1024xf32, #tpu.memory_space<vmem>>, vector<1x3x1024xf32>
    %get3A_8 = vector.shape_cast %get3A_7 : vector<1x3x1024xf32> to vector<3x1024xf32>
    %mul3A = arith.mulf %get3A_3, %get3A_3 : vector<1024x3xf32>
    %reduce_sum3A = arith.constant dense<0.000000e+00> : vector<1024xf32>
    %reduce_sum3A_9 = vector.multi_reduction <add>, %mul3A, %reduce_sum3A [1] : vector<1024x3xf32> to vector<1024xf32>
    %broadcast_in_dim3A = vector.shape_cast %reduce_sum3A_9 : vector<1024xf32> to vector<1024x1xf32>
    %mul3A_10 = arith.mulf %get3A_8, %get3A_8 : vector<3x1024xf32>
    %reduce_sum3A_11 = arith.constant dense<0.000000e+00> : vector<1024xf32>
    %reduce_sum3A_12 = vector.multi_reduction <add>, %mul3A_10, %reduce_sum3A_11 [0] : vector<3x1024xf32> to vector<1024xf32>
    %broadcast_in_dim3A_13 = vector.shape_cast %reduce_sum3A_12 : vector<1024xf32> to vector<1x1024xf32>
    %dot_general3A = arith.constant dense<0.000000e+00> : vector<1024x1024xf32>
    %dot_general3A_14 = tpu.matmul %get3A_3, %get3A_8, %dot_general3A {dimension_numbers = #tpu.dot_dimension_numbers<[1], [0], [0], [1], [0, 0, 1, 1], [], []>, transpose_lhs_hint = false} : vector<1024x3xf32>, vector<3x1024xf32>, vector<1024x1024xf32> -> vector<1024x1024xf32>
    %add3A = vector.broadcast %broadcast_in_dim3A : vector<1024x1xf32> to vector<1024x1024xf32>
    %add3A_15 = vector.broadcast %broadcast_in_dim3A_13 : vector<1x1024xf32> to vector<1024x1024xf32>
    %add3A_16 = arith.addf %add3A, %add3A_15 : vector<1024x1024xf32>
    %mul3A_17 = arith.constant 2.000000e+00 : f32
    %mul3A_18 = vector.broadcast %mul3A_17 : f32 to vector<1024x1024xf32>
    %mul3A_19 = arith.mulf %mul3A_18, %dot_general3A_14 : vector<1024x1024xf32>
    %sub3A = arith.subf %add3A_16, %mul3A_19 : vector<1024x1024xf32>
    %swap3A = arith.constant 0 : index
    %swap3A_20 = arith.constant 0 : index
    %swap3A_21 = vector.load %arg9[%swap3A, %swap3A_20] : memref<1024x1024xf32, #tpu.memory_space<vmem>>, vector<1024x1024xf32>
    tpu.vector_store %arg9[%swap3A, %swap3A_20], %sub3A {strides = array<i32>} : memref<1024x1024xf32, #tpu.memory_space<vmem>>, vector<1024x1024xf32>,
    %get3A_22 = arith.constant 0 : index
    %get3A_23 = arith.constant 0 : index
    %get3A_24 = vector.load %arg3[%get3A_22, %get3A_23] : memref<3x64xf32, #tpu.memory_space<vmem>>, vector<3x64xf32>
    %dot_general3A_25 = arith.constant dense<0.000000e+00> : vector<1024x64xf32>
    %dot_general3A_26 = tpu.matmul %get3A_3, %get3A_24, %dot_general3A_25 {dimension_numbers = #tpu.dot_dimension_numbers<[1], [0], [0], [1], [0, 0, 1, 1], [], []>, precision = #tpu.contract_precision<fp32>, transpose_lhs_hint = false} : vector<1024x3xf32>, vector<3x64xf32>, vector<1024x64xf32> -> vector<1024x64xf32>
    %get3A_27 = arith.constant 0 : index
    %get3A_28 = arith.constant 0 : index
    %get3A_29 = vector.load %arg4[%get3A_27, %get3A_28] : memref<1x64xf32, #tpu.memory_space<vmem>>, vector<1x64xf32>
    %add3A_30 = vector.broadcast %get3A_29 : vector<1x64xf32> to vector<1024x64xf32>
    %add3A_31 = arith.addf %dot_general3A_26, %add3A_30 : vector<1024x64xf32>
    %swap3A_32 = arith.constant 0 : index
    %swap3A_33 = arith.constant 0 : index
    %swap3A_34 = arith.constant 0 : index
    %swap3A_35 = vector.load %arg7[%swap3A_32, %swap3A_33, %swap3A_34] : memref<1x1024x64xf32, #tpu.memory_space<vmem>>, vector<1x1024x64xf32>
    %swap3A_36 = vector.shape_cast %swap3A_35 : vector<1x1024x64xf32> to vector<1024x64xf32>
    %swap3A_37 = vector.shape_cast %add3A_31 : vector<1024x64xf32> to vector<1x1024x64xf32>
    tpu.vector_store %arg7[%swap3A_32, %swap3A_33, %swap3A_34], %swap3A_37 {strides = array<i32>} : memref<1x1024x64xf32, #tpu.memory_space<vmem>>, vector<1x1024x64xf32>,
    %get3A_38 = arith.constant 0 : index
    %get3A_39 = arith.constant 0 : index
    %get3A_40 = vector.load %arg5[%get3A_38, %get3A_39] : memref<3x128xf32, #tpu.memory_space<vmem>>, vector<3x128xf32>
    %dot_general3A_41 = arith.constant dense<0.000000e+00> : vector<1024x128xf32>
    %dot_general3A_42 = tpu.matmul %get3A_3, %get3A_40, %dot_general3A_41 {dimension_numbers = #tpu.dot_dimension_numbers<[1], [0], [0], [1], [0, 0, 1, 1], [], []>, precision = #tpu.contract_precision<fp32>, transpose_lhs_hint = false} : vector<1024x3xf32>, vector<3x128xf32>, vector<1024x128xf32> -> vector<1024x128xf32>
    %swap3A_43 = arith.constant 0 : index
    %swap3A_44 = arith.constant 0 : index
    %swap3A_45 = arith.constant 0 : index
    %swap3A_46 = vector.load %arg8[%swap3A_43, %swap3A_44, %swap3A_45] : memref<1x1024x128xf32, #tpu.memory_space<vmem>>, vector<1x1024x128xf32>
    %swap3A_47 = vector.shape_cast %swap3A_46 : vector<1x1024x128xf32> to vector<1024x128xf32>
    %swap3A_48 = vector.shape_cast %dot_general3A_42 : vector<1024x128xf32> to vector<1x1024x128xf32>
    tpu.vector_store %arg8[%swap3A_43, %swap3A_44, %swap3A_45], %swap3A_48 {strides = array<i32>} : memref<1x1024x128xf32, #tpu.memory_space<vmem>>, vector<1x1024x128xf32>,
    %iota3A = tpu.iota {dimensions = array<i32: 1>} : vector<1024x1024xi32>
    %convert_element_type3A = arith.sitofp %iota3A : vector<1024x1024xi32> to vector<1024x1024xf32>
    %iota3A_49 = tpu.iota {dimensions = array<i32: 1>} : vector<1024x128xi32>
    %broadcast_in_dim3A_50 = arith.constant 0.000000e+00 : f32
    %broadcast_in_dim3A_51 = vector.broadcast %broadcast_in_dim3A_50 : f32 to vector<1024x128xf32>
    %scan3A = arith.constant 0 : i32
    %scan3A_52 = arith.constant 20 : i32
    %scan3A_53 = arith.addi %scan3A, %scan3A_52 : i32
    %scan3A_54 = arith.constant 1 : i32
    %scan3A_55 = scf.for %scan3A_68 = %scan3A to %scan3A_53 step %scan3A_54 iter_args(%scan3A_69 = %broadcast_in_dim3A_51) -> (vector<1024x128xf32>)  : i32 {
      %get3A_70 = arith.constant 0 : index
      %get3A_71 = arith.constant 0 : index
      %get3A_72 = vector.load %arg9[%get3A_70, %get3A_71] : memref<1024x1024xf32, #tpu.memory_space<vmem>>, vector<1024x1024xf32>
      %reduce_min3A = arith.constant dense<0x7F800000> : vector<1024xf32>
      %reduce_min3A_73 = vector.multi_reduction <minimumf>, %get3A_72, %reduce_min3A [1] : vector<1024x1024xf32> to vector<1024xf32>
      %broadcast_in_dim3A_74 = vector.shape_cast %reduce_min3A_73 : vector<1024xf32> to vector<1024x1xf32>
      %eq3A = vector.broadcast %broadcast_in_dim3A_74 : vector<1024x1xf32> to vector<1024x1024xf32>
      %eq3A_75 = arith.cmpf oeq, %get3A_72, %eq3A : vector<1024x1024xf32>
      %jit3A = arith.constant 1.000000e+09 : f32
      %broadcast_in_dim3A_76 = vector.broadcast %jit3A : f32 to vector<1024x1024xf32>
      %select_n3A = arith.select %eq3A_75, %convert_element_type3A, %broadcast_in_dim3A_76 : vector<1024x1024xi1>, vector<1024x1024xf32>
      %reduce_min3A_77 = arith.constant dense<0x7F800000> : vector<1024xf32>
      %reduce_min3A_78 = vector.multi_reduction <minimumf>, %select_n3A, %reduce_min3A_77 [1] : vector<1024x1024xf32> to vector<1024xf32>
      %broadcast_in_dim3A_79 = vector.shape_cast %reduce_min3A_78 : vector<1024xf32> to vector<1024x1xf32>
      %eq3A_80 = vector.broadcast %broadcast_in_dim3A_79 : vector<1024x1xf32> to vector<1024x1024xf32>
      %eq3A_81 = arith.cmpf oeq, %convert_element_type3A, %eq3A_80 : vector<1024x1024xf32>
      %jit3A_82 = arith.constant 0x7F800000 : f32
      %broadcast_in_dim3A_83 = vector.broadcast %jit3A_82 : f32 to vector<1024x1024xf32>
      %select_n3A_84 = arith.select %eq3A_81, %broadcast_in_dim3A_83, %get3A_72 : vector<1024x1024xi1>, vector<1024x1024xf32>
      %swap3A_85 = arith.constant 0 : index
      %swap3A_86 = arith.constant 0 : index
      %swap3A_87 = vector.load %arg9[%swap3A_85, %swap3A_86] : memref<1024x1024xf32, #tpu.memory_space<vmem>>, vector<1024x1024xf32>
      tpu.vector_store %arg9[%swap3A_85, %swap3A_86], %select_n3A_84 {strides = array<i32>} : memref<1024x1024xf32, #tpu.memory_space<vmem>>, vector<1024x1024xf32>,
      %eq3A_88 = vector.broadcast %scan3A_68 : i32 to vector<1024x128xi32>
      %eq3A_89 = arith.cmpi eq, %iota3A_49, %eq3A_88 : vector<1024x128xi32>
      %broadcast_in_dim3A_90 = vector.shape_cast %broadcast_in_dim3A_79 : vector<1024x1xf32> to vector<1024x1xf32>
      %broadcast_in_dim3A_91 = vector.broadcast %broadcast_in_dim3A_90 : vector<1024x1xf32> to vector<1024x128xf32>
      %select_n3A_92 = arith.select %eq3A_89, %broadcast_in_dim3A_91, %scan3A_69 : vector<1024x128xi1>, vector<1024x128xf32>
      scf.yield %select_n3A_92 : vector<1024x128xf32>
    }
    %scan3A_56 = arith.constant 20 : i32
    %convert_element_type3A_57 = arith.fptosi %scan3A_55 : vector<1024x128xf32> to vector<1024x128xi32>
    %mul3A_58 = arith.constant 1024 : i32
    %mul3A_59 = arith.muli %arg0, %mul3A_58 : i32
    %add3A_60 = vector.broadcast %mul3A_59 : i32 to vector<1024x128xi32>
    %add3A_61 = arith.addi %convert_element_type3A_57, %add3A_60 : vector<1024x128xi32>
    %swap3A_62 = arith.constant 0 : index
    %swap3A_63 = arith.constant 0 : index
    %swap3A_64 = arith.constant 0 : index
    %swap3A_65 = vector.load %arg6[%swap3A_62, %swap3A_63, %swap3A_64] : memref<1x1024x128xi32, #tpu.memory_space<vmem>>, vector<1x1024x128xi32>
    %swap3A_66 = vector.shape_cast %swap3A_65 : vector<1x1024x128xi32> to vector<1024x128xi32>
    %swap3A_67 = vector.shape_cast %add3A_61 : vector<1024x128xi32> to vector<1x1024x128xi32>
    tpu.vector_store %arg6[%swap3A_62, %swap3A_63, %swap3A_64], %swap3A_67 {strides = array<i32>} : memref<1x1024x128xi32, #tpu.memory_space<vmem>>, vector<1x1024x128xi32>,
    return
  }
  func.func @transform_0(%arg0: i32) -> (i32, i32, i32) {
    %c0_i32 = arith.constant 0 : i32
    %c0_i32_0 = arith.constant 0 : i32
    %c0_i32_1 = arith.constant 0 : i32
    return %arg0, %c0_i32, %c0_i32_0 : i32, i32, i32
  }
  func.func @transform_1(%arg0: i32) -> (i32, i32, i32) {
    %c0_i32 = arith.constant 0 : i32
    %c0_i32_0 = arith.constant 0 : i32
    %c0_i32_1 = arith.constant 0 : i32
    return %arg0, %c0_i32, %c0_i32_0 : i32, i32, i32
  }
  func.func @transform_2(%arg0: i32) -> (i32, i32) {
    %c0_i32 = arith.constant 0 : i32
    %c0_i32_0 = arith.constant 0 : i32
    %c0_i32_1 = arith.constant 0 : i32
    return %c0_i32, %c0_i32_0 : i32, i32
  }
  func.func @transform_3(%arg0: i32) -> (i32, i32) {
    %c0_i32 = arith.constant 0 : i32
    %c0_i32_0 = arith.constant 0 : i32
    %c0_i32_1 = arith.constant 0 : i32
    return %c0_i32, %c0_i32_0 : i32, i32
  }
  func.func @transform_4(%arg0: i32) -> (i32, i32) {
    %c0_i32 = arith.constant 0 : i32
    %c0_i32_0 = arith.constant 0 : i32
    %c0_i32_1 = arith.constant 0 : i32
    return %c0_i32, %c0_i32_0 : i32, i32
  }
  func.func @transform_5(%arg0: i32) -> (i32, i32, i32) {
    %c0_i32 = arith.constant 0 : i32
    %c0_i32_0 = arith.constant 0 : i32
    %c0_i32_1 = arith.constant 0 : i32
    return %arg0, %c0_i32, %c0_i32_0 : i32, i32, i32
  }
  func.func @transform_6(%arg0: i32) -> (i32, i32, i32) {
    %c0_i32 = arith.constant 0 : i32
    %c0_i32_0 = arith.constant 0 : i32
    %c0_i32_1 = arith.constant 0 : i32
    return %arg0, %c0_i32, %c0_i32_0 : i32, i32, i32
  }
  func.func @transform_7(%arg0: i32) -> (i32, i32, i32) {
    %c0_i32 = arith.constant 0 : i32
    %c0_i32_0 = arith.constant 0 : i32
    %c0_i32_1 = arith.constant 0 : i32
    return %arg0, %c0_i32, %c0_i32_0 : i32, i32, i32
  }
}

module attributes {stable_mosaic.version = 14 : i64} {
  func.func @_edge_kernel(%arg0: i32, %arg1: memref<20x1x1024x128xf32, #tpu.memory_space<vmem>>, %arg2: memref<1x1024x64xf32, #tpu.memory_space<vmem>>, %arg3: memref<64x128xf32, #tpu.memory_space<vmem>>, %arg4: memref<1x128xf32, #tpu.memory_space<vmem>>, %arg5: memref<128x1024xf32, #tpu.memory_space<vmem>>, %arg6: memref<1x1024xf32, #tpu.memory_space<vmem>>, %arg7: memref<1024x128xf32, #tpu.memory_space<vmem>>, %arg8: memref<1024x128xf32, #tpu.memory_space<vmem>>, %arg9: memref<1x128xf32, #tpu.memory_space<vmem>>, %arg10: memref<1x1x128xf32, #tpu.memory_space<vmem>>) attributes {dimension_semantics = [#tpu.dimension_semantics<arbitrary>], iteration_bounds = array<i64: 8>, scalar_prefetch = 0 : i64, scratch_operands = 0 : i64, tpu.core_type = #tpu.core_type<tc>, window_params = [{transform_indices = @transform_0, window_bounds = array<i64: 20, 1, 1024, 128>}, {transform_indices = @transform_1, window_bounds = array<i64: 1, 1024, 64>}, {pipeline_mode = #tpu.pipeline_mode<synchronous>, transform_indices = @transform_2, window_bounds = array<i64: 64, 128>}, {pipeline_mode = #tpu.pipeline_mode<synchronous>, transform_indices = @transform_3, window_bounds = array<i64: 1, 128>}, {pipeline_mode = #tpu.pipeline_mode<synchronous>, transform_indices = @transform_4, window_bounds = array<i64: 128, 1024>}, {pipeline_mode = #tpu.pipeline_mode<synchronous>, transform_indices = @transform_5, window_bounds = array<i64: 1, 1024>}, {pipeline_mode = #tpu.pipeline_mode<synchronous>, transform_indices = @transform_6, window_bounds = array<i64: 1024, 128>}, {pipeline_mode = #tpu.pipeline_mode<synchronous>, transform_indices = @transform_7, window_bounds = array<i64: 1024, 128>}, {pipeline_mode = #tpu.pipeline_mode<synchronous>, transform_indices = @transform_8, window_bounds = array<i64: 1, 128>}, {transform_indices = @transform_9, window_bounds = array<i64: 1, 1, 128>}]} {
    %get3A = arith.constant 0 : index
    %get3A_0 = arith.constant 0 : index
    %get3A_1 = arith.constant 0 : index
    %get3A_2 = vector.load %arg2[%get3A, %get3A_0, %get3A_1] : memref<1x1024x64xf32, #tpu.memory_space<vmem>>, vector<1x1024x64xf32>
    %get3A_3 = vector.shape_cast %get3A_2 : vector<1x1024x64xf32> to vector<1024x64xf32>
    %broadcast_in_dim3A = arith.constant 0.000000e+00 : f32
    %broadcast_in_dim3A_4 = vector.broadcast %broadcast_in_dim3A : f32 to vector<1024x128xf32>
    %get3A_5 = arith.constant 0 : index
    %get3A_6 = arith.constant 0 : index
    %get3A_7 = arith.constant 0 : index
    %get3A_8 = arith.constant 0 : index
    %get3A_9 = vector.load %arg1[%get3A_5, %get3A_6, %get3A_7, %get3A_8] : memref<20x1x1024x128xf32, #tpu.memory_space<vmem>>, vector<1x1x1024x64xf32>
    %get3A_10 = vector.shape_cast %get3A_9 : vector<1x1x1024x64xf32> to vector<1024x64xf32>
    %add3A = arith.addf %get3A_3, %get3A_10 : vector<1024x64xf32>
    %max3A = arith.constant 0.000000e+00 : f32
    %max3A_11 = vector.broadcast %max3A : f32 to vector<1024x64xf32>
    %max3A_12 = arith.maximumf %add3A, %max3A_11 : vector<1024x64xf32>
    %get3A_13 = arith.constant 0 : index
    %get3A_14 = arith.constant 0 : index
    %get3A_15 = vector.load %arg3[%get3A_13, %get3A_14] : memref<64x128xf32, #tpu.memory_space<vmem>>, vector<64x128xf32>
    %dot_general3A = arith.constant dense<0.000000e+00> : vector<1024x128xf32>
    %dot_general3A_16 = tpu.matmul %max3A_12, %get3A_15, %dot_general3A {dimension_numbers = #tpu.dot_dimension_numbers<[1], [0], [0], [1], [0, 0, 1, 1], [], []>, transpose_lhs_hint = false} : vector<1024x64xf32>, vector<64x128xf32>, vector<1024x128xf32> -> vector<1024x128xf32>
    %get3A_17 = arith.constant 0 : index
    %get3A_18 = arith.constant 0 : index
    %get3A_19 = vector.load %arg4[%get3A_17, %get3A_18] : memref<1x128xf32, #tpu.memory_space<vmem>>, vector<1x128xf32>
    %add3A_20 = vector.broadcast %get3A_19 : vector<1x128xf32> to vector<1024x128xf32>
    %add3A_21 = arith.addf %dot_general3A_16, %add3A_20 : vector<1024x128xf32>
    %max3A_22 = arith.constant 0.000000e+00 : f32
    %max3A_23 = vector.broadcast %max3A_22 : f32 to vector<1024x128xf32>
    %max3A_24 = arith.maximumf %add3A_21, %max3A_23 : vector<1024x128xf32>
    %max3A_25 = arith.maximumf %broadcast_in_dim3A_4, %max3A_24 : vector<1024x128xf32>
    %get3A_26 = arith.constant 1 : index
    %get3A_27 = arith.constant 0 : index
    %get3A_28 = arith.constant 0 : index
    %get3A_29 = arith.constant 0 : index
    %get3A_30 = vector.load %arg1[%get3A_26, %get3A_27, %get3A_28, %get3A_29] : memref<20x1x1024x128xf32, #tpu.memory_space<vmem>>, vector<1x1x1024x64xf32>
    %get3A_31 = vector.shape_cast %get3A_30 : vector<1x1x1024x64xf32> to vector<1024x64xf32>
    %add3A_32 = arith.addf %get3A_3, %get3A_31 : vector<1024x64xf32>
    %max3A_33 = arith.constant 0.000000e+00 : f32
    %max3A_34 = vector.broadcast %max3A_33 : f32 to vector<1024x64xf32>
    %max3A_35 = arith.maximumf %add3A_32, %max3A_34 : vector<1024x64xf32>
    %get3A_36 = arith.constant 0 : index
    %get3A_37 = arith.constant 0 : index
    %get3A_38 = vector.load %arg3[%get3A_36, %get3A_37] : memref<64x128xf32, #tpu.memory_space<vmem>>, vector<64x128xf32>
    %dot_general3A_39 = arith.constant dense<0.000000e+00> : vector<1024x128xf32>
    %dot_general3A_40 = tpu.matmul %max3A_35, %get3A_38, %dot_general3A_39 {dimension_numbers = #tpu.dot_dimension_numbers<[1], [0], [0], [1], [0, 0, 1, 1], [], []>, transpose_lhs_hint = false} : vector<1024x64xf32>, vector<64x128xf32>, vector<1024x128xf32> -> vector<1024x128xf32>
    %get3A_41 = arith.constant 0 : index
    %get3A_42 = arith.constant 0 : index
    %get3A_43 = vector.load %arg4[%get3A_41, %get3A_42] : memref<1x128xf32, #tpu.memory_space<vmem>>, vector<1x128xf32>
    %add3A_44 = vector.broadcast %get3A_43 : vector<1x128xf32> to vector<1024x128xf32>
    %add3A_45 = arith.addf %dot_general3A_40, %add3A_44 : vector<1024x128xf32>
    %max3A_46 = arith.constant 0.000000e+00 : f32
    %max3A_47 = vector.broadcast %max3A_46 : f32 to vector<1024x128xf32>
    %max3A_48 = arith.maximumf %add3A_45, %max3A_47 : vector<1024x128xf32>
    %max3A_49 = arith.maximumf %max3A_25, %max3A_48 : vector<1024x128xf32>
    %get3A_50 = arith.constant 2 : index
    %get3A_51 = arith.constant 0 : index
    %get3A_52 = arith.constant 0 : index
    %get3A_53 = arith.constant 0 : index
    %get3A_54 = vector.load %arg1[%get3A_50, %get3A_51, %get3A_52, %get3A_53] : memref<20x1x1024x128xf32, #tpu.memory_space<vmem>>, vector<1x1x1024x64xf32>
    %get3A_55 = vector.shape_cast %get3A_54 : vector<1x1x1024x64xf32> to vector<1024x64xf32>
    %add3A_56 = arith.addf %get3A_3, %get3A_55 : vector<1024x64xf32>
    %max3A_57 = arith.constant 0.000000e+00 : f32
    %max3A_58 = vector.broadcast %max3A_57 : f32 to vector<1024x64xf32>
    %max3A_59 = arith.maximumf %add3A_56, %max3A_58 : vector<1024x64xf32>
    %get3A_60 = arith.constant 0 : index
    %get3A_61 = arith.constant 0 : index
    %get3A_62 = vector.load %arg3[%get3A_60, %get3A_61] : memref<64x128xf32, #tpu.memory_space<vmem>>, vector<64x128xf32>
    %dot_general3A_63 = arith.constant dense<0.000000e+00> : vector<1024x128xf32>
    %dot_general3A_64 = tpu.matmul %max3A_59, %get3A_62, %dot_general3A_63 {dimension_numbers = #tpu.dot_dimension_numbers<[1], [0], [0], [1], [0, 0, 1, 1], [], []>, transpose_lhs_hint = false} : vector<1024x64xf32>, vector<64x128xf32>, vector<1024x128xf32> -> vector<1024x128xf32>
    %get3A_65 = arith.constant 0 : index
    %get3A_66 = arith.constant 0 : index
    %get3A_67 = vector.load %arg4[%get3A_65, %get3A_66] : memref<1x128xf32, #tpu.memory_space<vmem>>, vector<1x128xf32>
    %add3A_68 = vector.broadcast %get3A_67 : vector<1x128xf32> to vector<1024x128xf32>
    %add3A_69 = arith.addf %dot_general3A_64, %add3A_68 : vector<1024x128xf32>
    %max3A_70 = arith.constant 0.000000e+00 : f32
    %max3A_71 = vector.broadcast %max3A_70 : f32 to vector<1024x128xf32>
    %max3A_72 = arith.maximumf %add3A_69, %max3A_71 : vector<1024x128xf32>
    %max3A_73 = arith.maximumf %max3A_49, %max3A_72 : vector<1024x128xf32>
    %get3A_74 = arith.constant 3 : index
    %get3A_75 = arith.constant 0 : index
    %get3A_76 = arith.constant 0 : index
    %get3A_77 = arith.constant 0 : index
    %get3A_78 = vector.load %arg1[%get3A_74, %get3A_75, %get3A_76, %get3A_77] : memref<20x1x1024x128xf32, #tpu.memory_space<vmem>>, vector<1x1x1024x64xf32>
    %get3A_79 = vector.shape_cast %get3A_78 : vector<1x1x1024x64xf32> to vector<1024x64xf32>
    %add3A_80 = arith.addf %get3A_3, %get3A_79 : vector<1024x64xf32>
    %max3A_81 = arith.constant 0.000000e+00 : f32
    %max3A_82 = vector.broadcast %max3A_81 : f32 to vector<1024x64xf32>
    %max3A_83 = arith.maximumf %add3A_80, %max3A_82 : vector<1024x64xf32>
    %get3A_84 = arith.constant 0 : index
    %get3A_85 = arith.constant 0 : index
    %get3A_86 = vector.load %arg3[%get3A_84, %get3A_85] : memref<64x128xf32, #tpu.memory_space<vmem>>, vector<64x128xf32>
    %dot_general3A_87 = arith.constant dense<0.000000e+00> : vector<1024x128xf32>
    %dot_general3A_88 = tpu.matmul %max3A_83, %get3A_86, %dot_general3A_87 {dimension_numbers = #tpu.dot_dimension_numbers<[1], [0], [0], [1], [0, 0, 1, 1], [], []>, transpose_lhs_hint = false} : vector<1024x64xf32>, vector<64x128xf32>, vector<1024x128xf32> -> vector<1024x128xf32>
    %get3A_89 = arith.constant 0 : index
    %get3A_90 = arith.constant 0 : index
    %get3A_91 = vector.load %arg4[%get3A_89, %get3A_90] : memref<1x128xf32, #tpu.memory_space<vmem>>, vector<1x128xf32>
    %add3A_92 = vector.broadcast %get3A_91 : vector<1x128xf32> to vector<1024x128xf32>
    %add3A_93 = arith.addf %dot_general3A_88, %add3A_92 : vector<1024x128xf32>
    %max3A_94 = arith.constant 0.000000e+00 : f32
    %max3A_95 = vector.broadcast %max3A_94 : f32 to vector<1024x128xf32>
    %max3A_96 = arith.maximumf %add3A_93, %max3A_95 : vector<1024x128xf32>
    %max3A_97 = arith.maximumf %max3A_73, %max3A_96 : vector<1024x128xf32>
    %get3A_98 = arith.constant 4 : index
    %get3A_99 = arith.constant 0 : index
    %get3A_100 = arith.constant 0 : index
    %get3A_101 = arith.constant 0 : index
    %get3A_102 = vector.load %arg1[%get3A_98, %get3A_99, %get3A_100, %get3A_101] : memref<20x1x1024x128xf32, #tpu.memory_space<vmem>>, vector<1x1x1024x64xf32>
    %get3A_103 = vector.shape_cast %get3A_102 : vector<1x1x1024x64xf32> to vector<1024x64xf32>
    %add3A_104 = arith.addf %get3A_3, %get3A_103 : vector<1024x64xf32>
    %max3A_105 = arith.constant 0.000000e+00 : f32
    %max3A_106 = vector.broadcast %max3A_105 : f32 to vector<1024x64xf32>
    %max3A_107 = arith.maximumf %add3A_104, %max3A_106 : vector<1024x64xf32>
    %get3A_108 = arith.constant 0 : index
    %get3A_109 = arith.constant 0 : index
    %get3A_110 = vector.load %arg3[%get3A_108, %get3A_109] : memref<64x128xf32, #tpu.memory_space<vmem>>, vector<64x128xf32>
    %dot_general3A_111 = arith.constant dense<0.000000e+00> : vector<1024x128xf32>
    %dot_general3A_112 = tpu.matmul %max3A_107, %get3A_110, %dot_general3A_111 {dimension_numbers = #tpu.dot_dimension_numbers<[1], [0], [0], [1], [0, 0, 1, 1], [], []>, transpose_lhs_hint = false} : vector<1024x64xf32>, vector<64x128xf32>, vector<1024x128xf32> -> vector<1024x128xf32>
    %get3A_113 = arith.constant 0 : index
    %get3A_114 = arith.constant 0 : index
    %get3A_115 = vector.load %arg4[%get3A_113, %get3A_114] : memref<1x128xf32, #tpu.memory_space<vmem>>, vector<1x128xf32>
    %add3A_116 = vector.broadcast %get3A_115 : vector<1x128xf32> to vector<1024x128xf32>
    %add3A_117 = arith.addf %dot_general3A_112, %add3A_116 : vector<1024x128xf32>
    %max3A_118 = arith.constant 0.000000e+00 : f32
    %max3A_119 = vector.broadcast %max3A_118 : f32 to vector<1024x128xf32>
    %max3A_120 = arith.maximumf %add3A_117, %max3A_119 : vector<1024x128xf32>
    %max3A_121 = arith.maximumf %max3A_97, %max3A_120 : vector<1024x128xf32>
    %get3A_122 = arith.constant 5 : index
    %get3A_123 = arith.constant 0 : index
    %get3A_124 = arith.constant 0 : index
    %get3A_125 = arith.constant 0 : index
    %get3A_126 = vector.load %arg1[%get3A_122, %get3A_123, %get3A_124, %get3A_125] : memref<20x1x1024x128xf32, #tpu.memory_space<vmem>>, vector<1x1x1024x64xf32>
    %get3A_127 = vector.shape_cast %get3A_126 : vector<1x1x1024x64xf32> to vector<1024x64xf32>
    %add3A_128 = arith.addf %get3A_3, %get3A_127 : vector<1024x64xf32>
    %max3A_129 = arith.constant 0.000000e+00 : f32
    %max3A_130 = vector.broadcast %max3A_129 : f32 to vector<1024x64xf32>
    %max3A_131 = arith.maximumf %add3A_128, %max3A_130 : vector<1024x64xf32>
    %get3A_132 = arith.constant 0 : index
    %get3A_133 = arith.constant 0 : index
    %get3A_134 = vector.load %arg3[%get3A_132, %get3A_133] : memref<64x128xf32, #tpu.memory_space<vmem>>, vector<64x128xf32>
    %dot_general3A_135 = arith.constant dense<0.000000e+00> : vector<1024x128xf32>
    %dot_general3A_136 = tpu.matmul %max3A_131, %get3A_134, %dot_general3A_135 {dimension_numbers = #tpu.dot_dimension_numbers<[1], [0], [0], [1], [0, 0, 1, 1], [], []>, transpose_lhs_hint = false} : vector<1024x64xf32>, vector<64x128xf32>, vector<1024x128xf32> -> vector<1024x128xf32>
    %get3A_137 = arith.constant 0 : index
    %get3A_138 = arith.constant 0 : index
    %get3A_139 = vector.load %arg4[%get3A_137, %get3A_138] : memref<1x128xf32, #tpu.memory_space<vmem>>, vector<1x128xf32>
    %add3A_140 = vector.broadcast %get3A_139 : vector<1x128xf32> to vector<1024x128xf32>
    %add3A_141 = arith.addf %dot_general3A_136, %add3A_140 : vector<1024x128xf32>
    %max3A_142 = arith.constant 0.000000e+00 : f32
    %max3A_143 = vector.broadcast %max3A_142 : f32 to vector<1024x128xf32>
    %max3A_144 = arith.maximumf %add3A_141, %max3A_143 : vector<1024x128xf32>
    %max3A_145 = arith.maximumf %max3A_121, %max3A_144 : vector<1024x128xf32>
    %get3A_146 = arith.constant 6 : index
    %get3A_147 = arith.constant 0 : index
    %get3A_148 = arith.constant 0 : index
    %get3A_149 = arith.constant 0 : index
    %get3A_150 = vector.load %arg1[%get3A_146, %get3A_147, %get3A_148, %get3A_149] : memref<20x1x1024x128xf32, #tpu.memory_space<vmem>>, vector<1x1x1024x64xf32>
    %get3A_151 = vector.shape_cast %get3A_150 : vector<1x1x1024x64xf32> to vector<1024x64xf32>
    %add3A_152 = arith.addf %get3A_3, %get3A_151 : vector<1024x64xf32>
    %max3A_153 = arith.constant 0.000000e+00 : f32
    %max3A_154 = vector.broadcast %max3A_153 : f32 to vector<1024x64xf32>
    %max3A_155 = arith.maximumf %add3A_152, %max3A_154 : vector<1024x64xf32>
    %get3A_156 = arith.constant 0 : index
    %get3A_157 = arith.constant 0 : index
    %get3A_158 = vector.load %arg3[%get3A_156, %get3A_157] : memref<64x128xf32, #tpu.memory_space<vmem>>, vector<64x128xf32>
    %dot_general3A_159 = arith.constant dense<0.000000e+00> : vector<1024x128xf32>
    %dot_general3A_160 = tpu.matmul %max3A_155, %get3A_158, %dot_general3A_159 {dimension_numbers = #tpu.dot_dimension_numbers<[1], [0], [0], [1], [0, 0, 1, 1], [], []>, transpose_lhs_hint = false} : vector<1024x64xf32>, vector<64x128xf32>, vector<1024x128xf32> -> vector<1024x128xf32>
    %get3A_161 = arith.constant 0 : index
    %get3A_162 = arith.constant 0 : index
    %get3A_163 = vector.load %arg4[%get3A_161, %get3A_162] : memref<1x128xf32, #tpu.memory_space<vmem>>, vector<1x128xf32>
    %add3A_164 = vector.broadcast %get3A_163 : vector<1x128xf32> to vector<1024x128xf32>
    %add3A_165 = arith.addf %dot_general3A_160, %add3A_164 : vector<1024x128xf32>
    %max3A_166 = arith.constant 0.000000e+00 : f32
    %max3A_167 = vector.broadcast %max3A_166 : f32 to vector<1024x128xf32>
    %max3A_168 = arith.maximumf %add3A_165, %max3A_167 : vector<1024x128xf32>
    %max3A_169 = arith.maximumf %max3A_145, %max3A_168 : vector<1024x128xf32>
    %get3A_170 = arith.constant 7 : index
    %get3A_171 = arith.constant 0 : index
    %get3A_172 = arith.constant 0 : index
    %get3A_173 = arith.constant 0 : index
    %get3A_174 = vector.load %arg1[%get3A_170, %get3A_171, %get3A_172, %get3A_173] : memref<20x1x1024x128xf32, #tpu.memory_space<vmem>>, vector<1x1x1024x64xf32>
    %get3A_175 = vector.shape_cast %get3A_174 : vector<1x1x1024x64xf32> to vector<1024x64xf32>
    %add3A_176 = arith.addf %get3A_3, %get3A_175 : vector<1024x64xf32>
    %max3A_177 = arith.constant 0.000000e+00 : f32
    %max3A_178 = vector.broadcast %max3A_177 : f32 to vector<1024x64xf32>
    %max3A_179 = arith.maximumf %add3A_176, %max3A_178 : vector<1024x64xf32>
    %get3A_180 = arith.constant 0 : index
    %get3A_181 = arith.constant 0 : index
    %get3A_182 = vector.load %arg3[%get3A_180, %get3A_181] : memref<64x128xf32, #tpu.memory_space<vmem>>, vector<64x128xf32>
    %dot_general3A_183 = arith.constant dense<0.000000e+00> : vector<1024x128xf32>
    %dot_general3A_184 = tpu.matmul %max3A_179, %get3A_182, %dot_general3A_183 {dimension_numbers = #tpu.dot_dimension_numbers<[1], [0], [0], [1], [0, 0, 1, 1], [], []>, transpose_lhs_hint = false} : vector<1024x64xf32>, vector<64x128xf32>, vector<1024x128xf32> -> vector<1024x128xf32>
    %get3A_185 = arith.constant 0 : index
    %get3A_186 = arith.constant 0 : index
    %get3A_187 = vector.load %arg4[%get3A_185, %get3A_186] : memref<1x128xf32, #tpu.memory_space<vmem>>, vector<1x128xf32>
    %add3A_188 = vector.broadcast %get3A_187 : vector<1x128xf32> to vector<1024x128xf32>
    %add3A_189 = arith.addf %dot_general3A_184, %add3A_188 : vector<1024x128xf32>
    %max3A_190 = arith.constant 0.000000e+00 : f32
    %max3A_191 = vector.broadcast %max3A_190 : f32 to vector<1024x128xf32>
    %max3A_192 = arith.maximumf %add3A_189, %max3A_191 : vector<1024x128xf32>
    %max3A_193 = arith.maximumf %max3A_169, %max3A_192 : vector<1024x128xf32>
    %get3A_194 = arith.constant 8 : index
    %get3A_195 = arith.constant 0 : index
    %get3A_196 = arith.constant 0 : index
    %get3A_197 = arith.constant 0 : index
    %get3A_198 = vector.load %arg1[%get3A_194, %get3A_195, %get3A_196, %get3A_197] : memref<20x1x1024x128xf32, #tpu.memory_space<vmem>>, vector<1x1x1024x64xf32>
    %get3A_199 = vector.shape_cast %get3A_198 : vector<1x1x1024x64xf32> to vector<1024x64xf32>
    %add3A_200 = arith.addf %get3A_3, %get3A_199 : vector<1024x64xf32>
    %max3A_201 = arith.constant 0.000000e+00 : f32
    %max3A_202 = vector.broadcast %max3A_201 : f32 to vector<1024x64xf32>
    %max3A_203 = arith.maximumf %add3A_200, %max3A_202 : vector<1024x64xf32>
    %get3A_204 = arith.constant 0 : index
    %get3A_205 = arith.constant 0 : index
    %get3A_206 = vector.load %arg3[%get3A_204, %get3A_205] : memref<64x128xf32, #tpu.memory_space<vmem>>, vector<64x128xf32>
    %dot_general3A_207 = arith.constant dense<0.000000e+00> : vector<1024x128xf32>
    %dot_general3A_208 = tpu.matmul %max3A_203, %get3A_206, %dot_general3A_207 {dimension_numbers = #tpu.dot_dimension_numbers<[1], [0], [0], [1], [0, 0, 1, 1], [], []>, transpose_lhs_hint = false} : vector<1024x64xf32>, vector<64x128xf32>, vector<1024x128xf32> -> vector<1024x128xf32>
    %get3A_209 = arith.constant 0 : index
    %get3A_210 = arith.constant 0 : index
    %get3A_211 = vector.load %arg4[%get3A_209, %get3A_210] : memref<1x128xf32, #tpu.memory_space<vmem>>, vector<1x128xf32>
    %add3A_212 = vector.broadcast %get3A_211 : vector<1x128xf32> to vector<1024x128xf32>
    %add3A_213 = arith.addf %dot_general3A_208, %add3A_212 : vector<1024x128xf32>
    %max3A_214 = arith.constant 0.000000e+00 : f32
    %max3A_215 = vector.broadcast %max3A_214 : f32 to vector<1024x128xf32>
    %max3A_216 = arith.maximumf %add3A_213, %max3A_215 : vector<1024x128xf32>
    %max3A_217 = arith.maximumf %max3A_193, %max3A_216 : vector<1024x128xf32>
    %get3A_218 = arith.constant 9 : index
    %get3A_219 = arith.constant 0 : index
    %get3A_220 = arith.constant 0 : index
    %get3A_221 = arith.constant 0 : index
    %get3A_222 = vector.load %arg1[%get3A_218, %get3A_219, %get3A_220, %get3A_221] : memref<20x1x1024x128xf32, #tpu.memory_space<vmem>>, vector<1x1x1024x64xf32>
    %get3A_223 = vector.shape_cast %get3A_222 : vector<1x1x1024x64xf32> to vector<1024x64xf32>
    %add3A_224 = arith.addf %get3A_3, %get3A_223 : vector<1024x64xf32>
    %max3A_225 = arith.constant 0.000000e+00 : f32
    %max3A_226 = vector.broadcast %max3A_225 : f32 to vector<1024x64xf32>
    %max3A_227 = arith.maximumf %add3A_224, %max3A_226 : vector<1024x64xf32>
    %get3A_228 = arith.constant 0 : index
    %get3A_229 = arith.constant 0 : index
    %get3A_230 = vector.load %arg3[%get3A_228, %get3A_229] : memref<64x128xf32, #tpu.memory_space<vmem>>, vector<64x128xf32>
    %dot_general3A_231 = arith.constant dense<0.000000e+00> : vector<1024x128xf32>
    %dot_general3A_232 = tpu.matmul %max3A_227, %get3A_230, %dot_general3A_231 {dimension_numbers = #tpu.dot_dimension_numbers<[1], [0], [0], [1], [0, 0, 1, 1], [], []>, transpose_lhs_hint = false} : vector<1024x64xf32>, vector<64x128xf32>, vector<1024x128xf32> -> vector<1024x128xf32>
    %get3A_233 = arith.constant 0 : index
    %get3A_234 = arith.constant 0 : index
    %get3A_235 = vector.load %arg4[%get3A_233, %get3A_234] : memref<1x128xf32, #tpu.memory_space<vmem>>, vector<1x128xf32>
    %add3A_236 = vector.broadcast %get3A_235 : vector<1x128xf32> to vector<1024x128xf32>
    %add3A_237 = arith.addf %dot_general3A_232, %add3A_236 : vector<1024x128xf32>
    %max3A_238 = arith.constant 0.000000e+00 : f32
    %max3A_239 = vector.broadcast %max3A_238 : f32 to vector<1024x128xf32>
    %max3A_240 = arith.maximumf %add3A_237, %max3A_239 : vector<1024x128xf32>
    %max3A_241 = arith.maximumf %max3A_217, %max3A_240 : vector<1024x128xf32>
    %get3A_242 = arith.constant 10 : index
    %get3A_243 = arith.constant 0 : index
    %get3A_244 = arith.constant 0 : index
    %get3A_245 = arith.constant 0 : index
    %get3A_246 = vector.load %arg1[%get3A_242, %get3A_243, %get3A_244, %get3A_245] : memref<20x1x1024x128xf32, #tpu.memory_space<vmem>>, vector<1x1x1024x64xf32>
    %get3A_247 = vector.shape_cast %get3A_246 : vector<1x1x1024x64xf32> to vector<1024x64xf32>
    %add3A_248 = arith.addf %get3A_3, %get3A_247 : vector<1024x64xf32>
    %max3A_249 = arith.constant 0.000000e+00 : f32
    %max3A_250 = vector.broadcast %max3A_249 : f32 to vector<1024x64xf32>
    %max3A_251 = arith.maximumf %add3A_248, %max3A_250 : vector<1024x64xf32>
    %get3A_252 = arith.constant 0 : index
    %get3A_253 = arith.constant 0 : index
    %get3A_254 = vector.load %arg3[%get3A_252, %get3A_253] : memref<64x128xf32, #tpu.memory_space<vmem>>, vector<64x128xf32>
    %dot_general3A_255 = arith.constant dense<0.000000e+00> : vector<1024x128xf32>
    %dot_general3A_256 = tpu.matmul %max3A_251, %get3A_254, %dot_general3A_255 {dimension_numbers = #tpu.dot_dimension_numbers<[1], [0], [0], [1], [0, 0, 1, 1], [], []>, transpose_lhs_hint = false} : vector<1024x64xf32>, vector<64x128xf32>, vector<1024x128xf32> -> vector<1024x128xf32>
    %get3A_257 = arith.constant 0 : index
    %get3A_258 = arith.constant 0 : index
    %get3A_259 = vector.load %arg4[%get3A_257, %get3A_258] : memref<1x128xf32, #tpu.memory_space<vmem>>, vector<1x128xf32>
    %add3A_260 = vector.broadcast %get3A_259 : vector<1x128xf32> to vector<1024x128xf32>
    %add3A_261 = arith.addf %dot_general3A_256, %add3A_260 : vector<1024x128xf32>
    %max3A_262 = arith.constant 0.000000e+00 : f32
    %max3A_263 = vector.broadcast %max3A_262 : f32 to vector<1024x128xf32>
    %max3A_264 = arith.maximumf %add3A_261, %max3A_263 : vector<1024x128xf32>
    %max3A_265 = arith.maximumf %max3A_241, %max3A_264 : vector<1024x128xf32>
    %get3A_266 = arith.constant 11 : index
    %get3A_267 = arith.constant 0 : index
    %get3A_268 = arith.constant 0 : index
    %get3A_269 = arith.constant 0 : index
    %get3A_270 = vector.load %arg1[%get3A_266, %get3A_267, %get3A_268, %get3A_269] : memref<20x1x1024x128xf32, #tpu.memory_space<vmem>>, vector<1x1x1024x64xf32>
    %get3A_271 = vector.shape_cast %get3A_270 : vector<1x1x1024x64xf32> to vector<1024x64xf32>
    %add3A_272 = arith.addf %get3A_3, %get3A_271 : vector<1024x64xf32>
    %max3A_273 = arith.constant 0.000000e+00 : f32
    %max3A_274 = vector.broadcast %max3A_273 : f32 to vector<1024x64xf32>
    %max3A_275 = arith.maximumf %add3A_272, %max3A_274 : vector<1024x64xf32>
    %get3A_276 = arith.constant 0 : index
    %get3A_277 = arith.constant 0 : index
    %get3A_278 = vector.load %arg3[%get3A_276, %get3A_277] : memref<64x128xf32, #tpu.memory_space<vmem>>, vector<64x128xf32>
    %dot_general3A_279 = arith.constant dense<0.000000e+00> : vector<1024x128xf32>
    %dot_general3A_280 = tpu.matmul %max3A_275, %get3A_278, %dot_general3A_279 {dimension_numbers = #tpu.dot_dimension_numbers<[1], [0], [0], [1], [0, 0, 1, 1], [], []>, transpose_lhs_hint = false} : vector<1024x64xf32>, vector<64x128xf32>, vector<1024x128xf32> -> vector<1024x128xf32>
    %get3A_281 = arith.constant 0 : index
    %get3A_282 = arith.constant 0 : index
    %get3A_283 = vector.load %arg4[%get3A_281, %get3A_282] : memref<1x128xf32, #tpu.memory_space<vmem>>, vector<1x128xf32>
    %add3A_284 = vector.broadcast %get3A_283 : vector<1x128xf32> to vector<1024x128xf32>
    %add3A_285 = arith.addf %dot_general3A_280, %add3A_284 : vector<1024x128xf32>
    %max3A_286 = arith.constant 0.000000e+00 : f32
    %max3A_287 = vector.broadcast %max3A_286 : f32 to vector<1024x128xf32>
    %max3A_288 = arith.maximumf %add3A_285, %max3A_287 : vector<1024x128xf32>
    %max3A_289 = arith.maximumf %max3A_265, %max3A_288 : vector<1024x128xf32>
    %get3A_290 = arith.constant 12 : index
    %get3A_291 = arith.constant 0 : index
    %get3A_292 = arith.constant 0 : index
    %get3A_293 = arith.constant 0 : index
    %get3A_294 = vector.load %arg1[%get3A_290, %get3A_291, %get3A_292, %get3A_293] : memref<20x1x1024x128xf32, #tpu.memory_space<vmem>>, vector<1x1x1024x64xf32>
    %get3A_295 = vector.shape_cast %get3A_294 : vector<1x1x1024x64xf32> to vector<1024x64xf32>
    %add3A_296 = arith.addf %get3A_3, %get3A_295 : vector<1024x64xf32>
    %max3A_297 = arith.constant 0.000000e+00 : f32
    %max3A_298 = vector.broadcast %max3A_297 : f32 to vector<1024x64xf32>
    %max3A_299 = arith.maximumf %add3A_296, %max3A_298 : vector<1024x64xf32>
    %get3A_300 = arith.constant 0 : index
    %get3A_301 = arith.constant 0 : index
    %get3A_302 = vector.load %arg3[%get3A_300, %get3A_301] : memref<64x128xf32, #tpu.memory_space<vmem>>, vector<64x128xf32>
    %dot_general3A_303 = arith.constant dense<0.000000e+00> : vector<1024x128xf32>
    %dot_general3A_304 = tpu.matmul %max3A_299, %get3A_302, %dot_general3A_303 {dimension_numbers = #tpu.dot_dimension_numbers<[1], [0], [0], [1], [0, 0, 1, 1], [], []>, transpose_lhs_hint = false} : vector<1024x64xf32>, vector<64x128xf32>, vector<1024x128xf32> -> vector<1024x128xf32>
    %get3A_305 = arith.constant 0 : index
    %get3A_306 = arith.constant 0 : index
    %get3A_307 = vector.load %arg4[%get3A_305, %get3A_306] : memref<1x128xf32, #tpu.memory_space<vmem>>, vector<1x128xf32>
    %add3A_308 = vector.broadcast %get3A_307 : vector<1x128xf32> to vector<1024x128xf32>
    %add3A_309 = arith.addf %dot_general3A_304, %add3A_308 : vector<1024x128xf32>
    %max3A_310 = arith.constant 0.000000e+00 : f32
    %max3A_311 = vector.broadcast %max3A_310 : f32 to vector<1024x128xf32>
    %max3A_312 = arith.maximumf %add3A_309, %max3A_311 : vector<1024x128xf32>
    %max3A_313 = arith.maximumf %max3A_289, %max3A_312 : vector<1024x128xf32>
    %get3A_314 = arith.constant 13 : index
    %get3A_315 = arith.constant 0 : index
    %get3A_316 = arith.constant 0 : index
    %get3A_317 = arith.constant 0 : index
    %get3A_318 = vector.load %arg1[%get3A_314, %get3A_315, %get3A_316, %get3A_317] : memref<20x1x1024x128xf32, #tpu.memory_space<vmem>>, vector<1x1x1024x64xf32>
    %get3A_319 = vector.shape_cast %get3A_318 : vector<1x1x1024x64xf32> to vector<1024x64xf32>
    %add3A_320 = arith.addf %get3A_3, %get3A_319 : vector<1024x64xf32>
    %max3A_321 = arith.constant 0.000000e+00 : f32
    %max3A_322 = vector.broadcast %max3A_321 : f32 to vector<1024x64xf32>
    %max3A_323 = arith.maximumf %add3A_320, %max3A_322 : vector<1024x64xf32>
    %get3A_324 = arith.constant 0 : index
    %get3A_325 = arith.constant 0 : index
    %get3A_326 = vector.load %arg3[%get3A_324, %get3A_325] : memref<64x128xf32, #tpu.memory_space<vmem>>, vector<64x128xf32>
    %dot_general3A_327 = arith.constant dense<0.000000e+00> : vector<1024x128xf32>
    %dot_general3A_328 = tpu.matmul %max3A_323, %get3A_326, %dot_general3A_327 {dimension_numbers = #tpu.dot_dimension_numbers<[1], [0], [0], [1], [0, 0, 1, 1], [], []>, transpose_lhs_hint = false} : vector<1024x64xf32>, vector<64x128xf32>, vector<1024x128xf32> -> vector<1024x128xf32>
    %get3A_329 = arith.constant 0 : index
    %get3A_330 = arith.constant 0 : index
    %get3A_331 = vector.load %arg4[%get3A_329, %get3A_330] : memref<1x128xf32, #tpu.memory_space<vmem>>, vector<1x128xf32>
    %add3A_332 = vector.broadcast %get3A_331 : vector<1x128xf32> to vector<1024x128xf32>
    %add3A_333 = arith.addf %dot_general3A_328, %add3A_332 : vector<1024x128xf32>
    %max3A_334 = arith.constant 0.000000e+00 : f32
    %max3A_335 = vector.broadcast %max3A_334 : f32 to vector<1024x128xf32>
    %max3A_336 = arith.maximumf %add3A_333, %max3A_335 : vector<1024x128xf32>
    %max3A_337 = arith.maximumf %max3A_313, %max3A_336 : vector<1024x128xf32>
    %get3A_338 = arith.constant 14 : index
    %get3A_339 = arith.constant 0 : index
    %get3A_340 = arith.constant 0 : index
    %get3A_341 = arith.constant 0 : index
    %get3A_342 = vector.load %arg1[%get3A_338, %get3A_339, %get3A_340, %get3A_341] : memref<20x1x1024x128xf32, #tpu.memory_space<vmem>>, vector<1x1x1024x64xf32>
    %get3A_343 = vector.shape_cast %get3A_342 : vector<1x1x1024x64xf32> to vector<1024x64xf32>
    %add3A_344 = arith.addf %get3A_3, %get3A_343 : vector<1024x64xf32>
    %max3A_345 = arith.constant 0.000000e+00 : f32
    %max3A_346 = vector.broadcast %max3A_345 : f32 to vector<1024x64xf32>
    %max3A_347 = arith.maximumf %add3A_344, %max3A_346 : vector<1024x64xf32>
    %get3A_348 = arith.constant 0 : index
    %get3A_349 = arith.constant 0 : index
    %get3A_350 = vector.load %arg3[%get3A_348, %get3A_349] : memref<64x128xf32, #tpu.memory_space<vmem>>, vector<64x128xf32>
    %dot_general3A_351 = arith.constant dense<0.000000e+00> : vector<1024x128xf32>
    %dot_general3A_352 = tpu.matmul %max3A_347, %get3A_350, %dot_general3A_351 {dimension_numbers = #tpu.dot_dimension_numbers<[1], [0], [0], [1], [0, 0, 1, 1], [], []>, transpose_lhs_hint = false} : vector<1024x64xf32>, vector<64x128xf32>, vector<1024x128xf32> -> vector<1024x128xf32>
    %get3A_353 = arith.constant 0 : index
    %get3A_354 = arith.constant 0 : index
    %get3A_355 = vector.load %arg4[%get3A_353, %get3A_354] : memref<1x128xf32, #tpu.memory_space<vmem>>, vector<1x128xf32>
    %add3A_356 = vector.broadcast %get3A_355 : vector<1x128xf32> to vector<1024x128xf32>
    %add3A_357 = arith.addf %dot_general3A_352, %add3A_356 : vector<1024x128xf32>
    %max3A_358 = arith.constant 0.000000e+00 : f32
    %max3A_359 = vector.broadcast %max3A_358 : f32 to vector<1024x128xf32>
    %max3A_360 = arith.maximumf %add3A_357, %max3A_359 : vector<1024x128xf32>
    %max3A_361 = arith.maximumf %max3A_337, %max3A_360 : vector<1024x128xf32>
    %get3A_362 = arith.constant 15 : index
    %get3A_363 = arith.constant 0 : index
    %get3A_364 = arith.constant 0 : index
    %get3A_365 = arith.constant 0 : index
    %get3A_366 = vector.load %arg1[%get3A_362, %get3A_363, %get3A_364, %get3A_365] : memref<20x1x1024x128xf32, #tpu.memory_space<vmem>>, vector<1x1x1024x64xf32>
    %get3A_367 = vector.shape_cast %get3A_366 : vector<1x1x1024x64xf32> to vector<1024x64xf32>
    %add3A_368 = arith.addf %get3A_3, %get3A_367 : vector<1024x64xf32>
    %max3A_369 = arith.constant 0.000000e+00 : f32
    %max3A_370 = vector.broadcast %max3A_369 : f32 to vector<1024x64xf32>
    %max3A_371 = arith.maximumf %add3A_368, %max3A_370 : vector<1024x64xf32>
    %get3A_372 = arith.constant 0 : index
    %get3A_373 = arith.constant 0 : index
    %get3A_374 = vector.load %arg3[%get3A_372, %get3A_373] : memref<64x128xf32, #tpu.memory_space<vmem>>, vector<64x128xf32>
    %dot_general3A_375 = arith.constant dense<0.000000e+00> : vector<1024x128xf32>
    %dot_general3A_376 = tpu.matmul %max3A_371, %get3A_374, %dot_general3A_375 {dimension_numbers = #tpu.dot_dimension_numbers<[1], [0], [0], [1], [0, 0, 1, 1], [], []>, transpose_lhs_hint = false} : vector<1024x64xf32>, vector<64x128xf32>, vector<1024x128xf32> -> vector<1024x128xf32>
    %get3A_377 = arith.constant 0 : index
    %get3A_378 = arith.constant 0 : index
    %get3A_379 = vector.load %arg4[%get3A_377, %get3A_378] : memref<1x128xf32, #tpu.memory_space<vmem>>, vector<1x128xf32>
    %add3A_380 = vector.broadcast %get3A_379 : vector<1x128xf32> to vector<1024x128xf32>
    %add3A_381 = arith.addf %dot_general3A_376, %add3A_380 : vector<1024x128xf32>
    %max3A_382 = arith.constant 0.000000e+00 : f32
    %max3A_383 = vector.broadcast %max3A_382 : f32 to vector<1024x128xf32>
    %max3A_384 = arith.maximumf %add3A_381, %max3A_383 : vector<1024x128xf32>
    %max3A_385 = arith.maximumf %max3A_361, %max3A_384 : vector<1024x128xf32>
    %get3A_386 = arith.constant 16 : index
    %get3A_387 = arith.constant 0 : index
    %get3A_388 = arith.constant 0 : index
    %get3A_389 = arith.constant 0 : index
    %get3A_390 = vector.load %arg1[%get3A_386, %get3A_387, %get3A_388, %get3A_389] : memref<20x1x1024x128xf32, #tpu.memory_space<vmem>>, vector<1x1x1024x64xf32>
    %get3A_391 = vector.shape_cast %get3A_390 : vector<1x1x1024x64xf32> to vector<1024x64xf32>
    %add3A_392 = arith.addf %get3A_3, %get3A_391 : vector<1024x64xf32>
    %max3A_393 = arith.constant 0.000000e+00 : f32
    %max3A_394 = vector.broadcast %max3A_393 : f32 to vector<1024x64xf32>
    %max3A_395 = arith.maximumf %add3A_392, %max3A_394 : vector<1024x64xf32>
    %get3A_396 = arith.constant 0 : index
    %get3A_397 = arith.constant 0 : index
    %get3A_398 = vector.load %arg3[%get3A_396, %get3A_397] : memref<64x128xf32, #tpu.memory_space<vmem>>, vector<64x128xf32>
    %dot_general3A_399 = arith.constant dense<0.000000e+00> : vector<1024x128xf32>
    %dot_general3A_400 = tpu.matmul %max3A_395, %get3A_398, %dot_general3A_399 {dimension_numbers = #tpu.dot_dimension_numbers<[1], [0], [0], [1], [0, 0, 1, 1], [], []>, transpose_lhs_hint = false} : vector<1024x64xf32>, vector<64x128xf32>, vector<1024x128xf32> -> vector<1024x128xf32>
    %get3A_401 = arith.constant 0 : index
    %get3A_402 = arith.constant 0 : index
    %get3A_403 = vector.load %arg4[%get3A_401, %get3A_402] : memref<1x128xf32, #tpu.memory_space<vmem>>, vector<1x128xf32>
    %add3A_404 = vector.broadcast %get3A_403 : vector<1x128xf32> to vector<1024x128xf32>
    %add3A_405 = arith.addf %dot_general3A_400, %add3A_404 : vector<1024x128xf32>
    %max3A_406 = arith.constant 0.000000e+00 : f32
    %max3A_407 = vector.broadcast %max3A_406 : f32 to vector<1024x128xf32>
    %max3A_408 = arith.maximumf %add3A_405, %max3A_407 : vector<1024x128xf32>
    %max3A_409 = arith.maximumf %max3A_385, %max3A_408 : vector<1024x128xf32>
    %get3A_410 = arith.constant 17 : index
    %get3A_411 = arith.constant 0 : index
    %get3A_412 = arith.constant 0 : index
    %get3A_413 = arith.constant 0 : index
    %get3A_414 = vector.load %arg1[%get3A_410, %get3A_411, %get3A_412, %get3A_413] : memref<20x1x1024x128xf32, #tpu.memory_space<vmem>>, vector<1x1x1024x64xf32>
    %get3A_415 = vector.shape_cast %get3A_414 : vector<1x1x1024x64xf32> to vector<1024x64xf32>
    %add3A_416 = arith.addf %get3A_3, %get3A_415 : vector<1024x64xf32>
    %max3A_417 = arith.constant 0.000000e+00 : f32
    %max3A_418 = vector.broadcast %max3A_417 : f32 to vector<1024x64xf32>
    %max3A_419 = arith.maximumf %add3A_416, %max3A_418 : vector<1024x64xf32>
    %get3A_420 = arith.constant 0 : index
    %get3A_421 = arith.constant 0 : index
    %get3A_422 = vector.load %arg3[%get3A_420, %get3A_421] : memref<64x128xf32, #tpu.memory_space<vmem>>, vector<64x128xf32>
    %dot_general3A_423 = arith.constant dense<0.000000e+00> : vector<1024x128xf32>
    %dot_general3A_424 = tpu.matmul %max3A_419, %get3A_422, %dot_general3A_423 {dimension_numbers = #tpu.dot_dimension_numbers<[1], [0], [0], [1], [0, 0, 1, 1], [], []>, transpose_lhs_hint = false} : vector<1024x64xf32>, vector<64x128xf32>, vector<1024x128xf32> -> vector<1024x128xf32>
    %get3A_425 = arith.constant 0 : index
    %get3A_426 = arith.constant 0 : index
    %get3A_427 = vector.load %arg4[%get3A_425, %get3A_426] : memref<1x128xf32, #tpu.memory_space<vmem>>, vector<1x128xf32>
    %add3A_428 = vector.broadcast %get3A_427 : vector<1x128xf32> to vector<1024x128xf32>
    %add3A_429 = arith.addf %dot_general3A_424, %add3A_428 : vector<1024x128xf32>
    %max3A_430 = arith.constant 0.000000e+00 : f32
    %max3A_431 = vector.broadcast %max3A_430 : f32 to vector<1024x128xf32>
    %max3A_432 = arith.maximumf %add3A_429, %max3A_431 : vector<1024x128xf32>
    %max3A_433 = arith.maximumf %max3A_409, %max3A_432 : vector<1024x128xf32>
    %get3A_434 = arith.constant 18 : index
    %get3A_435 = arith.constant 0 : index
    %get3A_436 = arith.constant 0 : index
    %get3A_437 = arith.constant 0 : index
    %get3A_438 = vector.load %arg1[%get3A_434, %get3A_435, %get3A_436, %get3A_437] : memref<20x1x1024x128xf32, #tpu.memory_space<vmem>>, vector<1x1x1024x64xf32>
    %get3A_439 = vector.shape_cast %get3A_438 : vector<1x1x1024x64xf32> to vector<1024x64xf32>
    %add3A_440 = arith.addf %get3A_3, %get3A_439 : vector<1024x64xf32>
    %max3A_441 = arith.constant 0.000000e+00 : f32
    %max3A_442 = vector.broadcast %max3A_441 : f32 to vector<1024x64xf32>
    %max3A_443 = arith.maximumf %add3A_440, %max3A_442 : vector<1024x64xf32>
    %get3A_444 = arith.constant 0 : index
    %get3A_445 = arith.constant 0 : index
    %get3A_446 = vector.load %arg3[%get3A_444, %get3A_445] : memref<64x128xf32, #tpu.memory_space<vmem>>, vector<64x128xf32>
    %dot_general3A_447 = arith.constant dense<0.000000e+00> : vector<1024x128xf32>
    %dot_general3A_448 = tpu.matmul %max3A_443, %get3A_446, %dot_general3A_447 {dimension_numbers = #tpu.dot_dimension_numbers<[1], [0], [0], [1], [0, 0, 1, 1], [], []>, transpose_lhs_hint = false} : vector<1024x64xf32>, vector<64x128xf32>, vector<1024x128xf32> -> vector<1024x128xf32>
    %get3A_449 = arith.constant 0 : index
    %get3A_450 = arith.constant 0 : index
    %get3A_451 = vector.load %arg4[%get3A_449, %get3A_450] : memref<1x128xf32, #tpu.memory_space<vmem>>, vector<1x128xf32>
    %add3A_452 = vector.broadcast %get3A_451 : vector<1x128xf32> to vector<1024x128xf32>
    %add3A_453 = arith.addf %dot_general3A_448, %add3A_452 : vector<1024x128xf32>
    %max3A_454 = arith.constant 0.000000e+00 : f32
    %max3A_455 = vector.broadcast %max3A_454 : f32 to vector<1024x128xf32>
    %max3A_456 = arith.maximumf %add3A_453, %max3A_455 : vector<1024x128xf32>
    %max3A_457 = arith.maximumf %max3A_433, %max3A_456 : vector<1024x128xf32>
    %get3A_458 = arith.constant 19 : index
    %get3A_459 = arith.constant 0 : index
    %get3A_460 = arith.constant 0 : index
    %get3A_461 = arith.constant 0 : index
    %get3A_462 = vector.load %arg1[%get3A_458, %get3A_459, %get3A_460, %get3A_461] : memref<20x1x1024x128xf32, #tpu.memory_space<vmem>>, vector<1x1x1024x64xf32>
    %get3A_463 = vector.shape_cast %get3A_462 : vector<1x1x1024x64xf32> to vector<1024x64xf32>
    %add3A_464 = arith.addf %get3A_3, %get3A_463 : vector<1024x64xf32>
    %max3A_465 = arith.constant 0.000000e+00 : f32
    %max3A_466 = vector.broadcast %max3A_465 : f32 to vector<1024x64xf32>
    %max3A_467 = arith.maximumf %add3A_464, %max3A_466 : vector<1024x64xf32>
    %get3A_468 = arith.constant 0 : index
    %get3A_469 = arith.constant 0 : index
    %get3A_470 = vector.load %arg3[%get3A_468, %get3A_469] : memref<64x128xf32, #tpu.memory_space<vmem>>, vector<64x128xf32>
    %dot_general3A_471 = arith.constant dense<0.000000e+00> : vector<1024x128xf32>
    %dot_general3A_472 = tpu.matmul %max3A_467, %get3A_470, %dot_general3A_471 {dimension_numbers = #tpu.dot_dimension_numbers<[1], [0], [0], [1], [0, 0, 1, 1], [], []>, transpose_lhs_hint = false} : vector<1024x64xf32>, vector<64x128xf32>, vector<1024x128xf32> -> vector<1024x128xf32>
    %get3A_473 = arith.constant 0 : index
    %get3A_474 = arith.constant 0 : index
    %get3A_475 = vector.load %arg4[%get3A_473, %get3A_474] : memref<1x128xf32, #tpu.memory_space<vmem>>, vector<1x128xf32>
    %add3A_476 = vector.broadcast %get3A_475 : vector<1x128xf32> to vector<1024x128xf32>
    %add3A_477 = arith.addf %dot_general3A_472, %add3A_476 : vector<1024x128xf32>
    %max3A_478 = arith.constant 0.000000e+00 : f32
    %max3A_479 = vector.broadcast %max3A_478 : f32 to vector<1024x128xf32>
    %max3A_480 = arith.maximumf %add3A_477, %max3A_479 : vector<1024x128xf32>
    %max3A_481 = arith.maximumf %max3A_457, %max3A_480 : vector<1024x128xf32>
    %get3A_482 = arith.constant 0 : index
    %get3A_483 = arith.constant 0 : index
    %get3A_484 = vector.load %arg5[%get3A_482, %get3A_483] : memref<128x1024xf32, #tpu.memory_space<vmem>>, vector<128x1024xf32>
    %dot_general3A_485 = arith.constant dense<0.000000e+00> : vector<1024x1024xf32>
    %dot_general3A_486 = tpu.matmul %max3A_481, %get3A_484, %dot_general3A_485 {dimension_numbers = #tpu.dot_dimension_numbers<[1], [0], [0], [1], [0, 0, 1, 1], [], []>, transpose_lhs_hint = false} : vector<1024x128xf32>, vector<128x1024xf32>, vector<1024x1024xf32> -> vector<1024x1024xf32>
    %get3A_487 = arith.constant 0 : index
    %get3A_488 = arith.constant 0 : index
    %get3A_489 = vector.load %arg6[%get3A_487, %get3A_488] : memref<1x1024xf32, #tpu.memory_space<vmem>>, vector<1x1024xf32>
    %add3A_490 = vector.broadcast %get3A_489 : vector<1x1024xf32> to vector<1024x1024xf32>
    %add3A_491 = arith.addf %dot_general3A_486, %add3A_490 : vector<1024x1024xf32>
    %max3A_492 = arith.constant 0.000000e+00 : f32
    %max3A_493 = vector.broadcast %max3A_492 : f32 to vector<1024x1024xf32>
    %max3A_494 = arith.maximumf %add3A_491, %max3A_493 : vector<1024x1024xf32>
    %reduce_max3A = arith.constant dense<0xFF800000> : vector<1024xf32>
    %reduce_max3A_495 = vector.multi_reduction <maximumf>, %max3A_494, %reduce_max3A [0] : vector<1024x1024xf32> to vector<1024xf32>
    %broadcast_in_dim3A_496 = vector.shape_cast %reduce_max3A_495 : vector<1024xf32> to vector<1x1024xf32>
    %reduce_sum3A = arith.constant dense<0.000000e+00> : vector<1024xf32>
    %reduce_sum3A_497 = vector.multi_reduction <add>, %max3A_494, %reduce_sum3A [0] : vector<1024x1024xf32> to vector<1024xf32>
    %broadcast_in_dim3A_498 = vector.shape_cast %reduce_sum3A_497 : vector<1024xf32> to vector<1x1024xf32>
    %mul3A = arith.constant 9.765625E-4 : f32
    %mul3A_499 = vector.broadcast %mul3A : f32 to vector<1x1024xf32>
    %mul3A_500 = arith.mulf %broadcast_in_dim3A_498, %mul3A_499 : vector<1x1024xf32>
    %get3A_501 = arith.constant 0 : index
    %get3A_502 = arith.constant 0 : index
    %get3A_503 = vector.load %arg7[%get3A_501, %get3A_502] : memref<1024x128xf32, #tpu.memory_space<vmem>>, vector<1024x128xf32>
    %dot_general3A_504 = arith.constant dense<0.000000e+00> : vector<1x128xf32>
    %dot_general3A_505 = tpu.matmul %broadcast_in_dim3A_496, %get3A_503, %dot_general3A_504 {dimension_numbers = #tpu.dot_dimension_numbers<[1], [0], [0], [1], [0, 0, 1, 1], [], []>, transpose_lhs_hint = false} : vector<1x1024xf32>, vector<1024x128xf32>, vector<1x128xf32> -> vector<1x128xf32>
    %get3A_506 = arith.constant 0 : index
    %get3A_507 = arith.constant 0 : index
    %get3A_508 = vector.load %arg8[%get3A_506, %get3A_507] : memref<1024x128xf32, #tpu.memory_space<vmem>>, vector<1024x128xf32>
    %dot_general3A_509 = arith.constant dense<0.000000e+00> : vector<1x128xf32>
    %dot_general3A_510 = tpu.matmul %mul3A_500, %get3A_508, %dot_general3A_509 {dimension_numbers = #tpu.dot_dimension_numbers<[1], [0], [0], [1], [0, 0, 1, 1], [], []>, transpose_lhs_hint = false} : vector<1x1024xf32>, vector<1024x128xf32>, vector<1x128xf32> -> vector<1x128xf32>
    %add3A_511 = arith.addf %dot_general3A_505, %dot_general3A_510 : vector<1x128xf32>
    %get3A_512 = arith.constant 0 : index
    %get3A_513 = arith.constant 0 : index
    %get3A_514 = vector.load %arg9[%get3A_512, %get3A_513] : memref<1x128xf32, #tpu.memory_space<vmem>>, vector<1x128xf32>
    %add3A_515 = arith.addf %add3A_511, %get3A_514 : vector<1x128xf32>
    %swap3A = arith.constant 0 : index
    %swap3A_516 = arith.constant 0 : index
    %swap3A_517 = arith.constant 0 : index
    %swap3A_518 = vector.load %arg10[%swap3A, %swap3A_516, %swap3A_517] : memref<1x1x128xf32, #tpu.memory_space<vmem>>, vector<1x1x128xf32>
    %swap3A_519 = vector.shape_cast %swap3A_518 : vector<1x1x128xf32> to vector<1x128xf32>
    %swap3A_520 = vector.shape_cast %add3A_515 : vector<1x128xf32> to vector<1x1x128xf32>
    tpu.vector_store %arg10[%swap3A, %swap3A_516, %swap3A_517], %swap3A_520 {strides = array<i32>} : memref<1x1x128xf32, #tpu.memory_space<vmem>>, vector<1x1x128xf32>,
    return
  }
  func.func @transform_0(%arg0: i32) -> (i32, i32, i32, i32) {
    %c0_i32 = arith.constant 0 : i32
    %c0_i32_0 = arith.constant 0 : i32
    %c0_i32_1 = arith.constant 0 : i32
    %c0_i32_2 = arith.constant 0 : i32
    return %c0_i32, %arg0, %c0_i32_0, %c0_i32_1 : i32, i32, i32, i32
  }
  func.func @transform_1(%arg0: i32) -> (i32, i32, i32) {
    %c0_i32 = arith.constant 0 : i32
    %c0_i32_0 = arith.constant 0 : i32
    %c0_i32_1 = arith.constant 0 : i32
    return %arg0, %c0_i32, %c0_i32_0 : i32, i32, i32
  }
  func.func @transform_2(%arg0: i32) -> (i32, i32) {
    %c0_i32 = arith.constant 0 : i32
    %c0_i32_0 = arith.constant 0 : i32
    %c0_i32_1 = arith.constant 0 : i32
    return %c0_i32, %c0_i32_0 : i32, i32
  }
  func.func @transform_3(%arg0: i32) -> (i32, i32) {
    %c0_i32 = arith.constant 0 : i32
    %c0_i32_0 = arith.constant 0 : i32
    %c0_i32_1 = arith.constant 0 : i32
    return %c0_i32, %c0_i32_0 : i32, i32
  }
  func.func @transform_4(%arg0: i32) -> (i32, i32) {
    %c0_i32 = arith.constant 0 : i32
    %c0_i32_0 = arith.constant 0 : i32
    %c0_i32_1 = arith.constant 0 : i32
    return %c0_i32, %c0_i32_0 : i32, i32
  }
  func.func @transform_5(%arg0: i32) -> (i32, i32) {
    %c0_i32 = arith.constant 0 : i32
    %c0_i32_0 = arith.constant 0 : i32
    %c0_i32_1 = arith.constant 0 : i32
    return %c0_i32, %c0_i32_0 : i32, i32
  }
  func.func @transform_6(%arg0: i32) -> (i32, i32) {
    %c0_i32 = arith.constant 0 : i32
    %c0_i32_0 = arith.constant 0 : i32
    %c0_i32_1 = arith.constant 0 : i32
    return %c0_i32, %c0_i32_0 : i32, i32
  }
  func.func @transform_7(%arg0: i32) -> (i32, i32) {
    %c0_i32 = arith.constant 0 : i32
    %c0_i32_0 = arith.constant 0 : i32
    %c0_i32_1 = arith.constant 0 : i32
    return %c0_i32, %c0_i32_0 : i32, i32
  }
  func.func @transform_8(%arg0: i32) -> (i32, i32) {
    %c0_i32 = arith.constant 0 : i32
    %c0_i32_0 = arith.constant 0 : i32
    %c0_i32_1 = arith.constant 0 : i32
    return %c0_i32, %c0_i32_0 : i32, i32
  }
  func.func @transform_9(%arg0: i32) -> (i32, i32, i32) {
    %c0_i32 = arith.constant 0 : i32
    %c0_i32_0 = arith.constant 0 : i32
    %c0_i32_1 = arith.constant 0 : i32
    return %arg0, %c0_i32, %c0_i32_0 : i32, i32, i32
  }
}

</mosaic_0001>

<sc_bundles>
// kernel: kernel.14.cloned.1.call-start
scs
__scs_entry_jumppad:
0x0: {  	(pc) =	sbr.rel $0x88, $3  }
0x1: {  	(tag) =	ssettag $0x0;
	lr =	simm.s32 $0x1  }
0x2: {  	[smem:$0x3F92] =	sst lr;
	_ =	strace $0xD0000000  }
0x3: {  	_ = 	snop  }
0x4: {  	_ = 	snop  }
0x5: {  	_ = 	snop  }
0x6: {  	_ = 	snop  }
0x7: {  	_ = 	snop  }
__scs_overlays_trampoline_lowered:
0x8: {  	[smem:$0x3FA1] =	sst s0  }
0x9: {  	[smem:$0x3FA2] =	sst s1  }
0xa: {  	[smem:$0x3FA3] =	sst s2  }
0xb: {  	[smem:$0x3FA4] =	sst s3  }
0xc: {  	[smem:$0x3FA5] =	sst s4  }
0xd: {  	[smem:$0x3FA6] =	sst s5  }
0xe: {  	[smem:$0x3FA7] =	sst s6  }
0xf: {  	[smem:$0x3FA8] =	sst s7  }
0x10: {  	[smem:$0x3FA9] =	sst s8  }
0x11: {  	[smem:$0x3FAA] =	sst s9;
	s0 =	simm.s32 @!p0 $0x0  }
0x12: {  	s1 =	sld [smem:$0x3F90];
	s0 =	simm.s32 @p0 $0x1  }
0x13: {  	[smem:$0x3FAB] =	sst s0;
	s0 =	simm.s32 @!p1 $0x0  }
0x14: {  	s2 =	sld [smem:$0x3F8F];
	s0 =	simm.s32 @p1 $0x1  }
0x15: {  	[smem:$0x3FAC] =	sst s0;
	s0 =	simm.s32 @!p2 $0x0  }
0x16: {  	s3 =	sld [smem:$0x3FDB];
	s0 =	simm.s32 @p2 $0x1  }
0x17: {  	s4 =	simm.s32 $0x1BF5;
	[smem:$0x3FAE] =	sst s0  }
0x18: {  	s0 =	sld [smem:$0x3F91];
	_ =	swait.ge [sflag:s4], $0x0  }
0x19: {  	s7 =	sld [smem:$0x3F92]  }
0x1a: {  	s8 =	sadd.s32 $0xFFFFE003, lr  }
0x1b: {  	s9 =	sadd.s32 $0xFFFFFEF7, lr;
	s5 =	simm.s32 $0xFFFFFFFF;
	p2 =	slt.u32 s8, $0xFFFFF086  }
0x1c: {  	p1 =	slt.u32 s9, $0xF7A;
	s5 =	simm.s32 @!p2 $0x0  }
0x1d: {  	s5 =	simm.s32 @p1 $0x1;
	p0 =	seq.s32 s7, s2  }
0x1e: {  	s7 =	smul.u32 @!p0 $0xF7A, s2;
	p2 =	seq.s32 @!p0 s5, $0x0  }
0x1f: {  	s9 =	smul.u32 $0xF7A, s1;
	s8 =	simm.s32 @!p0 $0x1BF5;
	p2 =	por !p2, p0  }
0x20: {  	[sflag:s8] =	ssyncset.s32 @!p0 $0xFFFFF086;
	s6 =	sadd.s32 @!p0 s3, s7;
	s7 =	simm.s32 @!p0 $0x108  }
0x21: {  	s3 =	sadd.s32 s3, s9;
	s6 =	sadd.s32 @!p0 $0x88, s6;
	s7 =	simm.s32 @p2 $0x1082  }
0x22: {  	[simem:s7], [sflag:s8] =	dma.local @!p0 [hbm:s6], $0xF7A  }
0x23: {  	s9 =	sor.u32 $0xD0000000, s2;
	s6 =	simm.s32 $0x108;
	_ =	swait.ge @!p0 [sflag:s8], $0x0  }
0x24: {  	s3 =	sadd.s32 $0x88, s3;
	s6 =	simm.s32 @!p1 $0x1082;
	[sflag:s4] =	ssyncset.s32 $0xFFFFF086  }
0x25: {  	[simem:s6], [sflag:s4] =	dma.local [hbm:s3], $0xF7A  }
0x26: {  	[smem:$0x3F92] =	sst s1;
	(tag) =	ssettag s2;
	_ =	strace s9  }
0x27: {  	s1 =	sld [smem:$0x3FA2]  }
0x28: {  	s2 =	sld [smem:$0x3FA3]  }
0x29: {  	s4 =	sld [smem:$0x3FA5]  }
0x2a: {  	p0 =	seq.s32 s5, $0x0;
	s5 =	sld [smem:$0x3FA6]  }
0x2b: {  	s6 =	sld [smem:$0x3FA7]  }
0x2c: {  	s7 =	sld [smem:$0x3FA8]  }
0x2d: {  	s3 =	simm.s32 $0x108;
	s8 =	sld [smem:$0x3FA9]  }
0x2e: {  	s3 =	simm.s32 @!p0 $0x1082;
	s9 =	sld [smem:$0x3FAA]  }
0x2f: {  	lr =	sadd.s32 s0, s3;
	s0 =	sld [smem:$0x3FA1]  }
0x30: {  	s3 =	sld [smem:$0x3FA4]  }
0x31: {  	[smem:$0x3FAD] =	sst s10  }
0x32: {  	s10 =	sld [smem:$0x3FAB];
	_ =	sdelay $0x3  }
0x33: {  	p0 =	seq.s32 s10, $0x1;
	s10 =	sld [smem:$0x3FAD];
	_ =	sdelay $0x3  }
0x34: {  	[smem:$0x3FAD] =	sst s10  }
0x35: {  	s10 =	sld [smem:$0x3FAC];
	_ =	sdelay $0x3  }
0x36: {  	p1 =	seq.s32 s10, $0x1;
	s10 =	sld [smem:$0x3FAD];
	_ =	sdelay $0x3  }
0x37: {  	[smem:$0x3FAD] =	sst s10  }
0x38: {  	s10 =	sld [smem:$0x3FAE]  }
0x39: {  	_ = 	snop;
	(pc) =	sbr.ind lr, $3  }
0x3a: {  	_ = 	snop  }
0x3b: {  	_ = 	snop  }
0x3c: {  	p2 =	seq.s32 s10, $0x1;
	s10 =	sld [smem:$0x3FAD]  }
0x3d: {  	_ =	shalt  }
0x3e: {  	_ =	shalt  }
0x3f: {  	_ =	shalt  }
0x40: {  	_ =	shalt  }
0x41: {  	_ =	shalt  }
0x42: {  	_ =	shalt  }
0x43: {  	_ =	shalt  }
0x44: {  	_ =	shalt  }
0x45: {  	_ =	shalt  }
0x46: {  	_ =	shalt  }
0x47: {  	_ =	shalt  }
0x48: {  	_ =	shalt  }
0x49: {  	_ =	shalt  }
0x4a: {  	_ =	shalt  }
0x4b: {  	_ =	shalt  }
0x4c: {  	_ =	shalt  }
0x4d: {  	_ =	shalt  }
0x4e: {  	_ =	shalt  }
0x4f: {  	_ =	shalt  }
0x50: {  	_ =	shalt  }
0x51: {  	_ =	shalt  }
0x52: {  	_ =	shalt  }
0x53: {  	_ =	shalt  }
0x54: {  	_ =	shalt  }
0x55: {  	_ =	shalt  }
0x56: {  	_ =	shalt  }
0x57: {  	_ =	shalt  }
0x58: {  	_ =	shalt  }
0x59: {  	_ =	shalt  }
0x5a: {  	_ =	shalt  }
0x5b: {  	_ =	shalt  }
0x5c: {  	_ =	shalt  }
0x5d: {  	_ =	shalt  }
0x5e: {  	_ =	shalt  }
0x5f: {  	_ =	shalt  }
0x60: {  	_ =	shalt  }
0x61: {  	_ =	shalt  }
0x62: {  	_ =	shalt  }
0x63: {  	_ =	shalt  }
0x64: {  	_ =	shalt  }
0x65: {  	_ =	shalt  }
0x66: {  	_ =	shalt  }
0x67: {  	_ =	shalt  }
0x68: {  	_ =	shalt  }
0x69: {  	_ =	shalt  }
0x6a: {  	_ =	shalt  }
0x6b: {  	_ =	shalt  }
0x6c: {  	_ =	shalt  }
0x6d: {  	_ =	shalt  }
0x6e: {  	_ =	shalt  }
0x6f: {  	_ =	shalt  }
0x70: {  	_ =	shalt  }
0x71: {  	_ =	shalt  }
0x72: {  	_ =	shalt  }
0x73: {  	_ =	shalt  }
0x74: {  	_ =	shalt  }
0x75: {  	_ =	shalt  }
0x76: {  	_ =	shalt  }
0x77: {  	_ =	shalt  }
0x78: {  	_ =	shalt  }
0x79: {  	_ =	shalt  }
0x7a: {  	_ =	shalt  }
0x7b: {  	_ =	shalt  }
0x7c: {  	_ =	shalt  }
0x7d: {  	_ =	shalt  }
0x7e: {  	_ =	shalt  }
0x7f: {  	_ =	shalt  }
0x80: {  	_ =	shalt  }
0x81: {  	_ =	shalt  }
0x82: {  	_ =	shalt  }
0x83: {  	_ =	shalt  }
0x84: {  	_ =	shalt  }
0x85: {  	_ =	shalt  }
0x86: {  	_ =	shalt  }
0x87: {  	_ =	shalt  }
.Lfunc_end0:
.L_simem_size_0:
called_computation_lowered:
.L_overlay_start_0:
0x88: {  	s2 =	sld [smem:$0x3FD9]  }
0x89: {  	s3 =	sld [smem:$0x3FFE];
	_ =	sdelay $0x1  }
0x8a: {  	s1 =	srdreg.scid  }
0x8b: {  	s0 =	sand.u32 $0x1, s1  }
0x8c: {  	s17 =	sshll.u32 s0, $0xA;
	s2 =	sadd.s32 s3, s2  }
0x8d: {  	s2 =	sadd.s32 s2, s17  }
0x8e: {  	[smem:$0x3FB9] =	sst s2  }
0x8f: {  	_ = 	snop  }
0x90: {  	(tm) =	ssettm $0x1  }
0x91: {  	s18 =	sld [smem:$0x3FFB];
	_ =	sdelay $0x3  }
0x92: {  	_ =	strace s18  }
0x93: {  	s2 =	sld [smem:$0x3FFC];
	_ =	sdelay $0x3  }
0x94: {  	_ =	strace s2  }
0x95: {  	s2 =	sld [smem:$0x3FFD];
	_ =	sdelay $0x3  }
0x96: {  	_ =	strace s2  }
0x97: {  	_ =	strace $0x8FFFFFFF  }
0x98: {  	s19 =	sld [smem:$0x3FDB];
	_ =	sdelay $0x1  }
0x99: {  	s20 =	simm.s32 $_scs_section_size  }
0x9a: {  	s4 =	simm.s32 $_size__tile_overlayer_lowered;
	s5 =	simm.s32 $_tile_overlayer_lowered  }
0x9b: {  	s6 =	simm.s32 $0x1BFF;
	s21 =	sshll.u32 s5, $0x1;
	s3 =	sadd.s32 s20, s19  }
0x9c: {  	s22 =	simm.s32 $0x0;
	s4 =	sshll.u32 s4, $0x1;
	s5 =	sadd.s32 s21, s3  }
0x9d: {  	[timem:s22], [sflag:s6] =	dma.local [hbm:s5], s4  }
0x9e: {  	_ =	swait.ge [sflag:s6], s4  }
0x9f: {  	s4 =	ssub.s32 $0x0, s4;
	[sflag:s6] =	ssyncset.done $0x0  }
0xa0: {  	[sflag:s6] =	ssyncadd.s32 s4;
	_ =	sdelay $0x1  }
0xa1: {  	s23 =	simm.s32 $0x1B8B  }
0xa2: {  	_ =	swait.ge [sflag:s23], $0x1  }
0xa3: {  	[sflag:s23] =	ssyncset.done $0x0  }
0xa4: {  	[sflag:s23] =	ssyncadd.s32 $0xFFFFFFFF  }
0xa5: {  	s4 =	sld [smem:$0x0]  }
0xa6: {  	s5 =	sand.u32 $0xFFFFFFFE, s1  }
0xa7: {  	p0 =	sne.s32 s1, s5  }
0xa8: {  	s5 =	sshll.u32 @p0 s5, $0xE  }
0xa9: {  	s5 =	sadd.s32 @p0 $0x11B8D, s5;
	s6 =	sshll.u32 @p0 s4, $0x11  }
0xaa: {  	s5 =	sor.u32 @p0 s6, s5  }
0xab: {  	[sflag:s5] =	ssyncadd.remote.s32 @p0 $0x1;
	_ =	sdelay $0x1  }
0xac: {  	s5 =	simm.s32 @p0 $0x1B8D  }
0xad: {  	_ =	swait.eq @p0 [sflag:s5], $0x1  }
0xae: {  	[sflag:s5] =	ssyncadd.s32 @p0 $0xFFFFFFFF  }
0xaf: {  	s6 =	sshll.u32 @!p0 s1, $0xE  }
0xb0: {  	s6 =	sor.u32 @!p0 $0x4000, s6;
	s5 =	simm.s32 @!p0 $0x1B8D  }
0xb1: {  	s4 =	sshll.u32 @!p0 s4, $0x11;
	s6 =	sadd.s32 @!p0 $0x11B8D, s6;
	_ =	swait.eq @!p0 [sflag:s5], $0x1  }
0xb2: {  	s4 =	sor.u32 @!p0 s4, s6;
	[sflag:s5] =	ssyncadd.s32 @!p0 $0xFFFFFFFF  }
0xb3: {  	s25 =	simm.s32 $0x1B8E;
	s24 =	sld [smem:$0x3FFE];
	[sflag:s4] =	ssyncadd.remote.s32 @!p0 $0x1  }
0xb4: {  	s26 =	simm.s32 $execute0_lowered;
	[smem:$0x3FD2] =	sst s25  }
0xb5: {  	s5 =	sshll.u32 s26, $0x1;
	_ =	strace $0x8000004F;
	[dreg:$0x1] =	wrdreg $0xFFFFFFFF  }
0xb6: {  	s28 =	simm.s32 $_size_execute0_lowered;
	s3 =	sadd.s32 s3, s5;
	[dreg:$0x0] =	wrdreg $0x0  }
0xb7: {  	s5 =	sshll.u32 s28, $0x1;
	[dreg:$0x2] =	wrdreg s3  }
0xb8: {  	[dreg:$0x3] =	wrdreg s5  }
0xb9: {  	[dreg:$0x4] =	wrdreg $0xC0  }
0xba: {  	_ =	task [dreg:s22], $0x5FFFF  }
0xbb: {  	[dreg:$0x1] =	wrdreg $0xFFFFFFFF  }
0xbc: {  	[dreg:$0x0] =	wrdreg $0x60  }
0xbd: {  	[dreg:$0x2] =	wrdreg s24  }
0xbe: {  	[dreg:$0x3] =	wrdreg $0x9  }
0xbf: {  	_ =	task.clear_ibuf [dreg:s22], $0x4FFFF;
	_ =	strace $0x9000004F  }
0xc0: {  	s29 =	simm.s32 $0x9;
	_ =	strace $0x80000051  }
0xc1: {  	_ =	swait.ge [sflag:s29], $0x1  }
0xc2: {  	[sflag:s29] =	ssyncadd.s32 $0xFFFFFFFF  }
0xc3: {  	_ =	strace $0x90000051  }
0xc4: {  	_ =	sfence  }
0xc5: {  	s30 =	sld [smem:$0x0];
	_ =	sdelay $0x2  }
0xc6: {  	s31 =	sshll.u32 s1, $0xD;
	s1 =	sshrl.u32 s1, $0x2  }
0xc7: {  	s4 =	sand.u32 $0x4000, s31;
	s1 =	sadd.s32 s1, s30  }
0xc8: {  	s0 =	sor.u32 s4, s0;
	s1 =	sshll.u32 s1, $0x11  }
0xc9: {  	s0 =	sor.u32 s1, s0  }
0xca: {  	s0 =	sadd.s32 $0x8F2B, s0  }
0xcb: {  	[sflag:s0] =	ssyncadd.remote.s32 $0x1  }
0xcc: {  	_ =	sfence.sel $0xFFFF  }
0xcd: {  	[dreg:$0x0] =	wrdreg $0xFFFFFFFF;
	(pc) =	sbr.abs _section_cstart, $3  }
0xce: {  	[dreg:$0x1] =	wrdreg $0xFFFFFFFF  }
0xcf: {  	_ =	task.clear_ibuf [dreg:s22], $0x2FFFF;
	_ =	strace $0x9FFFFFFF  }
0xd0: {  	(tm) =	ssettm $0x7FFFFFFF  }
0xd1: {  	_ =	shalt  }
tec
execute0_lowered:
.L_overlay_start_1:
0x0: {  	(tag) =	ssettag $0x1  }
0x1: {  	s4 =	rddreg [dreg:$0x0]  }
0x2: {  	s0 =	rddreg [dreg:$0x1]  }
0x3: {  	s3 =	srdreg.scid;
	s1 =	stileid.u32  }
0x4: {  	s2 =	simm.s32 $0x0;
	s13 =	simm.s32 $0x1;
	s14 =	simm.s32 $0x100  }
0x5: {  	s15 =	simm.s32 $0x9400;
	s16 =	simm.s32 $0x180;
	s17 =	simm.s32 $0xD400  }
0x6: {  	s18 =	simm.s32 $0x2;
	s19 =	simm.s32 $0x3;
	s20 =	simm.s32 $0x0  }
0x7: {  	s5 =	sand.u32 $0x1, s3;
	s29 =	sshll.u32 s1, $0x1;
	s9 =	smul.u32 $0x28000, s1  }
0x8: {  	s3 =	sadd.s32 $0x857800, s4;
	s6 =	sor.u32 s5, s29;
	s12 =	smul.u32 $0x14000, s5  }
0x9: {  	[smem:$0x7FF] =	sst s2;
	s10 =	sadd.s32 $0x89C800, s4;
	s7 =	smul.u32 $0x1400, s6  }
0xa: {  	_ =	strace $0x80000050;
	s8 =	ssub.s32 $0x2, s5;
	s6 =	smul.u32 $0x14000, s6  }
0xb: {  	s11 =	sshrl.u32 s8, $0x1;
	s31 =	sadd.s32 s9, s10;
	s9 =	simm.s32 $0x4  }
0xc: {  	s30 =	ssub.s32 s8, s11;
	s8 =	sadd.s32 s12, s31;
	s11 =	simm.s32 $0x1400  }
0xd: {  	s12 =	simm.s32 $0x5400;
	s7 =	sshrl.u32 s7, $0x3;
	s5 =	sadd.s32 s10, s6  }
0xe: {  	s6 =	smax.u32 s30, $0x1;
	s8 =	sadd.s32 $0x2000, s8;
	s4 =	sadd.s32 s7, s4  }
0xf: {  	s10 =	simm.s32 $0x80;
	s7 =	sadd.s32 $0x1000, s5;
	s4 =	sadd.s32 $0x897800, s4  }
.LBB2_1:
0x10: {  	[tilespmem:s2], [sflag:$0x4] =	stream.linear.gather [hbm4b:s4+s2], $0x1400, $0x38;
	[tilespmem:$0x11400] =	vst v63  }
0x11: {  	_ =	swait.ge [sflag:s9], $0x1400  }
0x12: {  	[sflag:s9] =	ssyncset.done $0x0  }
0x13: {  	[sflag:s9] =	ssyncadd.s32 $0xFFFFEC00  }
0x14: {  	[tilespmem:s11], [sflag:$0x1] =	stream.indirect.gather [hbm4b:s3+s10], $0x80, s2, s10, $0xb8;
	[tilespmem:$0x11400] =	vst v63  }
0x15: {  	_ = 	snop  }
0x16: {  	[tilespmem:s12], [sflag:$0x1] =	stream.indirect.gather [hbm4b:s3+s10], $0x80, s10, s10, $0xb8;
	[tilespmem:$0x11400] =	vst v63  }
0x17: {  	_ =	swait.ge [sflag:s13], $0x4000  }
0x18: {  	[sflag:s13] =	ssyncset.done $0x0  }
0x19: {  	[sflag:s13] =	ssyncadd.s32 $0xFFFFC000  }
0x1a: {  	_ =	swait.ge [sflag:s13], $0x4000  }
0x1b: {  	[sflag:s13] =	ssyncset.done $0x0  }
0x1c: {  	[sflag:s13] =	ssyncadd.s32 $0xFFFFC000  }
0x1d: {  	[hbm4b:s5+s2] =	stream.linear.scatter [tilespmem:s11], [sflag:$0x2], $0x8000, $0x38;
	[tilespmem:$0x11400] =	vst v63  }
0x1e: {  	_ = 	snop  }
0x1f: {  	[tilespmem:s15], [sflag:$0x1] =	stream.indirect.gather [hbm4b:s3+s10], $0x80, s14, s10, $0xb8;
	[tilespmem:$0x11400] =	vst v63  }
0x20: {  	_ = 	snop  }
0x21: {  	[tilespmem:s17], [sflag:$0x1] =	stream.indirect.gather [hbm4b:s3+s10], $0x80, s16, s10, $0xb8;
	[tilespmem:$0x11400] =	vst v63  }
0x22: {  	_ =	swait.ge [sflag:s13], $0x4000  }
0x23: {  	[sflag:s13] =	ssyncset.done $0x0  }
0x24: {  	[sflag:s13] =	ssyncadd.s32 $0xFFFFC000  }
0x25: {  	_ =	swait.ge [sflag:s13], $0x4000  }
0x26: {  	[sflag:s13] =	ssyncset.done $0x0  }
0x27: {  	[sflag:s13] =	ssyncadd.s32 $0xFFFFC000  }
0x28: {  	[hbm4b:s7+s2] =	stream.linear.scatter [tilespmem:s15], [sflag:$0x3], $0x8000, $0x38;
	[tilespmem:$0x11400] =	vst v63  }
0x29: {  	_ =	swait.ge [sflag:s18], $0x8000  }
0x2a: {  	[sflag:s18] =	ssyncset.done $0x0  }
0x2b: {  	s21 =	simm.s32 $0x200;
	[sflag:s18] =	ssyncadd.s32 $0xFFFF8000  }
0x2c: {  	[tilespmem:s11], [sflag:$0x1] =	stream.indirect.gather [hbm4b:s3+s10], $0x80, s21, s10, $0xb8;
	[tilespmem:$0x11400] =	vst v63  }
0x2d: {  	s29 =	simm.s32 $0x280  }
0x2e: {  	[tilespmem:s12], [sflag:$0x1] =	stream.indirect.gather [hbm4b:s3+s10], $0x80, s29, s10, $0xb8;
	[tilespmem:$0x11400] =	vst v63  }
0x2f: {  	_ =	swait.ge [sflag:s13], $0x4000  }
0x30: {  	[sflag:s13] =	ssyncset.done $0x0  }
0x31: {  	[sflag:s13] =	ssyncadd.s32 $0xFFFFC000  }
0x32: {  	_ =	swait.ge [sflag:s13], $0x4000  }
0x33: {  	[sflag:s13] =	ssyncset.done $0x0  }
0x34: {  	[sflag:s13] =	ssyncadd.s32 $0xFFFFC000  }
0x35: {  	[hbm4b:s8+s2] =	stream.linear.scatter [tilespmem:s11], [sflag:$0x2], $0x8000, $0x38;
	[tilespmem:$0x11400] =	vst v63  }
0x36: {  	_ =	swait.ge [sflag:s19], $0x8000  }
0x37: {  	[sflag:s19] =	ssyncset.done $0x0  }
0x38: {  	s30 =	simm.s32 $0x300;
	[sflag:s19] =	ssyncadd.s32 $0xFFFF8000  }
0x39: {  	[tilespmem:s15], [sflag:$0x1] =	stream.indirect.gather [hbm4b:s3+s10], $0x80, s30, s10, $0xb8;
	[tilespmem:$0x11400] =	vst v63  }
0x3a: {  	s31 =	simm.s32 $0x380  }
0x3b: {  	[tilespmem:s17], [sflag:$0x1] =	stream.indirect.gather [hbm4b:s3+s10], $0x80, s31, s10, $0xb8;
	[tilespmem:$0x11400] =	vst v63  }
0x3c: {  	_ =	swait.ge [sflag:s13], $0x4000  }
0x3d: {  	[sflag:s13] =	ssyncset.done $0x0  }
0x3e: {  	[sflag:s13] =	ssyncadd.s32 $0xFFFFC000  }
0x3f: {  	_ =	swait.ge [sflag:s13], $0x4000  }
0x40: {  	s23 =	sadd.s32 $0x1000, s8;
	[sflag:s13] =	ssyncset.done $0x0  }
0x41: {  	s22 =	sadd.s32 $0x2000, s8;
	s21 =	simm.s32 $0x800;
	[sflag:s13] =	ssyncadd.s32 $0xFFFFC000  }
.LBB2_2:
0x42: {  	[hbm4b:s23+s2] =	stream.linear.scatter [tilespmem:s15], [sflag:$0x3], $0x8000, $0x38;
	[tilespmem:$0x11400] =	vst v63  }
0x43: {  	s23 =	smov.u32 s21  }
0x44: {  	p0 =	sne.s32 s21, $0x4000;
	s21 =	sadd.s32 $0x800, s21;
	_ =	swait.ge [sflag:s18], $0x8000  }
0x45: {  	s23 =	sshra.s32 s23, $0x2;
	[sflag:s18] =	ssyncset.done $0x0  }
0x46: {  	s24 =	sadd.s32 $0x200, s23;
	[sflag:s18] =	ssyncadd.s32 $0xFFFF8000  }
0x47: {  	[tilespmem:s11], [sflag:$0x1] =	stream.indirect.gather [hbm4b:s3+s10], $0x80, s24, s10, $0xb8;
	[tilespmem:$0x11400] =	vst v63  }
0x48: {  	s24 =	sadd.s32 $0x280, s23  }
0x49: {  	[tilespmem:s12], [sflag:$0x1] =	stream.indirect.gather [hbm4b:s3+s10], $0x80, s24, s10, $0xb8;
	[tilespmem:$0x11400] =	vst v63  }
0x4a: {  	_ =	swait.ge [sflag:s13], $0x4000  }
0x4b: {  	[sflag:s13] =	ssyncset.done $0x0  }
0x4c: {  	[sflag:s13] =	ssyncadd.s32 $0xFFFFC000  }
0x4d: {  	_ =	swait.ge [sflag:s13], $0x4000  }
0x4e: {  	[sflag:s13] =	ssyncset.done $0x0  }
0x4f: {  	[sflag:s13] =	ssyncadd.s32 $0xFFFFC000  }
0x50: {  	[hbm4b:s22+s2] =	stream.linear.scatter [tilespmem:s11], [sflag:$0x2], $0x8000, $0x38;
	[tilespmem:$0x11400] =	vst v63  }
0x51: {  	_ =	swait.ge [sflag:s19], $0x8000  }
0x52: {  	[sflag:s19] =	ssyncset.done $0x0  }
0x53: {  	s24 =	sadd.s32 $0x300, s23;
	[sflag:s19] =	ssyncadd.s32 $0xFFFF8000  }
0x54: {  	[tilespmem:s15], [sflag:$0x1] =	stream.indirect.gather [hbm4b:s3+s10], $0x80, s24, s10, $0xb8;
	[tilespmem:$0x11400] =	vst v63  }
0x55: {  	s23 =	sadd.s32 $0x380, s23  }
0x56: {  	[tilespmem:s17], [sflag:$0x1] =	stream.indirect.gather [hbm4b:s3+s10], $0x80, s23, s10, $0xb8;
	[tilespmem:$0x11400] =	vst v63  }
0x57: {  	_ =	swait.ge [sflag:s13], $0x4000  }
.Ltmp0:
0x58: {  	[sflag:s13] =	ssyncset.done $0x0;
	(pc) =	sbr.rel @p0 .LBB2_2-.Ltmp0, $4  }
0x59: {  	[sflag:s13] =	ssyncadd.s32 $0xFFFFC000  }
0x5a: {  	_ =	swait.ge [sflag:s13], $0x4000  }
0x5b: {  	[sflag:s13] =	ssyncset.done $0x0  }
0x5c: {  	s23 =	sadd.s32 $0x1000, s22;
	s22 =	sadd.s32 $0x2000, s22;
	[sflag:s13] =	ssyncadd.s32 $0xFFFFC000  }
0x5d: {  	[hbm4b:s23+s2] =	stream.linear.scatter [tilespmem:s15], [sflag:$0x3], $0x8000, $0x38;
	[tilespmem:$0x11400] =	vst v63  }
0x5e: {  	s20 =	sadd.s32 $0x1, s20  }
0x5f: {  	_ =	swait.ge [sflag:s18], $0x8000;
	p0 =	sne.s32 s20, s6  }
.Ltmp1:
0x60: {  	[sflag:s18] =	ssyncset.done $0x0;
	(pc) =	sbr.rel @p0 .LBB2_1-.Ltmp1, $4  }
0x61: {  	[sflag:s18] =	ssyncadd.s32 $0xFFFF8000  }
0x62: {  	_ =	swait.ge [sflag:s19], $0x8000  }
0x63: {  	[sflag:s19] =	ssyncset.done $0x0  }
0x64: {  	[sflag:s19] =	ssyncadd.s32 $0xFFFF8000  }
0x65: {  	_ =	sfence.sel $0x180000  }
0x66: {  	[bflag:$0x0] =	sbarrier.arrive $0xFFFF  }
0x67: {  	p0 =	sne.s32 s1, $0x0;
	_ =	strace $0x90000050  }
0x68: {  	s0 =	sadd.s32 @!p0 $0x100000, s0;
	[bflag:$0x2] =	sbarrier.arrive $0xFFFF  }
0x69: {  	[sflag:s0] =	ssyncadd.tile.s32 @!p0 $0x1;
	_ =	shalt  }
.Lfunc_end2:
_tile_overlayer_lowered:
.L_overlay_start_2:
0x6a: {  	(tag) =	ssettag $0x2  }
0x6b: {  	s0 =	rddreg [dreg:$0x0];
	s2 =	stileid.u32  }
0x6c: {  	s1 =	rddreg [dreg:$0x1];
	p0 =	sne.s32 s2, $0x0  }
0x6d: {  	s3 =	rddreg [dreg:$0x2];
	[bflag:$0x3] =	sbarrier.arrive $0xFFFF;
	s2 =	simm.s32 @!p0 $0x1C04  }
0x6e: {  	[timem:s3], [sflag:s2] =	dma.local @!p0 [hbm:s0], s1  }
0x6f: {  	s0 =	simm.s32 @!p0 $0x4  }
0x70: {  	_ =	swait.ge @!p0 [sflag:s0], s1  }
0x71: {  	s1 =	ssub.s32 @!p0 $0x0, s1;
	[sflag:s0] =	ssyncset.done @!p0 $0x0  }
0x72: {  	[sflag:s0] =	ssyncadd.s32 @!p0 s1  }
0x73: {  	[bflag:$0x3] =	sbarrier.arrive $0xFFFF  }
0x74: {  	_ =	shalt  }

// kernel: kernel.17.cloned.1.call-start
scs
__scs_entry_jumppad:
0x0: {  	(pc) =	sbr.rel $0x88, $3  }
0x1: {  	(tag) =	ssettag $0x0;
	lr =	simm.s32 $0x1  }
0x2: {  	[smem:$0x3F92] =	sst lr;
	_ =	strace $0xD0000000  }
0x3: {  	_ = 	snop  }
0x4: {  	_ = 	snop  }
0x5: {  	_ = 	snop  }
0x6: {  	_ = 	snop  }
0x7: {  	_ = 	snop  }
__scs_overlays_trampoline_lowered:
0x8: {  	[smem:$0x3FA1] =	sst s0  }
0x9: {  	[smem:$0x3FA2] =	sst s1  }
0xa: {  	[smem:$0x3FA3] =	sst s2  }
0xb: {  	[smem:$0x3FA4] =	sst s3  }
0xc: {  	[smem:$0x3FA5] =	sst s4  }
0xd: {  	[smem:$0x3FA6] =	sst s5  }
0xe: {  	[smem:$0x3FA7] =	sst s6  }
0xf: {  	[smem:$0x3FA8] =	sst s7  }
0x10: {  	[smem:$0x3FA9] =	sst s8  }
0x11: {  	[smem:$0x3FAA] =	sst s9;
	s0 =	simm.s32 @!p0 $0x0  }
0x12: {  	s1 =	sld [smem:$0x3F90];
	s0 =	simm.s32 @p0 $0x1  }
0x13: {  	[smem:$0x3FAB] =	sst s0;
	s0 =	simm.s32 @!p1 $0x0  }
0x14: {  	s2 =	sld [smem:$0x3F8F];
	s0 =	simm.s32 @p1 $0x1  }
0x15: {  	[smem:$0x3FAC] =	sst s0;
	s0 =	simm.s32 @!p2 $0x0  }
0x16: {  	s3 =	sld [smem:$0x3FDB];
	s0 =	simm.s32 @p2 $0x1  }
0x17: {  	s4 =	simm.s32 $0x1BF5;
	[smem:$0x3FAE] =	sst s0  }
0x18: {  	s0 =	sld [smem:$0x3F91];
	_ =	swait.ge [sflag:s4], $0x0  }
0x19: {  	s7 =	sld [smem:$0x3F92]  }
0x1a: {  	s8 =	sadd.s32 $0xFFFFE003, lr  }
0x1b: {  	s9 =	sadd.s32 $0xFFFFFEF7, lr;
	s5 =	simm.s32 $0xFFFFFFFF;
	p2 =	slt.u32 s8, $0xFFFFF086  }
0x1c: {  	p1 =	slt.u32 s9, $0xF7A;
	s5 =	simm.s32 @!p2 $0x0  }
0x1d: {  	s5 =	simm.s32 @p1 $0x1;
	p0 =	seq.s32 s7, s2  }
0x1e: {  	s7 =	smul.u32 @!p0 $0xF7A, s2;
	p2 =	seq.s32 @!p0 s5, $0x0  }
0x1f: {  	s9 =	smul.u32 $0xF7A, s1;
	s8 =	simm.s32 @!p0 $0x1BF5;
	p2 =	por !p2, p0  }
0x20: {  	[sflag:s8] =	ssyncset.s32 @!p0 $0xFFFFF086;
	s6 =	sadd.s32 @!p0 s3, s7;
	s7 =	simm.s32 @!p0 $0x108  }
0x21: {  	s3 =	sadd.s32 s3, s9;
	s6 =	sadd.s32 @!p0 $0x88, s6;
	s7 =	simm.s32 @p2 $0x1082  }
0x22: {  	[simem:s7], [sflag:s8] =	dma.local @!p0 [hbm:s6], $0xF7A  }
0x23: {  	s9 =	sor.u32 $0xD0000000, s2;
	s6 =	simm.s32 $0x108;
	_ =	swait.ge @!p0 [sflag:s8], $0x0  }
0x24: {  	s3 =	sadd.s32 $0x88, s3;
	s6 =	simm.s32 @!p1 $0x1082;
	[sflag:s4] =	ssyncset.s32 $0xFFFFF086  }
0x25: {  	[simem:s6], [sflag:s4] =	dma.local [hbm:s3], $0xF7A  }
0x26: {  	[smem:$0x3F92] =	sst s1;
	(tag) =	ssettag s2;
	_ =	strace s9  }
0x27: {  	s1 =	sld [smem:$0x3FA2]  }
0x28: {  	s2 =	sld [smem:$0x3FA3]  }
0x29: {  	s4 =	sld [smem:$0x3FA5]  }
0x2a: {  	p0 =	seq.s32 s5, $0x0;
	s5 =	sld [smem:$0x3FA6]  }
0x2b: {  	s6 =	sld [smem:$0x3FA7]  }
0x2c: {  	s7 =	sld [smem:$0x3FA8]  }
0x2d: {  	s3 =	simm.s32 $0x108;
	s8 =	sld [smem:$0x3FA9]  }
0x2e: {  	s3 =	simm.s32 @!p0 $0x1082;
	s9 =	sld [smem:$0x3FAA]  }
0x2f: {  	lr =	sadd.s32 s0, s3;
	s0 =	sld [smem:$0x3FA1]  }
0x30: {  	s3 =	sld [smem:$0x3FA4]  }
0x31: {  	[smem:$0x3FAD] =	sst s10  }
0x32: {  	s10 =	sld [smem:$0x3FAB];
	_ =	sdelay $0x3  }
0x33: {  	p0 =	seq.s32 s10, $0x1;
	s10 =	sld [smem:$0x3FAD];
	_ =	sdelay $0x3  }
0x34: {  	[smem:$0x3FAD] =	sst s10  }
0x35: {  	s10 =	sld [smem:$0x3FAC];
	_ =	sdelay $0x3  }
0x36: {  	p1 =	seq.s32 s10, $0x1;
	s10 =	sld [smem:$0x3FAD];
	_ =	sdelay $0x3  }
0x37: {  	[smem:$0x3FAD] =	sst s10  }
0x38: {  	s10 =	sld [smem:$0x3FAE]  }
0x39: {  	_ = 	snop;
	(pc) =	sbr.ind lr, $3  }
0x3a: {  	_ = 	snop  }
0x3b: {  	_ = 	snop  }
0x3c: {  	p2 =	seq.s32 s10, $0x1;
	s10 =	sld [smem:$0x3FAD]  }
0x3d: {  	_ =	shalt  }
0x3e: {  	_ =	shalt  }
0x3f: {  	_ =	shalt  }
0x40: {  	_ =	shalt  }
0x41: {  	_ =	shalt  }
0x42: {  	_ =	shalt  }
0x43: {  	_ =	shalt  }
0x44: {  	_ =	shalt  }
0x45: {  	_ =	shalt  }
0x46: {  	_ =	shalt  }
0x47: {  	_ =	shalt  }
0x48: {  	_ =	shalt  }
0x49: {  	_ =	shalt  }
0x4a: {  	_ =	shalt  }
0x4b: {  	_ =	shalt  }
0x4c: {  	_ =	shalt  }
0x4d: {  	_ =	shalt  }
0x4e: {  	_ =	shalt  }
0x4f: {  	_ =	shalt  }
0x50: {  	_ =	shalt  }
0x51: {  	_ =	shalt  }
0x52: {  	_ =	shalt  }
0x53: {  	_ =	shalt  }
0x54: {  	_ =	shalt  }
0x55: {  	_ =	shalt  }
0x56: {  	_ =	shalt  }
0x57: {  	_ =	shalt  }
0x58: {  	_ =	shalt  }
0x59: {  	_ =	shalt  }
0x5a: {  	_ =	shalt  }
0x5b: {  	_ =	shalt  }
0x5c: {  	_ =	shalt  }
0x5d: {  	_ =	shalt  }
0x5e: {  	_ =	shalt  }
0x5f: {  	_ =	shalt  }
0x60: {  	_ =	shalt  }
0x61: {  	_ =	shalt  }
0x62: {  	_ =	shalt  }
0x63: {  	_ =	shalt  }
0x64: {  	_ =	shalt  }
0x65: {  	_ =	shalt  }
0x66: {  	_ =	shalt  }
0x67: {  	_ =	shalt  }
0x68: {  	_ =	shalt  }
0x69: {  	_ =	shalt  }
0x6a: {  	_ =	shalt  }
0x6b: {  	_ =	shalt  }
0x6c: {  	_ =	shalt  }
0x6d: {  	_ =	shalt  }
0x6e: {  	_ =	shalt  }
0x6f: {  	_ =	shalt  }
0x70: {  	_ =	shalt  }
0x71: {  	_ =	shalt  }
0x72: {  	_ =	shalt  }
0x73: {  	_ =	shalt  }
0x74: {  	_ =	shalt  }
0x75: {  	_ =	shalt  }
0x76: {  	_ =	shalt  }
0x77: {  	_ =	shalt  }
0x78: {  	_ =	shalt  }
0x79: {  	_ =	shalt  }
0x7a: {  	_ =	shalt  }
0x7b: {  	_ =	shalt  }
0x7c: {  	_ =	shalt  }
0x7d: {  	_ =	shalt  }
0x7e: {  	_ =	shalt  }
0x7f: {  	_ =	shalt  }
0x80: {  	_ =	shalt  }
0x81: {  	_ =	shalt  }
0x82: {  	_ =	shalt  }
0x83: {  	_ =	shalt  }
0x84: {  	_ =	shalt  }
0x85: {  	_ =	shalt  }
0x86: {  	_ =	shalt  }
0x87: {  	_ =	shalt  }
.Lfunc_end0:
.L_simem_size_0:
called_computation.1_lowered:
.L_overlay_start_0:
0x88: {  	s2 =	sld [smem:$0x3FD9]  }
0x89: {  	s3 =	sld [smem:$0x3FFE];
	_ =	sdelay $0x1  }
0x8a: {  	s1 =	srdreg.scid  }
0x8b: {  	s0 =	sand.u32 $0x1, s1  }
0x8c: {  	s16 =	sshll.u32 s0, $0xA;
	s2 =	sadd.s32 s3, s2  }
0x8d: {  	s2 =	sadd.s32 s2, s16  }
0x8e: {  	[smem:$0x3FB9] =	sst s2  }
0x8f: {  	_ = 	snop  }
0x90: {  	(tm) =	ssettm $0x1  }
0x91: {  	s17 =	sld [smem:$0x3FFB];
	_ =	sdelay $0x3  }
0x92: {  	_ =	strace s17  }
0x93: {  	s2 =	sld [smem:$0x3FFC];
	_ =	sdelay $0x3  }
0x94: {  	_ =	strace s2  }
0x95: {  	s2 =	sld [smem:$0x3FFD];
	_ =	sdelay $0x3  }
0x96: {  	_ =	strace s2  }
0x97: {  	_ =	strace $0x8FFFFFFF  }
0x98: {  	s18 =	sld [smem:$0x3FDB];
	_ =	sdelay $0x1  }
0x99: {  	s19 =	simm.s32 $_scs_section_size  }
0x9a: {  	s4 =	simm.s32 $_size__tile_overlayer_lowered;
	s5 =	simm.s32 $_tile_overlayer_lowered  }
0x9b: {  	s22 =	simm.s32 $0x1BFF;
	s21 =	sshll.u32 s5, $0x1;
	s2 =	sadd.s32 s19, s18  }
0x9c: {  	s6 =	simm.s32 $0x0;
	s20 =	sshll.u32 s4, $0x1;
	s4 =	sadd.s32 s21, s2  }
0x9d: {  	[timem:s6], [sflag:s22] =	dma.local [hbm:s4], s20  }
0x9e: {  	_ =	swait.ge [sflag:s22], s20  }
0x9f: {  	s3 =	ssub.s32 $0x0, s20;
	[sflag:s22] =	ssyncset.done $0x0  }
0xa0: {  	[sflag:s22] =	ssyncadd.s32 s3;
	_ =	sdelay $0x1  }
0xa1: {  	s23 =	simm.s32 $0x1B8B  }
0xa2: {  	_ =	swait.ge [sflag:s23], $0x1  }
0xa3: {  	[sflag:s23] =	ssyncset.done $0x0  }
0xa4: {  	s25 =	simm.s32 $0x1B8E;
	s24 =	sld [smem:$0x3FFE];
	[sflag:s23] =	ssyncadd.s32 $0xFFFFFFFF  }
0xa5: {  	s26 =	simm.s32 $execute0_lowered;
	[smem:$0x3FD2] =	sst s25  }
0xa6: {  	s4 =	sshll.u32 s26, $0x1;
	_ =	strace $0x80000046;
	[dreg:$0x1] =	wrdreg $0xFFFFFFFF  }
0xa7: {  	s28 =	simm.s32 $_size_execute0_lowered;
	s2 =	sadd.s32 s2, s4;
	[dreg:$0x0] =	wrdreg $0x0  }
0xa8: {  	s4 =	sshll.u32 s28, $0x1;
	[dreg:$0x2] =	wrdreg s2  }
0xa9: {  	[dreg:$0x3] =	wrdreg s4  }
0xaa: {  	[dreg:$0x4] =	wrdreg $0xC0  }
0xab: {  	_ =	task [dreg:s6], $0x5FFFF  }
0xac: {  	[dreg:$0x1] =	wrdreg $0xFFFFFFFF  }
0xad: {  	[dreg:$0x0] =	wrdreg $0x60  }
0xae: {  	[dreg:$0x2] =	wrdreg s24  }
0xaf: {  	[dreg:$0x3] =	wrdreg $0xA  }
0xb0: {  	_ =	task.clear_ibuf [dreg:s6], $0x4FFFF;
	_ =	strace $0x90000046  }
0xb1: {  	s29 =	simm.s32 $0xA;
	_ =	strace $0x80000048  }
0xb2: {  	_ =	swait.ge [sflag:s29], $0x1  }
0xb3: {  	[sflag:s29] =	ssyncadd.s32 $0xFFFFFFFF  }
0xb4: {  	_ =	strace $0x90000048  }
0xb5: {  	_ =	sfence  }
0xb6: {  	s30 =	sld [smem:$0x0];
	_ =	sdelay $0x2  }
0xb7: {  	s31 =	sshll.u32 s1, $0xD;
	s1 =	sshrl.u32 s1, $0x2  }
0xb8: {  	s3 =	sand.u32 $0x4000, s31;
	s1 =	sadd.s32 s1, s30  }
0xb9: {  	s0 =	sor.u32 s3, s0;
	s1 =	sshll.u32 s1, $0x11  }
0xba: {  	s0 =	sor.u32 s1, s0  }
0xbb: {  	s0 =	sadd.s32 $0x8F2B, s0  }
0xbc: {  	[sflag:s0] =	ssyncadd.remote.s32 $0x1  }
0xbd: {  	_ =	sfence.sel $0xFFFF  }
0xbe: {  	[dreg:$0x0] =	wrdreg $0xFFFFFFFF;
	(pc) =	sbr.abs _section_cstart, $3  }
0xbf: {  	[dreg:$0x1] =	wrdreg $0xFFFFFFFF  }
0xc0: {  	_ =	task.clear_ibuf [dreg:s6], $0x2FFFF;
	_ =	strace $0x9FFFFFFF  }
0xc1: {  	(tm) =	ssettm $0x7FFFFFFF  }
tec
execute0_lowered:
.L_overlay_start_1:
0x0: {  	(tag) =	ssettag $0x1  }
0x1: {  	s1 =	srdreg.scid  }
0x2: {  	s0 =	stileid.u32;
	s4 =	rddreg [dreg:$0x0];
	s2 =	simm.s32 $0x0  }
0x3: {  	s13 =	simm.s32 $0x1;
	s14 =	simm.s32 $0x100;
	s15 =	simm.s32 $0x9400  }
0x4: {  	s16 =	simm.s32 $0x180;
	s17 =	simm.s32 $0xD400;
	s18 =	simm.s32 $0x2  }
0x5: {  	s19 =	simm.s32 $0x3;
	s20 =	simm.s32 $0x0;
	s5 =	sand.u32 $0x1, s1  }
0x6: {  	s3 =	sshll.u32 s0, $0x1;
	s1 =	rddreg [dreg:$0x1];
	s9 =	smul.u32 $0x28000, s0  }
0x7: {  	[smem:$0x7FF] =	sst s2;
	s6 =	sor.u32 s5, s3;
	s12 =	smul.u32 $0x14000, s5  }
0x8: {  	s10 =	sadd.s32 $0x4D800, s4;
	_ =	strace $0x80000047;
	s7 =	smul.u32 $0x1400, s6  }
0x9: {  	s3 =	sadd.s32 $0x8800, s4;
	s8 =	ssub.s32 $0x2, s5;
	s6 =	smul.u32 $0x14000, s6  }
0xa: {  	s11 =	sshrl.u32 s8, $0x1;
	s31 =	sadd.s32 s9, s10;
	s9 =	simm.s32 $0x4  }
0xb: {  	s30 =	ssub.s32 s8, s11;
	s8 =	sadd.s32 s12, s31;
	s11 =	simm.s32 $0x1400  }
0xc: {  	s12 =	simm.s32 $0x5400;
	s7 =	sshrl.u32 s7, $0x3;
	s5 =	sadd.s32 s10, s6  }
0xd: {  	s6 =	smax.u32 s30, $0x1;
	s8 =	sadd.s32 $0x2000, s8;
	s4 =	sadd.s32 s7, s4  }
0xe: {  	s10 =	simm.s32 $0x80;
	s7 =	sadd.s32 $0x1000, s5;
	s4 =	sadd.s32 $0x48800, s4  }
.LBB2_1:
0xf: {  	[tilespmem:s2], [sflag:$0x4] =	stream.linear.gather [hbm4b:s4+s2], $0x1400, $0x38;
	[tilespmem:$0x11400] =	vst v63  }
0x10: {  	_ =	swait.ge [sflag:s9], $0x1400  }
0x11: {  	[sflag:s9] =	ssyncset.done $0x0  }
0x12: {  	[sflag:s9] =	ssyncadd.s32 $0xFFFFEC00  }
0x13: {  	[tilespmem:s11], [sflag:$0x1] =	stream.indirect.gather [hbm4b:s3+s10], $0x80, s2, s10, $0xb8;
	[tilespmem:$0x11400] =	vst v63  }
0x14: {  	_ = 	snop  }
0x15: {  	[tilespmem:s12], [sflag:$0x1] =	stream.indirect.gather [hbm4b:s3+s10], $0x80, s10, s10, $0xb8;
	[tilespmem:$0x11400] =	vst v63  }
0x16: {  	_ =	swait.ge [sflag:s13], $0x4000  }
0x17: {  	[sflag:s13] =	ssyncset.done $0x0  }
0x18: {  	[sflag:s13] =	ssyncadd.s32 $0xFFFFC000  }
0x19: {  	_ =	swait.ge [sflag:s13], $0x4000  }
0x1a: {  	[sflag:s13] =	ssyncset.done $0x0  }
0x1b: {  	[sflag:s13] =	ssyncadd.s32 $0xFFFFC000  }
0x1c: {  	[hbm4b:s5+s2] =	stream.linear.scatter [tilespmem:s11], [sflag:$0x2], $0x8000, $0x38;
	[tilespmem:$0x11400] =	vst v63  }
0x1d: {  	_ = 	snop  }
0x1e: {  	[tilespmem:s15], [sflag:$0x1] =	stream.indirect.gather [hbm4b:s3+s10], $0x80, s14, s10, $0xb8;
	[tilespmem:$0x11400] =	vst v63  }
0x1f: {  	_ = 	snop  }
0x20: {  	[tilespmem:s17], [sflag:$0x1] =	stream.indirect.gather [hbm4b:s3+s10], $0x80, s16, s10, $0xb8;
	[tilespmem:$0x11400] =	vst v63  }
0x21: {  	_ =	swait.ge [sflag:s13], $0x4000  }
0x22: {  	[sflag:s13] =	ssyncset.done $0x0  }
0x23: {  	[sflag:s13] =	ssyncadd.s32 $0xFFFFC000  }
0x24: {  	_ =	swait.ge [sflag:s13], $0x4000  }
0x25: {  	[sflag:s13] =	ssyncset.done $0x0  }
0x26: {  	[sflag:s13] =	ssyncadd.s32 $0xFFFFC000  }
0x27: {  	[hbm4b:s7+s2] =	stream.linear.scatter [tilespmem:s15], [sflag:$0x3], $0x8000, $0x38;
	[tilespmem:$0x11400] =	vst v63  }
0x28: {  	_ =	swait.ge [sflag:s18], $0x8000  }
0x29: {  	[sflag:s18] =	ssyncset.done $0x0  }
0x2a: {  	s21 =	simm.s32 $0x200;
	[sflag:s18] =	ssyncadd.s32 $0xFFFF8000  }
0x2b: {  	[tilespmem:s11], [sflag:$0x1] =	stream.indirect.gather [hbm4b:s3+s10], $0x80, s21, s10, $0xb8;
	[tilespmem:$0x11400] =	vst v63  }
0x2c: {  	s29 =	simm.s32 $0x280  }
0x2d: {  	[tilespmem:s12], [sflag:$0x1] =	stream.indirect.gather [hbm4b:s3+s10], $0x80, s29, s10, $0xb8;
	[tilespmem:$0x11400] =	vst v63  }
0x2e: {  	_ =	swait.ge [sflag:s13], $0x4000  }
0x2f: {  	[sflag:s13] =	ssyncset.done $0x0  }
0x30: {  	[sflag:s13] =	ssyncadd.s32 $0xFFFFC000  }
0x31: {  	_ =	swait.ge [sflag:s13], $0x4000  }
0x32: {  	[sflag:s13] =	ssyncset.done $0x0  }
0x33: {  	[sflag:s13] =	ssyncadd.s32 $0xFFFFC000  }
0x34: {  	[hbm4b:s8+s2] =	stream.linear.scatter [tilespmem:s11], [sflag:$0x2], $0x8000, $0x38;
	[tilespmem:$0x11400] =	vst v63  }
0x35: {  	_ =	swait.ge [sflag:s19], $0x8000  }
0x36: {  	[sflag:s19] =	ssyncset.done $0x0  }
0x37: {  	s30 =	simm.s32 $0x300;
	[sflag:s19] =	ssyncadd.s32 $0xFFFF8000  }
0x38: {  	[tilespmem:s15], [sflag:$0x1] =	stream.indirect.gather [hbm4b:s3+s10], $0x80, s30, s10, $0xb8;
	[tilespmem:$0x11400] =	vst v63  }
0x39: {  	s31 =	simm.s32 $0x380  }
0x3a: {  	[tilespmem:s17], [sflag:$0x1] =	stream.indirect.gather [hbm4b:s3+s10], $0x80, s31, s10, $0xb8;
	[tilespmem:$0x11400] =	vst v63  }
0x3b: {  	_ =	swait.ge [sflag:s13], $0x4000  }
0x3c: {  	[sflag:s13] =	ssyncset.done $0x0  }
0x3d: {  	[sflag:s13] =	ssyncadd.s32 $0xFFFFC000  }
0x3e: {  	_ =	swait.ge [sflag:s13], $0x4000  }
0x3f: {  	s23 =	sadd.s32 $0x1000, s8;
	[sflag:s13] =	ssyncset.done $0x0  }
0x40: {  	s22 =	sadd.s32 $0x2000, s8;
	s21 =	simm.s32 $0x800;
	[sflag:s13] =	ssyncadd.s32 $0xFFFFC000  }
.LBB2_2:
0x41: {  	[hbm4b:s23+s2] =	stream.linear.scatter [tilespmem:s15], [sflag:$0x3], $0x8000, $0x38;
	[tilespmem:$0x11400] =	vst v63  }
0x42: {  	s23 =	smov.u32 s21  }
0x43: {  	p0 =	sne.s32 s21, $0x4000;
	s21 =	sadd.s32 $0x800, s21;
	_ =	swait.ge [sflag:s18], $0x8000  }
0x44: {  	s23 =	sshra.s32 s23, $0x2;
	[sflag:s18] =	ssyncset.done $0x0  }
0x45: {  	s24 =	sadd.s32 $0x200, s23;
	[sflag:s18] =	ssyncadd.s32 $0xFFFF8000  }
0x46: {  	[tilespmem:s11], [sflag:$0x1] =	stream.indirect.gather [hbm4b:s3+s10], $0x80, s24, s10, $0xb8;
	[tilespmem:$0x11400] =	vst v63  }
0x47: {  	s24 =	sadd.s32 $0x280, s23  }
0x48: {  	[tilespmem:s12], [sflag:$0x1] =	stream.indirect.gather [hbm4b:s3+s10], $0x80, s24, s10, $0xb8;
	[tilespmem:$0x11400] =	vst v63  }
0x49: {  	_ =	swait.ge [sflag:s13], $0x4000  }
0x4a: {  	[sflag:s13] =	ssyncset.done $0x0  }
0x4b: {  	[sflag:s13] =	ssyncadd.s32 $0xFFFFC000  }
0x4c: {  	_ =	swait.ge [sflag:s13], $0x4000  }
0x4d: {  	[sflag:s13] =	ssyncset.done $0x0  }
0x4e: {  	[sflag:s13] =	ssyncadd.s32 $0xFFFFC000  }
0x4f: {  	[hbm4b:s22+s2] =	stream.linear.scatter [tilespmem:s11], [sflag:$0x2], $0x8000, $0x38;
	[tilespmem:$0x11400] =	vst v63  }
0x50: {  	_ =	swait.ge [sflag:s19], $0x8000  }
0x51: {  	[sflag:s19] =	ssyncset.done $0x0  }
0x52: {  	s24 =	sadd.s32 $0x300, s23;
	[sflag:s19] =	ssyncadd.s32 $0xFFFF8000  }
0x53: {  	[tilespmem:s15], [sflag:$0x1] =	stream.indirect.gather [hbm4b:s3+s10], $0x80, s24, s10, $0xb8;
	[tilespmem:$0x11400] =	vst v63  }
0x54: {  	s23 =	sadd.s32 $0x380, s23  }
0x55: {  	[tilespmem:s17], [sflag:$0x1] =	stream.indirect.gather [hbm4b:s3+s10], $0x80, s23, s10, $0xb8;
	[tilespmem:$0x11400] =	vst v63  }
0x56: {  	_ =	swait.ge [sflag:s13], $0x4000  }
.Ltmp0:
0x57: {  	[sflag:s13] =	ssyncset.done $0x0;
	(pc) =	sbr.rel @p0 .LBB2_2-.Ltmp0, $4  }
0x58: {  	[sflag:s13] =	ssyncadd.s32 $0xFFFFC000  }
0x59: {  	_ =	swait.ge [sflag:s13], $0x4000  }
0x5a: {  	[sflag:s13] =	ssyncset.done $0x0  }
0x5b: {  	s23 =	sadd.s32 $0x1000, s22;
	s22 =	sadd.s32 $0x2000, s22;
	[sflag:s13] =	ssyncadd.s32 $0xFFFFC000  }
0x5c: {  	[hbm4b:s23+s2] =	stream.linear.scatter [tilespmem:s15], [sflag:$0x3], $0x8000, $0x38;
	[tilespmem:$0x11400] =	vst v63  }
0x5d: {  	s20 =	sadd.s32 $0x1, s20  }
0x5e: {  	_ =	swait.ge [sflag:s18], $0x8000;
	p0 =	sne.s32 s20, s6  }
.Ltmp1:
0x5f: {  	[sflag:s18] =	ssyncset.done $0x0;
	(pc) =	sbr.rel @p0 .LBB2_1-.Ltmp1, $4  }
0x60: {  	[sflag:s18] =	ssyncadd.s32 $0xFFFF8000  }
0x61: {  	_ =	swait.ge [sflag:s19], $0x8000  }
0x62: {  	[sflag:s19] =	ssyncset.done $0x0  }
0x63: {  	[sflag:s19] =	ssyncadd.s32 $0xFFFF8000  }
0x64: {  	_ =	sfence.sel $0x180000  }
0x65: {  	[bflag:$0x0] =	sbarrier.arrive $0xFFFF  }
0x66: {  	p0 =	sne.s32 s0, $0x0;
	_ =	strace $0x90000047  }
0x67: {  	s0 =	sadd.s32 @!p0 $0x100000, s1;
	[bflag:$0x2] =	sbarrier.arrive $0xFFFF  }
0x68: {  	[sflag:s0] =	ssyncadd.tile.s32 @!p0 $0x1;
	_ =	shalt  }
.Lfunc_end2:
_tile_overlayer_lowered:
.L_overlay_start_2:
0x69: {  	(tag) =	ssettag $0x2  }
0x6a: {  	s0 =	rddreg [dreg:$0x0];
	s2 =	stileid.u32  }
0x6b: {  	s1 =	rddreg [dreg:$0x1];
	p0 =	sne.s32 s2, $0x0  }
0x6c: {  	s3 =	rddreg [dreg:$0x2];
	[bflag:$0x3] =	sbarrier.arrive $0xFFFF;
	s2 =	simm.s32 @!p0 $0x1C04  }
0x6d: {  	[timem:s3], [sflag:s2] =	dma.local @!p0 [hbm:s0], s1  }
0x6e: {  	s0 =	simm.s32 @!p0 $0x4  }
0x6f: {  	_ =	swait.ge @!p0 [sflag:s0], s1  }
0x70: {  	s1 =	ssub.s32 @!p0 $0x0, s1;
	[sflag:s0] =	ssyncset.done @!p0 $0x0  }
0x71: {  	[sflag:s0] =	ssyncadd.s32 @!p0 s1  }
0x72: {  	[bflag:$0x3] =	sbarrier.arrive $0xFFFF  }
0x73: {  	_ =	shalt  }

// kernel: kernel.20.cloned.1.call-start
scs
__scs_entry_jumppad:
0x0: {  	(pc) =	sbr.rel $0x88, $3  }
0x1: {  	(tag) =	ssettag $0x0;
	lr =	simm.s32 $0x1  }
0x2: {  	[smem:$0x3F92] =	sst lr;
	_ =	strace $0xD0000000  }
0x3: {  	_ = 	snop  }
0x4: {  	_ = 	snop  }
0x5: {  	_ = 	snop  }
0x6: {  	_ = 	snop  }
0x7: {  	_ = 	snop  }
__scs_overlays_trampoline_lowered:
0x8: {  	[smem:$0x3FA1] =	sst s0  }
0x9: {  	[smem:$0x3FA2] =	sst s1  }
0xa: {  	[smem:$0x3FA3] =	sst s2  }
0xb: {  	[smem:$0x3FA4] =	sst s3  }
0xc: {  	[smem:$0x3FA5] =	sst s4  }
0xd: {  	[smem:$0x3FA6] =	sst s5  }
0xe: {  	[smem:$0x3FA7] =	sst s6  }
0xf: {  	[smem:$0x3FA8] =	sst s7  }
0x10: {  	[smem:$0x3FA9] =	sst s8  }
0x11: {  	[smem:$0x3FAA] =	sst s9;
	s0 =	simm.s32 @!p0 $0x0  }
0x12: {  	s1 =	sld [smem:$0x3F90];
	s0 =	simm.s32 @p0 $0x1  }
0x13: {  	[smem:$0x3FAB] =	sst s0;
	s0 =	simm.s32 @!p1 $0x0  }
0x14: {  	s2 =	sld [smem:$0x3F8F];
	s0 =	simm.s32 @p1 $0x1  }
0x15: {  	[smem:$0x3FAC] =	sst s0;
	s0 =	simm.s32 @!p2 $0x0  }
0x16: {  	s3 =	sld [smem:$0x3FDB];
	s0 =	simm.s32 @p2 $0x1  }
0x17: {  	s4 =	simm.s32 $0x1BF5;
	[smem:$0x3FAE] =	sst s0  }
0x18: {  	s0 =	sld [smem:$0x3F91];
	_ =	swait.ge [sflag:s4], $0x0  }
0x19: {  	s7 =	sld [smem:$0x3F92]  }
0x1a: {  	s8 =	sadd.s32 $0xFFFFE003, lr  }
0x1b: {  	s9 =	sadd.s32 $0xFFFFFEF7, lr;
	s5 =	simm.s32 $0xFFFFFFFF;
	p2 =	slt.u32 s8, $0xFFFFF086  }
0x1c: {  	p1 =	slt.u32 s9, $0xF7A;
	s5 =	simm.s32 @!p2 $0x0  }
0x1d: {  	s5 =	simm.s32 @p1 $0x1;
	p0 =	seq.s32 s7, s2  }
0x1e: {  	s7 =	smul.u32 @!p0 $0xF7A, s2;
	p2 =	seq.s32 @!p0 s5, $0x0  }
0x1f: {  	s9 =	smul.u32 $0xF7A, s1;
	s8 =	simm.s32 @!p0 $0x1BF5;
	p2 =	por !p2, p0  }
0x20: {  	[sflag:s8] =	ssyncset.s32 @!p0 $0xFFFFF086;
	s6 =	sadd.s32 @!p0 s3, s7;
	s7 =	simm.s32 @!p0 $0x108  }
0x21: {  	s3 =	sadd.s32 s3, s9;
	s6 =	sadd.s32 @!p0 $0x88, s6;
	s7 =	simm.s32 @p2 $0x1082  }
0x22: {  	[simem:s7], [sflag:s8] =	dma.local @!p0 [hbm:s6], $0xF7A  }
0x23: {  	s9 =	sor.u32 $0xD0000000, s2;
	s6 =	simm.s32 $0x108;
	_ =	swait.ge @!p0 [sflag:s8], $0x0  }
0x24: {  	s3 =	sadd.s32 $0x88, s3;
	s6 =	simm.s32 @!p1 $0x1082;
	[sflag:s4] =	ssyncset.s32 $0xFFFFF086  }
0x25: {  	[simem:s6], [sflag:s4] =	dma.local [hbm:s3], $0xF7A  }
0x26: {  	[smem:$0x3F92] =	sst s1;
	(tag) =	ssettag s2;
	_ =	strace s9  }
0x27: {  	s1 =	sld [smem:$0x3FA2]  }
0x28: {  	s2 =	sld [smem:$0x3FA3]  }
0x29: {  	s4 =	sld [smem:$0x3FA5]  }
0x2a: {  	p0 =	seq.s32 s5, $0x0;
	s5 =	sld [smem:$0x3FA6]  }
0x2b: {  	s6 =	sld [smem:$0x3FA7]  }
0x2c: {  	s7 =	sld [smem:$0x3FA8]  }
0x2d: {  	s3 =	simm.s32 $0x108;
	s8 =	sld [smem:$0x3FA9]  }
0x2e: {  	s3 =	simm.s32 @!p0 $0x1082;
	s9 =	sld [smem:$0x3FAA]  }
0x2f: {  	lr =	sadd.s32 s0, s3;
	s0 =	sld [smem:$0x3FA1]  }
0x30: {  	s3 =	sld [smem:$0x3FA4]  }
0x31: {  	[smem:$0x3FAD] =	sst s10  }
0x32: {  	s10 =	sld [smem:$0x3FAB];
	_ =	sdelay $0x3  }
0x33: {  	p0 =	seq.s32 s10, $0x1;
	s10 =	sld [smem:$0x3FAD];
	_ =	sdelay $0x3  }
0x34: {  	[smem:$0x3FAD] =	sst s10  }
0x35: {  	s10 =	sld [smem:$0x3FAC];
	_ =	sdelay $0x3  }
0x36: {  	p1 =	seq.s32 s10, $0x1;
	s10 =	sld [smem:$0x3FAD];
	_ =	sdelay $0x3  }
0x37: {  	[smem:$0x3FAD] =	sst s10  }
0x38: {  	s10 =	sld [smem:$0x3FAE]  }
0x39: {  	_ = 	snop;
	(pc) =	sbr.ind lr, $3  }
0x3a: {  	_ = 	snop  }
0x3b: {  	_ = 	snop  }
0x3c: {  	p2 =	seq.s32 s10, $0x1;
	s10 =	sld [smem:$0x3FAD]  }
0x3d: {  	_ =	shalt  }
0x3e: {  	_ =	shalt  }
0x3f: {  	_ =	shalt  }
0x40: {  	_ =	shalt  }
0x41: {  	_ =	shalt  }
0x42: {  	_ =	shalt  }
0x43: {  	_ =	shalt  }
0x44: {  	_ =	shalt  }
0x45: {  	_ =	shalt  }
0x46: {  	_ =	shalt  }
0x47: {  	_ =	shalt  }
0x48: {  	_ =	shalt  }
0x49: {  	_ =	shalt  }
0x4a: {  	_ =	shalt  }
0x4b: {  	_ =	shalt  }
0x4c: {  	_ =	shalt  }
0x4d: {  	_ =	shalt  }
0x4e: {  	_ =	shalt  }
0x4f: {  	_ =	shalt  }
0x50: {  	_ =	shalt  }
0x51: {  	_ =	shalt  }
0x52: {  	_ =	shalt  }
0x53: {  	_ =	shalt  }
0x54: {  	_ =	shalt  }
0x55: {  	_ =	shalt  }
0x56: {  	_ =	shalt  }
0x57: {  	_ =	shalt  }
0x58: {  	_ =	shalt  }
0x59: {  	_ =	shalt  }
0x5a: {  	_ =	shalt  }
0x5b: {  	_ =	shalt  }
0x5c: {  	_ =	shalt  }
0x5d: {  	_ =	shalt  }
0x5e: {  	_ =	shalt  }
0x5f: {  	_ =	shalt  }
0x60: {  	_ =	shalt  }
0x61: {  	_ =	shalt  }
0x62: {  	_ =	shalt  }
0x63: {  	_ =	shalt  }
0x64: {  	_ =	shalt  }
0x65: {  	_ =	shalt  }
0x66: {  	_ =	shalt  }
0x67: {  	_ =	shalt  }
0x68: {  	_ =	shalt  }
0x69: {  	_ =	shalt  }
0x6a: {  	_ =	shalt  }
0x6b: {  	_ =	shalt  }
0x6c: {  	_ =	shalt  }
0x6d: {  	_ =	shalt  }
0x6e: {  	_ =	shalt  }
0x6f: {  	_ =	shalt  }
0x70: {  	_ =	shalt  }
0x71: {  	_ =	shalt  }
0x72: {  	_ =	shalt  }
0x73: {  	_ =	shalt  }
0x74: {  	_ =	shalt  }
0x75: {  	_ =	shalt  }
0x76: {  	_ =	shalt  }
0x77: {  	_ =	shalt  }
0x78: {  	_ =	shalt  }
0x79: {  	_ =	shalt  }
0x7a: {  	_ =	shalt  }
0x7b: {  	_ =	shalt  }
0x7c: {  	_ =	shalt  }
0x7d: {  	_ =	shalt  }
0x7e: {  	_ =	shalt  }
0x7f: {  	_ =	shalt  }
0x80: {  	_ =	shalt  }
0x81: {  	_ =	shalt  }
0x82: {  	_ =	shalt  }
0x83: {  	_ =	shalt  }
0x84: {  	_ =	shalt  }
0x85: {  	_ =	shalt  }
0x86: {  	_ =	shalt  }
0x87: {  	_ =	shalt  }
.Lfunc_end0:
.L_simem_size_0:
called_computation.2_lowered:
.L_overlay_start_0:
0x88: {  	s2 =	sld [smem:$0x3FD9]  }
0x89: {  	s3 =	sld [smem:$0x3FFE];
	_ =	sdelay $0x1  }
0x8a: {  	s1 =	srdreg.scid  }
0x8b: {  	s0 =	sand.u32 $0x1, s1  }
0x8c: {  	s17 =	sshll.u32 s0, $0xA;
	s2 =	sadd.s32 s3, s2  }
0x8d: {  	s2 =	sadd.s32 s2, s17  }
0x8e: {  	[smem:$0x3FB9] =	sst s2  }
0x8f: {  	_ = 	snop  }
0x90: {  	(tm) =	ssettm $0x1  }
0x91: {  	s18 =	sld [smem:$0x3FFB];
	_ =	sdelay $0x3  }
0x92: {  	_ =	strace s18  }
0x93: {  	s2 =	sld [smem:$0x3FFC];
	_ =	sdelay $0x3  }
0x94: {  	_ =	strace s2  }
0x95: {  	s2 =	sld [smem:$0x3FFD];
	_ =	sdelay $0x3  }
0x96: {  	_ =	strace s2  }
0x97: {  	_ =	strace $0x8FFFFFFF  }
0x98: {  	s19 =	sld [smem:$0x3FDB];
	_ =	sdelay $0x1  }
0x99: {  	s20 =	simm.s32 $_scs_section_size  }
0x9a: {  	s4 =	simm.s32 $_size__tile_overlayer_lowered;
	s5 =	simm.s32 $_tile_overlayer_lowered  }
0x9b: {  	s6 =	simm.s32 $0x1BFF;
	s21 =	sshll.u32 s5, $0x1;
	s3 =	sadd.s32 s20, s19  }
0x9c: {  	s22 =	simm.s32 $0x0;
	s4 =	sshll.u32 s4, $0x1;
	s5 =	sadd.s32 s21, s3  }
0x9d: {  	[timem:s22], [sflag:s6] =	dma.local [hbm:s5], s4  }
0x9e: {  	_ =	swait.ge [sflag:s6], s4  }
0x9f: {  	s4 =	ssub.s32 $0x0, s4;
	[sflag:s6] =	ssyncset.done $0x0  }
0xa0: {  	[sflag:s6] =	ssyncadd.s32 s4;
	_ =	sdelay $0x1  }
0xa1: {  	s23 =	simm.s32 $0x1B8B  }
0xa2: {  	_ =	swait.ge [sflag:s23], $0x1  }
0xa3: {  	[sflag:s23] =	ssyncset.done $0x0  }
0xa4: {  	[sflag:s23] =	ssyncadd.s32 $0xFFFFFFFF  }
0xa5: {  	s4 =	sld [smem:$0x0]  }
0xa6: {  	s5 =	sand.u32 $0xFFFFFFFE, s1  }
0xa7: {  	p0 =	sne.s32 s1, s5  }
0xa8: {  	s5 =	sshll.u32 @p0 s5, $0xE  }
0xa9: {  	s5 =	sadd.s32 @p0 $0x11B8D, s5;
	s6 =	sshll.u32 @p0 s4, $0x11  }
0xaa: {  	s5 =	sor.u32 @p0 s6, s5  }
0xab: {  	[sflag:s5] =	ssyncadd.remote.s32 @p0 $0x1;
	_ =	sdelay $0x1  }
0xac: {  	s5 =	simm.s32 @p0 $0x1B8D  }
0xad: {  	_ =	swait.eq @p0 [sflag:s5], $0x1  }
0xae: {  	[sflag:s5] =	ssyncadd.s32 @p0 $0xFFFFFFFF  }
0xaf: {  	s6 =	sshll.u32 @!p0 s1, $0xE  }
0xb0: {  	s6 =	sor.u32 @!p0 $0x4000, s6;
	s5 =	simm.s32 @!p0 $0x1B8D  }
0xb1: {  	s4 =	sshll.u32 @!p0 s4, $0x11;
	s6 =	sadd.s32 @!p0 $0x11B8D, s6;
	_ =	swait.eq @!p0 [sflag:s5], $0x1  }
0xb2: {  	s4 =	sor.u32 @!p0 s4, s6;
	[sflag:s5] =	ssyncadd.s32 @!p0 $0xFFFFFFFF  }
0xb3: {  	s25 =	simm.s32 $0x1B8E;
	s24 =	sld [smem:$0x3FFE];
	[sflag:s4] =	ssyncadd.remote.s32 @!p0 $0x1  }
0xb4: {  	s26 =	simm.s32 $execute0_lowered;
	[smem:$0x3FD2] =	sst s25  }
0xb5: {  	s5 =	sshll.u32 s26, $0x1;
	_ =	strace $0x80000049;
	[dreg:$0x1] =	wrdreg $0xFFFFFFFF  }
0xb6: {  	s28 =	simm.s32 $_size_execute0_lowered;
	s3 =	sadd.s32 s3, s5;
	[dreg:$0x0] =	wrdreg $0x0  }
0xb7: {  	s5 =	sshll.u32 s28, $0x1;
	[dreg:$0x2] =	wrdreg s3  }
0xb8: {  	[dreg:$0x3] =	wrdreg s5  }
0xb9: {  	[dreg:$0x4] =	wrdreg $0xC0  }
0xba: {  	_ =	task [dreg:s22], $0x5FFFF  }
0xbb: {  	[dreg:$0x1] =	wrdreg $0xFFFFFFFF  }
0xbc: {  	[dreg:$0x0] =	wrdreg $0x60  }
0xbd: {  	[dreg:$0x2] =	wrdreg s24  }
0xbe: {  	[dreg:$0x3] =	wrdreg $0xB  }
0xbf: {  	_ =	task.clear_ibuf [dreg:s22], $0x4FFFF;
	_ =	strace $0x90000049  }
0xc0: {  	s29 =	simm.s32 $0xB;
	_ =	strace $0x8000004B  }
0xc1: {  	_ =	swait.ge [sflag:s29], $0x1  }
0xc2: {  	[sflag:s29] =	ssyncadd.s32 $0xFFFFFFFF  }
0xc3: {  	_ =	strace $0x9000004B  }
0xc4: {  	_ =	sfence  }
0xc5: {  	s30 =	sld [smem:$0x0];
	_ =	sdelay $0x2  }
0xc6: {  	s31 =	sshll.u32 s1, $0xD;
	s1 =	sshrl.u32 s1, $0x2  }
0xc7: {  	s4 =	sand.u32 $0x4000, s31;
	s1 =	sadd.s32 s1, s30  }
0xc8: {  	s0 =	sor.u32 s4, s0;
	s1 =	sshll.u32 s1, $0x11  }
0xc9: {  	s0 =	sor.u32 s1, s0  }
0xca: {  	s0 =	sadd.s32 $0x8F2B, s0  }
0xcb: {  	[sflag:s0] =	ssyncadd.remote.s32 $0x1  }
0xcc: {  	_ =	sfence.sel $0xFFFF  }
0xcd: {  	[dreg:$0x0] =	wrdreg $0xFFFFFFFF;
	(pc) =	sbr.abs _section_cstart, $3  }
0xce: {  	[dreg:$0x1] =	wrdreg $0xFFFFFFFF  }
0xcf: {  	_ =	task.clear_ibuf [dreg:s22], $0x2FFFF;
	_ =	strace $0x9FFFFFFF  }
0xd0: {  	(tm) =	ssettm $0x7FFFFFFF  }
0xd1: {  	_ =	shalt  }
tec
execute0_lowered:
.L_overlay_start_1:
0x0: {  	(tag) =	ssettag $0x1  }
0x1: {  	s4 =	rddreg [dreg:$0x0]  }
0x2: {  	s0 =	rddreg [dreg:$0x1]  }
0x3: {  	s3 =	srdreg.scid;
	s1 =	stileid.u32  }
0x4: {  	s2 =	simm.s32 $0x0;
	s13 =	simm.s32 $0x1;
	s14 =	simm.s32 $0x100  }
0x5: {  	s15 =	simm.s32 $0x9400;
	s16 =	simm.s32 $0x180;
	s17 =	simm.s32 $0xD400  }
0x6: {  	s18 =	simm.s32 $0x2;
	s19 =	simm.s32 $0x3;
	s20 =	simm.s32 $0x0  }
0x7: {  	s5 =	sand.u32 $0x1, s3;
	s29 =	sshll.u32 s1, $0x1;
	s9 =	smul.u32 $0x28000, s1  }
0x8: {  	s3 =	sadd.s32 $0x2CD800, s4;
	s6 =	sor.u32 s5, s29;
	s12 =	smul.u32 $0x14000, s5  }
0x9: {  	[smem:$0x7FF] =	sst s2;
	s10 =	sadd.s32 $0x312800, s4;
	s7 =	smul.u32 $0x1400, s6  }
0xa: {  	_ =	strace $0x8000004A;
	s8 =	ssub.s32 $0x2, s5;
	s6 =	smul.u32 $0x14000, s6  }
0xb: {  	s11 =	sshrl.u32 s8, $0x1;
	s31 =	sadd.s32 s9, s10;
	s9 =	simm.s32 $0x4  }
0xc: {  	s30 =	ssub.s32 s8, s11;
	s8 =	sadd.s32 s12, s31;
	s11 =	simm.s32 $0x1400  }
0xd: {  	s12 =	simm.s32 $0x5400;
	s7 =	sshrl.u32 s7, $0x3;
	s5 =	sadd.s32 s10, s6  }
0xe: {  	s6 =	smax.u32 s30, $0x1;
	s8 =	sadd.s32 $0x2000, s8;
	s4 =	sadd.s32 s7, s4  }
0xf: {  	s10 =	simm.s32 $0x80;
	s7 =	sadd.s32 $0x1000, s5;
	s4 =	sadd.s32 $0x30D800, s4  }
.LBB2_1:
0x10: {  	[tilespmem:s2], [sflag:$0x4] =	stream.linear.gather [hbm4b:s4+s2], $0x1400, $0x38;
	[tilespmem:$0x11400] =	vst v63  }
0x11: {  	_ =	swait.ge [sflag:s9], $0x1400  }
0x12: {  	[sflag:s9] =	ssyncset.done $0x0  }
0x13: {  	[sflag:s9] =	ssyncadd.s32 $0xFFFFEC00  }
0x14: {  	[tilespmem:s11], [sflag:$0x1] =	stream.indirect.gather [hbm4b:s3+s10], $0x80, s2, s10, $0xb8;
	[tilespmem:$0x11400] =	vst v63  }
0x15: {  	_ = 	snop  }
0x16: {  	[tilespmem:s12], [sflag:$0x1] =	stream.indirect.gather [hbm4b:s3+s10], $0x80, s10, s10, $0xb8;
	[tilespmem:$0x11400] =	vst v63  }
0x17: {  	_ =	swait.ge [sflag:s13], $0x4000  }
0x18: {  	[sflag:s13] =	ssyncset.done $0x0  }
0x19: {  	[sflag:s13] =	ssyncadd.s32 $0xFFFFC000  }
0x1a: {  	_ =	swait.ge [sflag:s13], $0x4000  }
0x1b: {  	[sflag:s13] =	ssyncset.done $0x0  }
0x1c: {  	[sflag:s13] =	ssyncadd.s32 $0xFFFFC000  }
0x1d: {  	[hbm4b:s5+s2] =	stream.linear.scatter [tilespmem:s11], [sflag:$0x2], $0x8000, $0x38;
	[tilespmem:$0x11400] =	vst v63  }
0x1e: {  	_ = 	snop  }
0x1f: {  	[tilespmem:s15], [sflag:$0x1] =	stream.indirect.gather [hbm4b:s3+s10], $0x80, s14, s10, $0xb8;
	[tilespmem:$0x11400] =	vst v63  }
0x20: {  	_ = 	snop  }
0x21: {  	[tilespmem:s17], [sflag:$0x1] =	stream.indirect.gather [hbm4b:s3+s10], $0x80, s16, s10, $0xb8;
	[tilespmem:$0x11400] =	vst v63  }
0x22: {  	_ =	swait.ge [sflag:s13], $0x4000  }
0x23: {  	[sflag:s13] =	ssyncset.done $0x0  }
0x24: {  	[sflag:s13] =	ssyncadd.s32 $0xFFFFC000  }
0x25: {  	_ =	swait.ge [sflag:s13], $0x4000  }
0x26: {  	[sflag:s13] =	ssyncset.done $0x0  }
0x27: {  	[sflag:s13] =	ssyncadd.s32 $0xFFFFC000  }
0x28: {  	[hbm4b:s7+s2] =	stream.linear.scatter [tilespmem:s15], [sflag:$0x3], $0x8000, $0x38;
	[tilespmem:$0x11400] =	vst v63  }
0x29: {  	_ =	swait.ge [sflag:s18], $0x8000  }
0x2a: {  	[sflag:s18] =	ssyncset.done $0x0  }
0x2b: {  	s21 =	simm.s32 $0x200;
	[sflag:s18] =	ssyncadd.s32 $0xFFFF8000  }
0x2c: {  	[tilespmem:s11], [sflag:$0x1] =	stream.indirect.gather [hbm4b:s3+s10], $0x80, s21, s10, $0xb8;
	[tilespmem:$0x11400] =	vst v63  }
0x2d: {  	s29 =	simm.s32 $0x280  }
0x2e: {  	[tilespmem:s12], [sflag:$0x1] =	stream.indirect.gather [hbm4b:s3+s10], $0x80, s29, s10, $0xb8;
	[tilespmem:$0x11400] =	vst v63  }
0x2f: {  	_ =	swait.ge [sflag:s13], $0x4000  }
0x30: {  	[sflag:s13] =	ssyncset.done $0x0  }
0x31: {  	[sflag:s13] =	ssyncadd.s32 $0xFFFFC000  }
0x32: {  	_ =	swait.ge [sflag:s13], $0x4000  }
0x33: {  	[sflag:s13] =	ssyncset.done $0x0  }
0x34: {  	[sflag:s13] =	ssyncadd.s32 $0xFFFFC000  }
0x35: {  	[hbm4b:s8+s2] =	stream.linear.scatter [tilespmem:s11], [sflag:$0x2], $0x8000, $0x38;
	[tilespmem:$0x11400] =	vst v63  }
0x36: {  	_ =	swait.ge [sflag:s19], $0x8000  }
0x37: {  	[sflag:s19] =	ssyncset.done $0x0  }
0x38: {  	s30 =	simm.s32 $0x300;
	[sflag:s19] =	ssyncadd.s32 $0xFFFF8000  }
0x39: {  	[tilespmem:s15], [sflag:$0x1] =	stream.indirect.gather [hbm4b:s3+s10], $0x80, s30, s10, $0xb8;
	[tilespmem:$0x11400] =	vst v63  }
0x3a: {  	s31 =	simm.s32 $0x380  }
0x3b: {  	[tilespmem:s17], [sflag:$0x1] =	stream.indirect.gather [hbm4b:s3+s10], $0x80, s31, s10, $0xb8;
	[tilespmem:$0x11400] =	vst v63  }
0x3c: {  	_ =	swait.ge [sflag:s13], $0x4000  }
0x3d: {  	[sflag:s13] =	ssyncset.done $0x0  }
0x3e: {  	[sflag:s13] =	ssyncadd.s32 $0xFFFFC000  }
0x3f: {  	_ =	swait.ge [sflag:s13], $0x4000  }
0x40: {  	s23 =	sadd.s32 $0x1000, s8;
	[sflag:s13] =	ssyncset.done $0x0  }
0x41: {  	s22 =	sadd.s32 $0x2000, s8;
	s21 =	simm.s32 $0x800;
	[sflag:s13] =	ssyncadd.s32 $0xFFFFC000  }
.LBB2_2:
0x42: {  	[hbm4b:s23+s2] =	stream.linear.scatter [tilespmem:s15], [sflag:$0x3], $0x8000, $0x38;
	[tilespmem:$0x11400] =	vst v63  }
0x43: {  	s23 =	smov.u32 s21  }
0x44: {  	p0 =	sne.s32 s21, $0x4000;
	s21 =	sadd.s32 $0x800, s21;
	_ =	swait.ge [sflag:s18], $0x8000  }
0x45: {  	s23 =	sshra.s32 s23, $0x2;
	[sflag:s18] =	ssyncset.done $0x0  }
0x46: {  	s24 =	sadd.s32 $0x200, s23;
	[sflag:s18] =	ssyncadd.s32 $0xFFFF8000  }
0x47: {  	[tilespmem:s11], [sflag:$0x1] =	stream.indirect.gather [hbm4b:s3+s10], $0x80, s24, s10, $0xb8;
	[tilespmem:$0x11400] =	vst v63  }
0x48: {  	s24 =	sadd.s32 $0x280, s23  }
0x49: {  	[tilespmem:s12], [sflag:$0x1] =	stream.indirect.gather [hbm4b:s3+s10], $0x80, s24, s10, $0xb8;
	[tilespmem:$0x11400] =	vst v63  }
0x4a: {  	_ =	swait.ge [sflag:s13], $0x4000  }
0x4b: {  	[sflag:s13] =	ssyncset.done $0x0  }
0x4c: {  	[sflag:s13] =	ssyncadd.s32 $0xFFFFC000  }
0x4d: {  	_ =	swait.ge [sflag:s13], $0x4000  }
0x4e: {  	[sflag:s13] =	ssyncset.done $0x0  }
0x4f: {  	[sflag:s13] =	ssyncadd.s32 $0xFFFFC000  }
0x50: {  	[hbm4b:s22+s2] =	stream.linear.scatter [tilespmem:s11], [sflag:$0x2], $0x8000, $0x38;
	[tilespmem:$0x11400] =	vst v63  }
0x51: {  	_ =	swait.ge [sflag:s19], $0x8000  }
0x52: {  	[sflag:s19] =	ssyncset.done $0x0  }
0x53: {  	s24 =	sadd.s32 $0x300, s23;
	[sflag:s19] =	ssyncadd.s32 $0xFFFF8000  }
0x54: {  	[tilespmem:s15], [sflag:$0x1] =	stream.indirect.gather [hbm4b:s3+s10], $0x80, s24, s10, $0xb8;
	[tilespmem:$0x11400] =	vst v63  }
0x55: {  	s23 =	sadd.s32 $0x380, s23  }
0x56: {  	[tilespmem:s17], [sflag:$0x1] =	stream.indirect.gather [hbm4b:s3+s10], $0x80, s23, s10, $0xb8;
	[tilespmem:$0x11400] =	vst v63  }
0x57: {  	_ =	swait.ge [sflag:s13], $0x4000  }
.Ltmp0:
0x58: {  	[sflag:s13] =	ssyncset.done $0x0;
	(pc) =	sbr.rel @p0 .LBB2_2-.Ltmp0, $4  }
0x59: {  	[sflag:s13] =	ssyncadd.s32 $0xFFFFC000  }
0x5a: {  	_ =	swait.ge [sflag:s13], $0x4000  }
0x5b: {  	[sflag:s13] =	ssyncset.done $0x0  }
0x5c: {  	s23 =	sadd.s32 $0x1000, s22;
	s22 =	sadd.s32 $0x2000, s22;
	[sflag:s13] =	ssyncadd.s32 $0xFFFFC000  }
0x5d: {  	[hbm4b:s23+s2] =	stream.linear.scatter [tilespmem:s15], [sflag:$0x3], $0x8000, $0x38;
	[tilespmem:$0x11400] =	vst v63  }
0x5e: {  	s20 =	sadd.s32 $0x1, s20  }
0x5f: {  	_ =	swait.ge [sflag:s18], $0x8000;
	p0 =	sne.s32 s20, s6  }
.Ltmp1:
0x60: {  	[sflag:s18] =	ssyncset.done $0x0;
	(pc) =	sbr.rel @p0 .LBB2_1-.Ltmp1, $4  }
0x61: {  	[sflag:s18] =	ssyncadd.s32 $0xFFFF8000  }
0x62: {  	_ =	swait.ge [sflag:s19], $0x8000  }
0x63: {  	[sflag:s19] =	ssyncset.done $0x0  }
0x64: {  	[sflag:s19] =	ssyncadd.s32 $0xFFFF8000  }
0x65: {  	_ =	sfence.sel $0x180000  }
0x66: {  	[bflag:$0x0] =	sbarrier.arrive $0xFFFF  }
0x67: {  	p0 =	sne.s32 s1, $0x0;
	_ =	strace $0x9000004A  }
0x68: {  	s0 =	sadd.s32 @!p0 $0x100000, s0;
	[bflag:$0x2] =	sbarrier.arrive $0xFFFF  }
0x69: {  	[sflag:s0] =	ssyncadd.tile.s32 @!p0 $0x1;
	_ =	shalt  }
.Lfunc_end2:
_tile_overlayer_lowered:
.L_overlay_start_2:
0x6a: {  	(tag) =	ssettag $0x2  }
0x6b: {  	s0 =	rddreg [dreg:$0x0];
	s2 =	stileid.u32  }
0x6c: {  	s1 =	rddreg [dreg:$0x1];
	p0 =	sne.s32 s2, $0x0  }
0x6d: {  	s3 =	rddreg [dreg:$0x2];
	[bflag:$0x3] =	sbarrier.arrive $0xFFFF;
	s2 =	simm.s32 @!p0 $0x1C04  }
0x6e: {  	[timem:s3], [sflag:s2] =	dma.local @!p0 [hbm:s0], s1  }
0x6f: {  	s0 =	simm.s32 @!p0 $0x4  }
0x70: {  	_ =	swait.ge @!p0 [sflag:s0], s1  }
0x71: {  	s1 =	ssub.s32 @!p0 $0x0, s1;
	[sflag:s0] =	ssyncset.done @!p0 $0x0  }
0x72: {  	[sflag:s0] =	ssyncadd.s32 @!p0 s1  }
0x73: {  	[bflag:$0x3] =	sbarrier.arrive $0xFFFF  }
0x74: {  	_ =	shalt  }

// kernel: kernel.23.cloned.1.call-start
scs
__scs_entry_jumppad:
0x0: {  	(pc) =	sbr.rel $0x88, $3  }
0x1: {  	(tag) =	ssettag $0x0;
	lr =	simm.s32 $0x1  }
0x2: {  	[smem:$0x3F92] =	sst lr;
	_ =	strace $0xD0000000  }
0x3: {  	_ = 	snop  }
0x4: {  	_ = 	snop  }
0x5: {  	_ = 	snop  }
0x6: {  	_ = 	snop  }
0x7: {  	_ = 	snop  }
__scs_overlays_trampoline_lowered:
0x8: {  	[smem:$0x3FA1] =	sst s0  }
0x9: {  	[smem:$0x3FA2] =	sst s1  }
0xa: {  	[smem:$0x3FA3] =	sst s2  }
0xb: {  	[smem:$0x3FA4] =	sst s3  }
0xc: {  	[smem:$0x3FA5] =	sst s4  }
0xd: {  	[smem:$0x3FA6] =	sst s5  }
0xe: {  	[smem:$0x3FA7] =	sst s6  }
0xf: {  	[smem:$0x3FA8] =	sst s7  }
0x10: {  	[smem:$0x3FA9] =	sst s8  }
0x11: {  	[smem:$0x3FAA] =	sst s9;
	s0 =	simm.s32 @!p0 $0x0  }
0x12: {  	s1 =	sld [smem:$0x3F90];
	s0 =	simm.s32 @p0 $0x1  }
0x13: {  	[smem:$0x3FAB] =	sst s0;
	s0 =	simm.s32 @!p1 $0x0  }
0x14: {  	s2 =	sld [smem:$0x3F8F];
	s0 =	simm.s32 @p1 $0x1  }
0x15: {  	[smem:$0x3FAC] =	sst s0;
	s0 =	simm.s32 @!p2 $0x0  }
0x16: {  	s3 =	sld [smem:$0x3FDB];
	s0 =	simm.s32 @p2 $0x1  }
0x17: {  	s4 =	simm.s32 $0x1BF5;
	[smem:$0x3FAE] =	sst s0  }
0x18: {  	s0 =	sld [smem:$0x3F91];
	_ =	swait.ge [sflag:s4], $0x0  }
0x19: {  	s7 =	sld [smem:$0x3F92]  }
0x1a: {  	s8 =	sadd.s32 $0xFFFFE003, lr  }
0x1b: {  	s9 =	sadd.s32 $0xFFFFFEF7, lr;
	s5 =	simm.s32 $0xFFFFFFFF;
	p2 =	slt.u32 s8, $0xFFFFF086  }
0x1c: {  	p1 =	slt.u32 s9, $0xF7A;
	s5 =	simm.s32 @!p2 $0x0  }
0x1d: {  	s5 =	simm.s32 @p1 $0x1;
	p0 =	seq.s32 s7, s2  }
0x1e: {  	s7 =	smul.u32 @!p0 $0xF7A, s2;
	p2 =	seq.s32 @!p0 s5, $0x0  }
0x1f: {  	s9 =	smul.u32 $0xF7A, s1;
	s8 =	simm.s32 @!p0 $0x1BF5;
	p2 =	por !p2, p0  }
0x20: {  	[sflag:s8] =	ssyncset.s32 @!p0 $0xFFFFF086;
	s6 =	sadd.s32 @!p0 s3, s7;
	s7 =	simm.s32 @!p0 $0x108  }
0x21: {  	s3 =	sadd.s32 s3, s9;
	s6 =	sadd.s32 @!p0 $0x88, s6;
	s7 =	simm.s32 @p2 $0x1082  }
0x22: {  	[simem:s7], [sflag:s8] =	dma.local @!p0 [hbm:s6], $0xF7A  }
0x23: {  	s9 =	sor.u32 $0xD0000000, s2;
	s6 =	simm.s32 $0x108;
	_ =	swait.ge @!p0 [sflag:s8], $0x0  }
0x24: {  	s3 =	sadd.s32 $0x88, s3;
	s6 =	simm.s32 @!p1 $0x1082;
	[sflag:s4] =	ssyncset.s32 $0xFFFFF086  }
0x25: {  	[simem:s6], [sflag:s4] =	dma.local [hbm:s3], $0xF7A  }
0x26: {  	[smem:$0x3F92] =	sst s1;
	(tag) =	ssettag s2;
	_ =	strace s9  }
0x27: {  	s1 =	sld [smem:$0x3FA2]  }
0x28: {  	s2 =	sld [smem:$0x3FA3]  }
0x29: {  	s4 =	sld [smem:$0x3FA5]  }
0x2a: {  	p0 =	seq.s32 s5, $0x0;
	s5 =	sld [smem:$0x3FA6]  }
0x2b: {  	s6 =	sld [smem:$0x3FA7]  }
0x2c: {  	s7 =	sld [smem:$0x3FA8]  }
0x2d: {  	s3 =	simm.s32 $0x108;
	s8 =	sld [smem:$0x3FA9]  }
0x2e: {  	s3 =	simm.s32 @!p0 $0x1082;
	s9 =	sld [smem:$0x3FAA]  }
0x2f: {  	lr =	sadd.s32 s0, s3;
	s0 =	sld [smem:$0x3FA1]  }
0x30: {  	s3 =	sld [smem:$0x3FA4]  }
0x31: {  	[smem:$0x3FAD] =	sst s10  }
0x32: {  	s10 =	sld [smem:$0x3FAB];
	_ =	sdelay $0x3  }
0x33: {  	p0 =	seq.s32 s10, $0x1;
	s10 =	sld [smem:$0x3FAD];
	_ =	sdelay $0x3  }
0x34: {  	[smem:$0x3FAD] =	sst s10  }
0x35: {  	s10 =	sld [smem:$0x3FAC];
	_ =	sdelay $0x3  }
0x36: {  	p1 =	seq.s32 s10, $0x1;
	s10 =	sld [smem:$0x3FAD];
	_ =	sdelay $0x3  }
0x37: {  	[smem:$0x3FAD] =	sst s10  }
0x38: {  	s10 =	sld [smem:$0x3FAE]  }
0x39: {  	_ = 	snop;
	(pc) =	sbr.ind lr, $3  }
0x3a: {  	_ = 	snop  }
0x3b: {  	_ = 	snop  }
0x3c: {  	p2 =	seq.s32 s10, $0x1;
	s10 =	sld [smem:$0x3FAD]  }
0x3d: {  	_ =	shalt  }
0x3e: {  	_ =	shalt  }
0x3f: {  	_ =	shalt  }
0x40: {  	_ =	shalt  }
0x41: {  	_ =	shalt  }
0x42: {  	_ =	shalt  }
0x43: {  	_ =	shalt  }
0x44: {  	_ =	shalt  }
0x45: {  	_ =	shalt  }
0x46: {  	_ =	shalt  }
0x47: {  	_ =	shalt  }
0x48: {  	_ =	shalt  }
0x49: {  	_ =	shalt  }
0x4a: {  	_ =	shalt  }
0x4b: {  	_ =	shalt  }
0x4c: {  	_ =	shalt  }
0x4d: {  	_ =	shalt  }
0x4e: {  	_ =	shalt  }
0x4f: {  	_ =	shalt  }
0x50: {  	_ =	shalt  }
0x51: {  	_ =	shalt  }
0x52: {  	_ =	shalt  }
0x53: {  	_ =	shalt  }
0x54: {  	_ =	shalt  }
0x55: {  	_ =	shalt  }
0x56: {  	_ =	shalt  }
0x57: {  	_ =	shalt  }
0x58: {  	_ =	shalt  }
0x59: {  	_ =	shalt  }
0x5a: {  	_ =	shalt  }
0x5b: {  	_ =	shalt  }
0x5c: {  	_ =	shalt  }
0x5d: {  	_ =	shalt  }
0x5e: {  	_ =	shalt  }
0x5f: {  	_ =	shalt  }
0x60: {  	_ =	shalt  }
0x61: {  	_ =	shalt  }
0x62: {  	_ =	shalt  }
0x63: {  	_ =	shalt  }
0x64: {  	_ =	shalt  }
0x65: {  	_ =	shalt  }
0x66: {  	_ =	shalt  }
0x67: {  	_ =	shalt  }
0x68: {  	_ =	shalt  }
0x69: {  	_ =	shalt  }
0x6a: {  	_ =	shalt  }
0x6b: {  	_ =	shalt  }
0x6c: {  	_ =	shalt  }
0x6d: {  	_ =	shalt  }
0x6e: {  	_ =	shalt  }
0x6f: {  	_ =	shalt  }
0x70: {  	_ =	shalt  }
0x71: {  	_ =	shalt  }
0x72: {  	_ =	shalt  }
0x73: {  	_ =	shalt  }
0x74: {  	_ =	shalt  }
0x75: {  	_ =	shalt  }
0x76: {  	_ =	shalt  }
0x77: {  	_ =	shalt  }
0x78: {  	_ =	shalt  }
0x79: {  	_ =	shalt  }
0x7a: {  	_ =	shalt  }
0x7b: {  	_ =	shalt  }
0x7c: {  	_ =	shalt  }
0x7d: {  	_ =	shalt  }
0x7e: {  	_ =	shalt  }
0x7f: {  	_ =	shalt  }
0x80: {  	_ =	shalt  }
0x81: {  	_ =	shalt  }
0x82: {  	_ =	shalt  }
0x83: {  	_ =	shalt  }
0x84: {  	_ =	shalt  }
0x85: {  	_ =	shalt  }
0x86: {  	_ =	shalt  }
0x87: {  	_ =	shalt  }
.Lfunc_end0:
.L_simem_size_0:
called_computation.3_lowered:
.L_overlay_start_0:
0x88: {  	s2 =	sld [smem:$0x3FD9]  }
0x89: {  	s3 =	sld [smem:$0x3FFE];
	_ =	sdelay $0x1  }
0x8a: {  	s1 =	srdreg.scid  }
0x8b: {  	s0 =	sand.u32 $0x1, s1  }
0x8c: {  	s17 =	sshll.u32 s0, $0xA;
	s2 =	sadd.s32 s3, s2  }
0x8d: {  	s2 =	sadd.s32 s2, s17  }
0x8e: {  	[smem:$0x3FB9] =	sst s2  }
0x8f: {  	_ = 	snop  }
0x90: {  	(tm) =	ssettm $0x1  }
0x91: {  	s18 =	sld [smem:$0x3FFB];
	_ =	sdelay $0x3  }
0x92: {  	_ =	strace s18  }
0x93: {  	s2 =	sld [smem:$0x3FFC];
	_ =	sdelay $0x3  }
0x94: {  	_ =	strace s2  }
0x95: {  	s2 =	sld [smem:$0x3FFD];
	_ =	sdelay $0x3  }
0x96: {  	_ =	strace s2  }
0x97: {  	_ =	strace $0x8FFFFFFF  }
0x98: {  	s19 =	sld [smem:$0x3FDB];
	_ =	sdelay $0x1  }
0x99: {  	s20 =	simm.s32 $_scs_section_size  }
0x9a: {  	s4 =	simm.s32 $_size__tile_overlayer_lowered;
	s5 =	simm.s32 $_tile_overlayer_lowered  }
0x9b: {  	s6 =	simm.s32 $0x1BFF;
	s21 =	sshll.u32 s5, $0x1;
	s3 =	sadd.s32 s20, s19  }
0x9c: {  	s22 =	simm.s32 $0x0;
	s4 =	sshll.u32 s4, $0x1;
	s5 =	sadd.s32 s21, s3  }
0x9d: {  	[timem:s22], [sflag:s6] =	dma.local [hbm:s5], s4  }
0x9e: {  	_ =	swait.ge [sflag:s6], s4  }
0x9f: {  	s4 =	ssub.s32 $0x0, s4;
	[sflag:s6] =	ssyncset.done $0x0  }
0xa0: {  	[sflag:s6] =	ssyncadd.s32 s4;
	_ =	sdelay $0x1  }
0xa1: {  	s23 =	simm.s32 $0x1B8B  }
0xa2: {  	_ =	swait.ge [sflag:s23], $0x1  }
0xa3: {  	[sflag:s23] =	ssyncset.done $0x0  }
0xa4: {  	[sflag:s23] =	ssyncadd.s32 $0xFFFFFFFF  }
0xa5: {  	s4 =	sld [smem:$0x0]  }
0xa6: {  	s5 =	sand.u32 $0xFFFFFFFE, s1  }
0xa7: {  	p0 =	sne.s32 s1, s5  }
0xa8: {  	s5 =	sshll.u32 @p0 s5, $0xE  }
0xa9: {  	s5 =	sadd.s32 @p0 $0x11B8D, s5;
	s6 =	sshll.u32 @p0 s4, $0x11  }
0xaa: {  	s5 =	sor.u32 @p0 s6, s5  }
0xab: {  	[sflag:s5] =	ssyncadd.remote.s32 @p0 $0x1;
	_ =	sdelay $0x1  }
0xac: {  	s5 =	simm.s32 @p0 $0x1B8D  }
0xad: {  	_ =	swait.eq @p0 [sflag:s5], $0x1  }
0xae: {  	[sflag:s5] =	ssyncadd.s32 @p0 $0xFFFFFFFF  }
0xaf: {  	s6 =	sshll.u32 @!p0 s1, $0xE  }
0xb0: {  	s6 =	sor.u32 @!p0 $0x4000, s6;
	s5 =	simm.s32 @!p0 $0x1B8D  }
0xb1: {  	s4 =	sshll.u32 @!p0 s4, $0x11;
	s6 =	sadd.s32 @!p0 $0x11B8D, s6;
	_ =	swait.eq @!p0 [sflag:s5], $0x1  }
0xb2: {  	s4 =	sor.u32 @!p0 s4, s6;
	[sflag:s5] =	ssyncadd.s32 @!p0 $0xFFFFFFFF  }
0xb3: {  	s25 =	simm.s32 $0x1B8E;
	s24 =	sld [smem:$0x3FFE];
	[sflag:s4] =	ssyncadd.remote.s32 @!p0 $0x1  }
0xb4: {  	s26 =	simm.s32 $execute0_lowered;
	[smem:$0x3FD2] =	sst s25  }
0xb5: {  	s5 =	sshll.u32 s26, $0x1;
	_ =	strace $0x8000004C;
	[dreg:$0x1] =	wrdreg $0xFFFFFFFF  }
0xb6: {  	s28 =	simm.s32 $_size_execute0_lowered;
	s3 =	sadd.s32 s3, s5;
	[dreg:$0x0] =	wrdreg $0x0  }
0xb7: {  	s5 =	sshll.u32 s28, $0x1;
	[dreg:$0x2] =	wrdreg s3  }
0xb8: {  	[dreg:$0x3] =	wrdreg s5  }
0xb9: {  	[dreg:$0x4] =	wrdreg $0xC0  }
0xba: {  	_ =	task [dreg:s22], $0x5FFFF  }
0xbb: {  	[dreg:$0x1] =	wrdreg $0xFFFFFFFF  }
0xbc: {  	[dreg:$0x0] =	wrdreg $0x60  }
0xbd: {  	[dreg:$0x2] =	wrdreg s24  }
0xbe: {  	[dreg:$0x3] =	wrdreg $0xC  }
0xbf: {  	_ =	task.clear_ibuf [dreg:s22], $0x4FFFF;
	_ =	strace $0x9000004C  }
0xc0: {  	s29 =	simm.s32 $0xC;
	_ =	strace $0x8000004E  }
0xc1: {  	_ =	swait.ge [sflag:s29], $0x1  }
0xc2: {  	[sflag:s29] =	ssyncadd.s32 $0xFFFFFFFF  }
0xc3: {  	_ =	strace $0x9000004E  }
0xc4: {  	_ =	sfence  }
0xc5: {  	s30 =	sld [smem:$0x0];
	_ =	sdelay $0x2  }
0xc6: {  	s31 =	sshll.u32 s1, $0xD;
	s1 =	sshrl.u32 s1, $0x2  }
0xc7: {  	s4 =	sand.u32 $0x4000, s31;
	s1 =	sadd.s32 s1, s30  }
0xc8: {  	s0 =	sor.u32 s4, s0;
	s1 =	sshll.u32 s1, $0x11  }
0xc9: {  	s0 =	sor.u32 s1, s0  }
0xca: {  	s0 =	sadd.s32 $0x8F2B, s0  }
0xcb: {  	[sflag:s0] =	ssyncadd.remote.s32 $0x1  }
0xcc: {  	_ =	sfence.sel $0xFFFF  }
0xcd: {  	[dreg:$0x0] =	wrdreg $0xFFFFFFFF;
	(pc) =	sbr.abs _section_cstart, $3  }
0xce: {  	[dreg:$0x1] =	wrdreg $0xFFFFFFFF  }
0xcf: {  	_ =	task.clear_ibuf [dreg:s22], $0x2FFFF;
	_ =	strace $0x9FFFFFFF  }
0xd0: {  	(tm) =	ssettm $0x7FFFFFFF  }
0xd1: {  	_ =	shalt  }
tec
execute0_lowered:
.L_overlay_start_1:
0x0: {  	(tag) =	ssettag $0x1  }
0x1: {  	s4 =	rddreg [dreg:$0x0]  }
0x2: {  	s0 =	rddreg [dreg:$0x1]  }
0x3: {  	s3 =	srdreg.scid;
	s1 =	stileid.u32  }
0x4: {  	s2 =	simm.s32 $0x0;
	s13 =	simm.s32 $0x1;
	s14 =	simm.s32 $0x100  }
0x5: {  	s15 =	simm.s32 $0x9400;
	s16 =	simm.s32 $0x180;
	s17 =	simm.s32 $0xD400  }
0x6: {  	s18 =	simm.s32 $0x2;
	s19 =	simm.s32 $0x3;
	s20 =	simm.s32 $0x0  }
0x7: {  	s5 =	sand.u32 $0x1, s3;
	s29 =	sshll.u32 s1, $0x1;
	s9 =	smul.u32 $0x28000, s1  }
0x8: {  	s3 =	sadd.s32 $0x592800, s4;
	s6 =	sor.u32 s5, s29;
	s12 =	smul.u32 $0x14000, s5  }
0x9: {  	[smem:$0x7FF] =	sst s2;
	s10 =	sadd.s32 $0x5D7800, s4;
	s7 =	smul.u32 $0x1400, s6  }
0xa: {  	_ =	strace $0x8000004D;
	s8 =	ssub.s32 $0x2, s5;
	s6 =	smul.u32 $0x14000, s6  }
0xb: {  	s11 =	sshrl.u32 s8, $0x1;
	s31 =	sadd.s32 s9, s10;
	s9 =	simm.s32 $0x4  }
0xc: {  	s30 =	ssub.s32 s8, s11;
	s8 =	sadd.s32 s12, s31;
	s11 =	simm.s32 $0x1400  }
0xd: {  	s12 =	simm.s32 $0x5400;
	s7 =	sshrl.u32 s7, $0x3;
	s5 =	sadd.s32 s10, s6  }
0xe: {  	s6 =	smax.u32 s30, $0x1;
	s8 =	sadd.s32 $0x2000, s8;
	s4 =	sadd.s32 s7, s4  }
0xf: {  	s10 =	simm.s32 $0x80;
	s7 =	sadd.s32 $0x1000, s5;
	s4 =	sadd.s32 $0x5D2800, s4  }
.LBB2_1:
0x10: {  	[tilespmem:s2], [sflag:$0x4] =	stream.linear.gather [hbm4b:s4+s2], $0x1400, $0x38;
	[tilespmem:$0x11400] =	vst v63  }
0x11: {  	_ =	swait.ge [sflag:s9], $0x1400  }
0x12: {  	[sflag:s9] =	ssyncset.done $0x0  }
0x13: {  	[sflag:s9] =	ssyncadd.s32 $0xFFFFEC00  }
0x14: {  	[tilespmem:s11], [sflag:$0x1] =	stream.indirect.gather [hbm4b:s3+s10], $0x80, s2, s10, $0xb8;
	[tilespmem:$0x11400] =	vst v63  }
0x15: {  	_ = 	snop  }
0x16: {  	[tilespmem:s12], [sflag:$0x1] =	stream.indirect.gather [hbm4b:s3+s10], $0x80, s10, s10, $0xb8;
	[tilespmem:$0x11400] =	vst v63  }
0x17: {  	_ =	swait.ge [sflag:s13], $0x4000  }
0x18: {  	[sflag:s13] =	ssyncset.done $0x0  }
0x19: {  	[sflag:s13] =	ssyncadd.s32 $0xFFFFC000  }
0x1a: {  	_ =	swait.ge [sflag:s13], $0x4000  }
0x1b: {  	[sflag:s13] =	ssyncset.done $0x0  }
0x1c: {  	[sflag:s13] =	ssyncadd.s32 $0xFFFFC000  }
0x1d: {  	[hbm4b:s5+s2] =	stream.linear.scatter [tilespmem:s11], [sflag:$0x2], $0x8000, $0x38;
	[tilespmem:$0x11400] =	vst v63  }
0x1e: {  	_ = 	snop  }
0x1f: {  	[tilespmem:s15], [sflag:$0x1] =	stream.indirect.gather [hbm4b:s3+s10], $0x80, s14, s10, $0xb8;
	[tilespmem:$0x11400] =	vst v63  }
0x20: {  	_ = 	snop  }
0x21: {  	[tilespmem:s17], [sflag:$0x1] =	stream.indirect.gather [hbm4b:s3+s10], $0x80, s16, s10, $0xb8;
	[tilespmem:$0x11400] =	vst v63  }
0x22: {  	_ =	swait.ge [sflag:s13], $0x4000  }
0x23: {  	[sflag:s13] =	ssyncset.done $0x0  }
0x24: {  	[sflag:s13] =	ssyncadd.s32 $0xFFFFC000  }
0x25: {  	_ =	swait.ge [sflag:s13], $0x4000  }
0x26: {  	[sflag:s13] =	ssyncset.done $0x0  }
0x27: {  	[sflag:s13] =	ssyncadd.s32 $0xFFFFC000  }
0x28: {  	[hbm4b:s7+s2] =	stream.linear.scatter [tilespmem:s15], [sflag:$0x3], $0x8000, $0x38;
	[tilespmem:$0x11400] =	vst v63  }
0x29: {  	_ =	swait.ge [sflag:s18], $0x8000  }
0x2a: {  	[sflag:s18] =	ssyncset.done $0x0  }
0x2b: {  	s21 =	simm.s32 $0x200;
	[sflag:s18] =	ssyncadd.s32 $0xFFFF8000  }
0x2c: {  	[tilespmem:s11], [sflag:$0x1] =	stream.indirect.gather [hbm4b:s3+s10], $0x80, s21, s10, $0xb8;
	[tilespmem:$0x11400] =	vst v63  }
0x2d: {  	s29 =	simm.s32 $0x280  }
0x2e: {  	[tilespmem:s12], [sflag:$0x1] =	stream.indirect.gather [hbm4b:s3+s10], $0x80, s29, s10, $0xb8;
	[tilespmem:$0x11400] =	vst v63  }
0x2f: {  	_ =	swait.ge [sflag:s13], $0x4000  }
0x30: {  	[sflag:s13] =	ssyncset.done $0x0  }
0x31: {  	[sflag:s13] =	ssyncadd.s32 $0xFFFFC000  }
0x32: {  	_ =	swait.ge [sflag:s13], $0x4000  }
0x33: {  	[sflag:s13] =	ssyncset.done $0x0  }
0x34: {  	[sflag:s13] =	ssyncadd.s32 $0xFFFFC000  }
0x35: {  	[hbm4b:s8+s2] =	stream.linear.scatter [tilespmem:s11], [sflag:$0x2], $0x8000, $0x38;
	[tilespmem:$0x11400] =	vst v63  }
0x36: {  	_ =	swait.ge [sflag:s19], $0x8000  }
0x37: {  	[sflag:s19] =	ssyncset.done $0x0  }
0x38: {  	s30 =	simm.s32 $0x300;
	[sflag:s19] =	ssyncadd.s32 $0xFFFF8000  }
0x39: {  	[tilespmem:s15], [sflag:$0x1] =	stream.indirect.gather [hbm4b:s3+s10], $0x80, s30, s10, $0xb8;
	[tilespmem:$0x11400] =	vst v63  }
0x3a: {  	s31 =	simm.s32 $0x380  }
0x3b: {  	[tilespmem:s17], [sflag:$0x1] =	stream.indirect.gather [hbm4b:s3+s10], $0x80, s31, s10, $0xb8;
	[tilespmem:$0x11400] =	vst v63  }
0x3c: {  	_ =	swait.ge [sflag:s13], $0x4000  }
0x3d: {  	[sflag:s13] =	ssyncset.done $0x0  }
0x3e: {  	[sflag:s13] =	ssyncadd.s32 $0xFFFFC000  }
0x3f: {  	_ =	swait.ge [sflag:s13], $0x4000  }
0x40: {  	s23 =	sadd.s32 $0x1000, s8;
	[sflag:s13] =	ssyncset.done $0x0  }
0x41: {  	s22 =	sadd.s32 $0x2000, s8;
	s21 =	simm.s32 $0x800;
	[sflag:s13] =	ssyncadd.s32 $0xFFFFC000  }
.LBB2_2:
0x42: {  	[hbm4b:s23+s2] =	stream.linear.scatter [tilespmem:s15], [sflag:$0x3], $0x8000, $0x38;
	[tilespmem:$0x11400] =	vst v63  }
0x43: {  	s23 =	smov.u32 s21  }
0x44: {  	p0 =	sne.s32 s21, $0x4000;
	s21 =	sadd.s32 $0x800, s21;
	_ =	swait.ge [sflag:s18], $0x8000  }
0x45: {  	s23 =	sshra.s32 s23, $0x2;
	[sflag:s18] =	ssyncset.done $0x0  }
0x46: {  	s24 =	sadd.s32 $0x200, s23;
	[sflag:s18] =	ssyncadd.s32 $0xFFFF8000  }
0x47: {  	[tilespmem:s11], [sflag:$0x1] =	stream.indirect.gather [hbm4b:s3+s10], $0x80, s24, s10, $0xb8;
	[tilespmem:$0x11400] =	vst v63  }
0x48: {  	s24 =	sadd.s32 $0x280, s23  }
0x49: {  	[tilespmem:s12], [sflag:$0x1] =	stream.indirect.gather [hbm4b:s3+s10], $0x80, s24, s10, $0xb8;
	[tilespmem:$0x11400] =	vst v63  }
0x4a: {  	_ =	swait.ge [sflag:s13], $0x4000  }
0x4b: {  	[sflag:s13] =	ssyncset.done $0x0  }
0x4c: {  	[sflag:s13] =	ssyncadd.s32 $0xFFFFC000  }
0x4d: {  	_ =	swait.ge [sflag:s13], $0x4000  }
0x4e: {  	[sflag:s13] =	ssyncset.done $0x0  }
0x4f: {  	[sflag:s13] =	ssyncadd.s32 $0xFFFFC000  }
0x50: {  	[hbm4b:s22+s2] =	stream.linear.scatter [tilespmem:s11], [sflag:$0x2], $0x8000, $0x38;
	[tilespmem:$0x11400] =	vst v63  }
0x51: {  	_ =	swait.ge [sflag:s19], $0x8000  }
0x52: {  	[sflag:s19] =	ssyncset.done $0x0  }
0x53: {  	s24 =	sadd.s32 $0x300, s23;
	[sflag:s19] =	ssyncadd.s32 $0xFFFF8000  }
0x54: {  	[tilespmem:s15], [sflag:$0x1] =	stream.indirect.gather [hbm4b:s3+s10], $0x80, s24, s10, $0xb8;
	[tilespmem:$0x11400] =	vst v63  }
0x55: {  	s23 =	sadd.s32 $0x380, s23  }
0x56: {  	[tilespmem:s17], [sflag:$0x1] =	stream.indirect.gather [hbm4b:s3+s10], $0x80, s23, s10, $0xb8;
	[tilespmem:$0x11400] =	vst v63  }
0x57: {  	_ =	swait.ge [sflag:s13], $0x4000  }
.Ltmp0:
0x58: {  	[sflag:s13] =	ssyncset.done $0x0;
	(pc) =	sbr.rel @p0 .LBB2_2-.Ltmp0, $4  }
0x59: {  	[sflag:s13] =	ssyncadd.s32 $0xFFFFC000  }
0x5a: {  	_ =	swait.ge [sflag:s13], $0x4000  }
0x5b: {  	[sflag:s13] =	ssyncset.done $0x0  }
0x5c: {  	s23 =	sadd.s32 $0x1000, s22;
	s22 =	sadd.s32 $0x2000, s22;
	[sflag:s13] =	ssyncadd.s32 $0xFFFFC000  }
0x5d: {  	[hbm4b:s23+s2] =	stream.linear.scatter [tilespmem:s15], [sflag:$0x3], $0x8000, $0x38;
	[tilespmem:$0x11400] =	vst v63  }
0x5e: {  	s20 =	sadd.s32 $0x1, s20  }
0x5f: {  	_ =	swait.ge [sflag:s18], $0x8000;
	p0 =	sne.s32 s20, s6  }
.Ltmp1:
0x60: {  	[sflag:s18] =	ssyncset.done $0x0;
	(pc) =	sbr.rel @p0 .LBB2_1-.Ltmp1, $4  }
0x61: {  	[sflag:s18] =	ssyncadd.s32 $0xFFFF8000  }
0x62: {  	_ =	swait.ge [sflag:s19], $0x8000  }
0x63: {  	[sflag:s19] =	ssyncset.done $0x0  }
0x64: {  	[sflag:s19] =	ssyncadd.s32 $0xFFFF8000  }
0x65: {  	_ =	sfence.sel $0x180000  }
0x66: {  	[bflag:$0x0] =	sbarrier.arrive $0xFFFF  }
0x67: {  	p0 =	sne.s32 s1, $0x0;
	_ =	strace $0x9000004D  }
0x68: {  	s0 =	sadd.s32 @!p0 $0x100000, s0;
	[bflag:$0x2] =	sbarrier.arrive $0xFFFF  }
0x69: {  	[sflag:s0] =	ssyncadd.tile.s32 @!p0 $0x1;
	_ =	shalt  }
.Lfunc_end2:
_tile_overlayer_lowered:
.L_overlay_start_2:
0x6a: {  	(tag) =	ssettag $0x2  }
0x6b: {  	s0 =	rddreg [dreg:$0x0];
	s2 =	stileid.u32  }
0x6c: {  	s1 =	rddreg [dreg:$0x1];
	p0 =	sne.s32 s2, $0x0  }
0x6d: {  	s3 =	rddreg [dreg:$0x2];
	[bflag:$0x3] =	sbarrier.arrive $0xFFFF;
	s2 =	simm.s32 @!p0 $0x1C04  }
0x6e: {  	[timem:s3], [sflag:s2] =	dma.local @!p0 [hbm:s0], s1  }
0x6f: {  	s0 =	simm.s32 @!p0 $0x4  }
0x70: {  	_ =	swait.ge @!p0 [sflag:s0], s1  }
0x71: {  	s1 =	ssub.s32 @!p0 $0x0, s1;
	[sflag:s0] =	ssyncset.done @!p0 $0x0  }
0x72: {  	[sflag:s0] =	ssyncadd.s32 @!p0 s1  }
0x73: {  	[bflag:$0x3] =	sbarrier.arrive $0xFFFF  }
0x74: {  	_ =	shalt  }

</sc_bundles>
